<compile_context>
chip_gen: v7x
topology: tpu7x:2x2x1
jax: 0.10.2.dev20260603
libtpu: 0.0.44.dev20260713+nightly
codegen_flags: <defaults>
</compile_context>

<pallas_src>
import jax
import jax.numpy as jnp
from jax import lax
from jax.experimental import pallas as pl
from jax.experimental.pallas import tpu as pltpu
from jax.experimental.pallas import tpu_sc as plsc

_N = 100000
_T = 4
_E = 3200000

_NUM_CORES = 2
_NUM_SUBCORES = 16
_NUM_WORKERS = _NUM_CORES * _NUM_SUBCORES

_NPAD = 102400
_ROWS_PER_TILE = _NPAD // _NUM_SUBCORES
_EROWS = 25088
_EPAD = _EROWS * 128
_WROWS = _EROWS // _NUM_WORKERS
_KR = 8

_FLAT_ROWS = _NPAD * 4 // 128
_BLK = 320
_GRID = _FLAT_ROWS // _BLK


def _segsum_body(with_deg, *refs):
    if with_deg:
        (src_hbm, srcp_hbm, dst_hbm, x_hbm, zeros_hbm, ones_hbm,
         raw_out, deg_out,
         idx_g, idx_a, idx_b, rows, ones_v, acc, sem) = refs
    else:
        (src_hbm, dstp_hbm, x_hbm, zeros_hbm,
         raw_out,
         idx_g, idx_a, rows, acc, sem) = refs

    c = lax.axis_index("c")
    s = lax.axis_index("s")
    w = c * _NUM_SUBCORES + s
    sl = pl.ds(s * _ROWS_PER_TILE, _ROWS_PER_TILE)
    sl_hi = pl.ds(_NPAD + s * _ROWS_PER_TILE, _ROWS_PER_TILE)

    if with_deg:
        pltpu.sync_copy(zeros_hbm, acc.at[sl])
        pltpu.sync_copy(zeros_hbm, acc.at[sl_hi])
        pltpu.sync_copy(ones_hbm, ones_v)
        gather_src = x_hbm
    else:
        pltpu.sync_copy(x_hbm.at[sl], acc.at[sl])
        pltpu.sync_copy(zeros_hbm, acc.at[sl_hi])
        gather_src = acc
    plsc.subcore_barrier()

    base0 = w * _WROWS

    @pl.loop(0, _WROWS, step=_KR)
    def _(r):
        b = base0 + r
        pltpu.sync_copy(src_hbm.at[pl.ds(b, _KR)], idx_g)
        if with_deg:
            pltpu.sync_copy(dst_hbm.at[pl.ds(b, _KR)], idx_a)
            pltpu.sync_copy(srcp_hbm.at[pl.ds(b, _KR)], idx_b)
        else:
            pltpu.sync_copy(dstp_hbm.at[pl.ds(b, _KR)], idx_a)
        cps = [pltpu.async_copy(gather_src.at[idx_g.at[j]], rows.at[j], sem)
               for j in range(_KR)]
        for j in range(_KR):
            cps[j].wait()
            pltpu.sync_copy(rows.at[j], acc.at[idx_a.at[j]], add=True)
            if with_deg:
                pltpu.sync_copy(ones_v, acc.at[idx_b.at[j]], add=True)

    plsc.subcore_barrier()
    if with_deg:
        pltpu.sync_copy(acc.at[sl], raw_out.at[c, sl])
        pltpu.sync_copy(acc.at[sl_hi], deg_out.at[c, sl])
    else:
        pltpu.sync_copy(acc.at[sl_hi], raw_out.at[c, sl])


_SC_MESH = plsc.VectorSubcoreMesh(core_axis_name="c", subcore_axis_name="s")
_SC_PARAMS = pltpu.CompilerParams(use_tc_tiling_on_sc=False)
_RAW_TYPE = jax.ShapeDtypeStruct((_NUM_CORES, _NPAD, 4), jnp.float32)

_segsum_deg_kernel = pl.kernel(
    lambda *refs: _segsum_body(True, *refs),
    out_type=(_RAW_TYPE, _RAW_TYPE),
    mesh=_SC_MESH,
    compiler_params=_SC_PARAMS,
    scratch_types=[
        pltpu.VMEM((_KR, 128), jnp.int32),
        pltpu.VMEM((_KR, 128), jnp.int32),
        pltpu.VMEM((_KR, 128), jnp.int32),
        pltpu.VMEM((_KR, 128, 4), jnp.float32),
        pltpu.VMEM((128, 4), jnp.float32),
        pltpu.VMEM_SHARED((2 * _NPAD, 4), jnp.float32),
        pltpu.SemaphoreType.DMA,
    ],
)

_segsum_kernel = pl.kernel(
    lambda *refs: _segsum_body(False, *refs),
    out_type=_RAW_TYPE,
    mesh=_SC_MESH,
    compiler_params=_SC_PARAMS,
    scratch_types=[
        pltpu.VMEM((_KR, 128), jnp.int32),
        pltpu.VMEM((_KR, 128), jnp.int32),
        pltpu.VMEM((_KR, 128, 4), jnp.float32),
        pltpu.VMEM_SHARED((2 * _NPAD, 4), jnp.float32),
        pltpu.SemaphoreType.DMA,
    ],
)



def _tc_combine0_body(x_ref, da_ref, db_ref, ra_ref, rb_ref,
                      p_ref, sw_ref, nw_ref, b_ref, h_ref, ld_ref):
    p = p_ref[0, 0]
    sw = sw_ref[0, 0]
    nw = nw_ref[0, 0]
    b = b_ref[0, 0]
    ld = jnp.log(da_ref[0] + db_ref[0])
    ld_ref[...] = ld
    h_ref[...] = (sw * x_ref[...] * jnp.exp(p * ld)
                  + nw * jnp.exp((p - 1.0) * ld) * (ra_ref[0] + rb_ref[0])
                  + b)


def _tc_combine1_body(h_ref, ld_ref, ra_ref, rb_ref,
                      p_ref, sw_ref, nw_ref, b_ref, o_ref):
    p = p_ref[0, 0]
    sw = sw_ref[0, 0]
    nw = nw_ref[0, 0]
    b = b_ref[0, 0]
    ld = ld_ref[...]
    o_ref[...] = (sw * h_ref[...] * jnp.exp(p * ld)
                  + nw * jnp.exp((p - 1.0) * ld) * (ra_ref[0] + rb_ref[0])
                  + b)


def _blk_spec():
    return pl.BlockSpec((_BLK, 128), lambda i: (i, 0))


def _core_spec(core):
    return pl.BlockSpec((1, _BLK, 128), lambda i, c=core: (c, i, 0))


def _scalar_spec():
    return pl.BlockSpec((1, 1), lambda i: (0, 0))


_tc_combine0 = pl.pallas_call(
    _tc_combine0_body,
    grid=(_GRID,),
    in_specs=[_blk_spec(), _core_spec(0), _core_spec(1),
              _core_spec(0), _core_spec(1)] + [_scalar_spec()] * 4,
    out_specs=(_blk_spec(), _blk_spec()),
    out_shape=(jax.ShapeDtypeStruct((_FLAT_ROWS, 128), jnp.float32),
               jax.ShapeDtypeStruct((_FLAT_ROWS, 128), jnp.float32)),
)

_tc_combine1 = pl.pallas_call(
    _tc_combine1_body,
    grid=(_GRID,),
    in_specs=[_blk_spec(), _blk_spec(), _core_spec(0), _core_spec(1)]
             + [_scalar_spec()] * 4,
    out_specs=_blk_spec(),
    out_shape=jax.ShapeDtypeStruct((_FLAT_ROWS, 128), jnp.float32),
)

def kernel(x, edge_index, transpose, with_bias,
           alpha1_0, gamma_0, bias_0, alpha1_1, gamma_1, bias_1):
    f32 = jnp.float32

    def _params(alpha1, gamma, bias):
        p = jax.nn.sigmoid(gamma).astype(f32).reshape(())
        sw = jnp.exp(alpha1).astype(f32).reshape(())
        nw = sw * jnp.tanh(alpha1).astype(f32).reshape(())
        b = jnp.where(with_bias, bias, jnp.zeros_like(bias)).astype(f32).reshape(())
        rows = jnp.stack([p, p - 1.0, sw, nw, b,
                          jnp.zeros((), f32), jnp.zeros((), f32),
                          jnp.zeros((), f32)])
        return jnp.broadcast_to(rows[:, None], (8, 16))

    scal0 = _params(alpha1_0, gamma_0, bias_0)
    scal1 = _params(alpha1_1, gamma_1, bias_1)

    x_rows = jnp.zeros((_NPAD, 4), f32).at[:_N].set(x.T)

    pad_idx = _N + (jnp.arange(_EPAD - _E, dtype=jnp.int32) % (_NPAD - _N))
    src = jnp.concatenate([edge_index[0], pad_idx]).reshape(_EROWS, 128)
    dst = jnp.concatenate([edge_index[1], pad_idx]).reshape(_EROWS, 128)

    zeros_hbm = jnp.zeros((_ROWS_PER_TILE, 4), f32)
    ones_hbm = jnp.ones((128, 4), f32)

    src_p = src + _NPAD
    dst_p = dst + _NPAD

    raw0, degp = _segsum_deg_kernel(src, src_p, dst, x_rows,
                                    zeros_hbm, ones_hbm)

    flat3 = lambda a: a.reshape(2, _FLAT_ROWS, 128)
    p0v, sw0v, nw0v, b0v = (scal0[i, :1].reshape(1, 1) for i in (0, 2, 3, 4))
    p1v, sw1v, nw1v, b1v = (scal1[i, :1].reshape(1, 1) for i in (0, 2, 3, 4))

    h1_flat, ld = _tc_combine0(x_rows.reshape(_FLAT_ROWS, 128),
                               flat3(degp), flat3(degp),
                               flat3(raw0), flat3(raw0),
                               p0v, sw0v, nw0v, b0v)

    raw1 = _segsum_kernel(src, dst_p, h1_flat.reshape(_NPAD, 4), zeros_hbm)

    h2 = _tc_combine1(h1_flat, ld, flat3(raw1), flat3(raw1),
                      p1v, sw1v, nw1v, b1v)

    return h2.reshape(_NPAD, 4)[:_N].T

# --- scband reference (transcript-rebuilt; emitter-appended) ---
"""Pipeline reference for scband-joint-dgmrf-53893249630423 (READ-ONLY COPY).

The authoritative reference and input builder live on the scoring server;
editing this copy changes nothing except your own understanding.
"""

import jax, jax.numpy as jnp
import numpy as np

N = 100000
E = 3200000
T = 4
N_LAYERS = 2


def setup_inputs(seed: int = 0) -> dict:
    key = jax.random.key(seed)
    ks = jax.random.split(key, 2 + 3 * N_LAYERS)
    x = jax.random.normal(ks[0], (T, N), dtype=jnp.float32)
    edge_index = jax.random.randint(ks[1], (2, E), 0, N, dtype=jnp.int32)
    inp = {"x": x, "edge_index": edge_index, "transpose": False, "with_bias": True}
    # Per-layer learned parameters, shared='all' -> shape (1, 1), init U(-1, 1)
    for i in range(N_LAYERS):
        inp[f"alpha1_{i}"] = 2.0 * jax.random.uniform(ks[2 + 3 * i], (1, 1), dtype=jnp.float32) - 1.0
        inp[f"gamma_{i}"] = 2.0 * jax.random.uniform(ks[3 + 3 * i], (1, 1), dtype=jnp.float32) - 1.0
        inp[f"bias_{i}"] = 2.0 * jax.random.uniform(ks[4 + 3 * i], (1, 1), dtype=jnp.float32) - 1.0
    return inp


def _layer_forward(x, edge_index, log_degrees, alpha1, gamma, bias, transpose, with_bias):
    # degree_power = sigmoid(gamma) since fix_gamma=False
    degree_power = jax.nn.sigmoid(gamma)
    self_weight = jnp.exp(alpha1)
    # NOTE: faithful to original code, where the alpha2 property returns alpha1_param
    # for shared != 'dynamics', so tanh(alpha1) is used.
    neighbor_weight = self_weight * jnp.tanh(alpha1)
    # weight_self_representation: x * D^{degree_power}
    weighted_repr = x * jnp.exp(degree_power * log_degrees)
    src = edge_index[0]
    dst = edge_index[1]
    edge_log_deg = jnp.where(transpose, log_degrees[:, src], log_degrees[:, dst])
    edge_weights = jnp.exp((degree_power - 1.0) * edge_log_deg)  # [1, E]
    messages = x[:, src] * edge_weights  # [T, E] gather
    agg = jnp.zeros_like(x).at[:, dst].add(messages)  # [T, N] scatter-add
    out = self_weight * weighted_repr + neighbor_weight * agg
    out = out + jnp.where(with_bias, bias, jnp.zeros_like(bias))
    return out


def reference(x, edge_index, transpose, with_bias, alpha1_0, gamma_0, bias_0, alpha1_1, gamma_1, bias_1):
    # degrees of source nodes (ptg.utils.degree(edge_index[0], num_nodes))
    degrees = jnp.bincount(edge_index[0], length=N).astype(jnp.float32)
    log_degrees = jnp.log(degrees)[None, :]  # [1, N]
    layer_params = [(alpha1_0, gamma_0, bias_0), (alpha1_1, gamma_1, bias_1)]
    layer_ids = list(range(N_LAYERS))
    h = x
    for i in layer_ids:
        alpha1_i, gamma_i, bias_i = layer_params[i]
        h = _layer_forward(h, edge_index, log_degrees, alpha1_i, gamma_i, bias_i, transpose, with_bias)
    return h

if __name__ == "__main__":
    import jax
    _d = setup_inputs()
    print(jax.jit(kernel)(*tuple(_d.values())))

</pallas_src>

<mosaic_0001>
#map = affine_map<(d0, d1) -> (0, 0)>
#map1 = affine_map<(d0, d1) -> (0, 0, 0)>
module attributes {stable_mosaic.version = 14 : i64} {
  func.func @_lambda_(%arg0: i32, %arg1: i32, %arg2: memref<25088x128xi32, #tpu.memory_space<hbm>>, %arg3: memref<25088x128xi32, #tpu.memory_space<hbm>>, %arg4: memref<25088x128xi32, #tpu.memory_space<hbm>>, %arg5: memref<102400x4xf32, #tpu.memory_space<hbm>>, %arg6: memref<6400x4xf32, #tpu.memory_space<hbm>>, %arg7: memref<128x4xf32, #tpu.memory_space<hbm>>, %arg8: memref<2x102400x4xf32, #tpu.memory_space<hbm>>, %arg9: memref<2x102400x4xf32, #tpu.memory_space<hbm>>, %arg10: memref<8x128xi32, #tpu.memory_space<vmem>>, %arg11: memref<8x128xi32, #tpu.memory_space<vmem>>, %arg12: memref<8x128xi32, #tpu.memory_space<vmem>>, %arg13: memref<8x128x4xf32, #tpu.memory_space<vmem>>, %arg14: memref<128x4xf32, #tpu.memory_space<vmem>>, %arg15: memref<204800x4xf32, #tpu.memory_space<vmem_shared>>, %arg16: memref<!tpu.dma_semaphore, #tpu.memory_space<semaphore_mem>>) attributes {dimension_semantics = [#tpu.dimension_semantics<core_parallel>, #tpu.dimension_semantics<subcore_parallel>], iteration_bounds = array<i64: 2, 16>, scalar_prefetch = 0 : i64, scratch_operands = 7 : i64, tpu.core_type = #tpu.core_type<sc_vector_subcore>, window_params = [{transform_indices = #map}, {transform_indices = #map}, {transform_indices = #map}, {transform_indices = #map}, {transform_indices = #map}, {transform_indices = #map}, {transform_indices = #map1}, {transform_indices = #map1}]} {
    %mul3A = arith.constant 16 : i32
    %mul3A_0 = arith.muli %arg0, %mul3A : i32
    %add3A = arith.addi %mul3A_0, %arg1 : i32
    %mul3A_1 = arith.constant 6400 : i32
    %mul3A_2 = arith.muli %arg1, %mul3A_1 : i32
    %mul3A_3 = arith.constant 6400 : i32
    %mul3A_4 = arith.muli %arg1, %mul3A_3 : i32
    %add3A_5 = arith.constant 102400 : i32
    %add3A_6 = arith.addi %add3A_5, %mul3A_4 : i32
    "tpu.region"() ({
      %run_scoped3A = tpu.sem_alloc : memref<!tpu.dma_semaphore, #tpu.memory_space<semaphore_mem>>
      %dma_start3A = arith.constant 0 : i32
      %dma_start3A_14 = tpu.memref_slice %arg15[%mul3A_2, %dma_start3A] : memref<204800x4xf32, #tpu.memory_space<vmem_shared>> -> memref<6400x4xf32, #tpu.memory_space<vmem_shared>>
      tpu.enqueue_dma source(%arg6 : memref<6400x4xf32, #tpu.memory_space<hbm>>) target(%dma_start3A_14 : memref<6400x4xf32, #tpu.memory_space<vmem_shared>>) target_semaphore(%run_scoped3A : memref<!tpu.dma_semaphore, #tpu.memory_space<semaphore_mem>>)
      %dma_wait3A = arith.constant 0 : i32
      %dma_wait3A_15 = tpu.memref_slice %arg15[%mul3A_2, %dma_wait3A] : memref<204800x4xf32, #tpu.memory_space<vmem_shared>> -> memref<6400x4xf32, #tpu.memory_space<vmem_shared>>
      tpu.wait_dma2 semaphore(%run_scoped3A : memref<!tpu.dma_semaphore, #tpu.memory_space<semaphore_mem>>) src(%arg6 : memref<6400x4xf32, #tpu.memory_space<hbm>>) dst(%dma_wait3A_15 : memref<6400x4xf32, #tpu.memory_space<vmem_shared>>)
      tpu.yield
    }) : () -> ()
    "tpu.region"() ({
      %run_scoped3A = tpu.sem_alloc : memref<!tpu.dma_semaphore, #tpu.memory_space<semaphore_mem>>
      %dma_start3A = arith.constant 0 : i32
      %dma_start3A_14 = tpu.memref_slice %arg15[%add3A_6, %dma_start3A] : memref<204800x4xf32, #tpu.memory_space<vmem_shared>> -> memref<6400x4xf32, #tpu.memory_space<vmem_shared>>
      tpu.enqueue_dma source(%arg6 : memref<6400x4xf32, #tpu.memory_space<hbm>>) target(%dma_start3A_14 : memref<6400x4xf32, #tpu.memory_space<vmem_shared>>) target_semaphore(%run_scoped3A : memref<!tpu.dma_semaphore, #tpu.memory_space<semaphore_mem>>)
      %dma_wait3A = arith.constant 0 : i32
      %dma_wait3A_15 = tpu.memref_slice %arg15[%add3A_6, %dma_wait3A] : memref<204800x4xf32, #tpu.memory_space<vmem_shared>> -> memref<6400x4xf32, #tpu.memory_space<vmem_shared>>
      tpu.wait_dma2 semaphore(%run_scoped3A : memref<!tpu.dma_semaphore, #tpu.memory_space<semaphore_mem>>) src(%arg6 : memref<6400x4xf32, #tpu.memory_space<hbm>>) dst(%dma_wait3A_15 : memref<6400x4xf32, #tpu.memory_space<vmem_shared>>)
      tpu.yield
    }) : () -> ()
    "tpu.region"() ({
      %run_scoped3A = tpu.sem_alloc : memref<!tpu.dma_semaphore, #tpu.memory_space<semaphore_mem>>
      tpu.enqueue_dma source(%arg7 : memref<128x4xf32, #tpu.memory_space<hbm>>) target(%arg14 : memref<128x4xf32, #tpu.memory_space<vmem>>) target_semaphore(%run_scoped3A : memref<!tpu.dma_semaphore, #tpu.memory_space<semaphore_mem>>)
      tpu.wait_dma2 semaphore(%run_scoped3A : memref<!tpu.dma_semaphore, #tpu.memory_space<semaphore_mem>>) src(%arg7 : memref<128x4xf32, #tpu.memory_space<hbm>>) dst(%arg14 : memref<128x4xf32, #tpu.memory_space<vmem>>)
      tpu.yield
    }) : () -> ()
    %barrier3A = arith.constant 0 : index
    tpu.barrier barrier_id(%barrier3A)
    %mul3A_7 = arith.constant 784 : i32
    %mul3A_8 = arith.muli %add3A, %mul3A_7 : i32
    %scan3A = arith.constant 0 : i32
    %scan3A_9 = arith.constant 98 : i32
    %scan3A_10 = arith.addi %scan3A, %scan3A_9 : i32
    %scan3A_11 = arith.constant 1 : i32
    scf.for %scan3A_14 = %scan3A to %scan3A_10 step %scan3A_11  : i32 {
      %mul3A_15 = arith.constant 8 : i32
      %mul3A_16 = arith.muli %scan3A_14, %mul3A_15 : i32
      %add3A_17 = arith.constant 0 : i32
      %add3A_18 = arith.addi %add3A_17, %mul3A_16 : i32
      %add3A_19 = arith.addi %mul3A_8, %add3A_18 : i32
      "tpu.region"() ({
        %run_scoped3A_233 = tpu.sem_alloc : memref<!tpu.dma_semaphore, #tpu.memory_space<semaphore_mem>>
        %dma_start3A_234 = arith.constant 0 : i32
        %dma_start3A_235 = tpu.memref_slice %arg2[%add3A_19, %dma_start3A_234] : memref<25088x128xi32, #tpu.memory_space<hbm>> -> memref<8x128xi32, #tpu.memory_space<hbm>>
        %dma_start3A_236 = arith.constant 0 : i32
        %dma_start3A_237 = tpu.memref_slice %arg2[%add3A_19, %dma_start3A_236] : memref<25088x128xi32, #tpu.memory_space<hbm>> -> memref<8x128xi32, #tpu.memory_space<hbm>>
        tpu.enqueue_dma source(%dma_start3A_237 : memref<8x128xi32, #tpu.memory_space<hbm>>) target(%arg10 : memref<8x128xi32, #tpu.memory_space<vmem>>) target_semaphore(%run_scoped3A_233 : memref<!tpu.dma_semaphore, #tpu.memory_space<semaphore_mem>>)
        %dma_wait3A_238 = arith.constant 0 : i32
        %dma_wait3A_239 = tpu.memref_slice %arg2[%add3A_19, %dma_wait3A_238] : memref<25088x128xi32, #tpu.memory_space<hbm>> -> memref<8x128xi32, #tpu.memory_space<hbm>>
        %dma_wait3A_240 = arith.constant 0 : i32
        %dma_wait3A_241 = tpu.memref_slice %arg2[%add3A_19, %dma_wait3A_240] : memref<25088x128xi32, #tpu.memory_space<hbm>> -> memref<8x128xi32, #tpu.memory_space<hbm>>
        tpu.wait_dma2 semaphore(%run_scoped3A_233 : memref<!tpu.dma_semaphore, #tpu.memory_space<semaphore_mem>>) src(%dma_wait3A_241 : memref<8x128xi32, #tpu.memory_space<hbm>>) dst(%arg10 : memref<8x128xi32, #tpu.memory_space<vmem>>)
        tpu.yield
      }) : () -> ()
      "tpu.region"() ({
        %run_scoped3A_233 = tpu.sem_alloc : memref<!tpu.dma_semaphore, #tpu.memory_space<semaphore_mem>>
        %dma_start3A_234 = arith.constant 0 : i32
        %dma_start3A_235 = tpu.memref_slice %arg4[%add3A_19, %dma_start3A_234] : memref<25088x128xi32, #tpu.memory_space<hbm>> -> memref<8x128xi32, #tpu.memory_space<hbm>>
        %dma_start3A_236 = arith.constant 0 : i32
        %dma_start3A_237 = tpu.memref_slice %arg4[%add3A_19, %dma_start3A_236] : memref<25088x128xi32, #tpu.memory_space<hbm>> -> memref<8x128xi32, #tpu.memory_space<hbm>>
        tpu.enqueue_dma source(%dma_start3A_237 : memref<8x128xi32, #tpu.memory_space<hbm>>) target(%arg11 : memref<8x128xi32, #tpu.memory_space<vmem>>) target_semaphore(%run_scoped3A_233 : memref<!tpu.dma_semaphore, #tpu.memory_space<semaphore_mem>>)
        %dma_wait3A_238 = arith.constant 0 : i32
        %dma_wait3A_239 = tpu.memref_slice %arg4[%add3A_19, %dma_wait3A_238] : memref<25088x128xi32, #tpu.memory_space<hbm>> -> memref<8x128xi32, #tpu.memory_space<hbm>>
        %dma_wait3A_240 = arith.constant 0 : i32
        %dma_wait3A_241 = tpu.memref_slice %arg4[%add3A_19, %dma_wait3A_240] : memref<25088x128xi32, #tpu.memory_space<hbm>> -> memref<8x128xi32, #tpu.memory_space<hbm>>
        tpu.wait_dma2 semaphore(%run_scoped3A_233 : memref<!tpu.dma_semaphore, #tpu.memory_space<semaphore_mem>>) src(%dma_wait3A_241 : memref<8x128xi32, #tpu.memory_space<hbm>>) dst(%arg11 : memref<8x128xi32, #tpu.memory_space<vmem>>)
        tpu.yield
      }) : () -> ()
      "tpu.region"() ({
        %run_scoped3A_233 = tpu.sem_alloc : memref<!tpu.dma_semaphore, #tpu.memory_space<semaphore_mem>>
        %dma_start3A_234 = arith.constant 0 : i32
        %dma_start3A_235 = tpu.memref_slice %arg3[%add3A_19, %dma_start3A_234] : memref<25088x128xi32, #tpu.memory_space<hbm>> -> memref<8x128xi32, #tpu.memory_space<hbm>>
        %dma_start3A_236 = arith.constant 0 : i32
        %dma_start3A_237 = tpu.memref_slice %arg3[%add3A_19, %dma_start3A_236] : memref<25088x128xi32, #tpu.memory_space<hbm>> -> memref<8x128xi32, #tpu.memory_space<hbm>>
        tpu.enqueue_dma source(%dma_start3A_237 : memref<8x128xi32, #tpu.memory_space<hbm>>) target(%arg12 : memref<8x128xi32, #tpu.memory_space<vmem>>) target_semaphore(%run_scoped3A_233 : memref<!tpu.dma_semaphore, #tpu.memory_space<semaphore_mem>>)
        %dma_wait3A_238 = arith.constant 0 : i32
        %dma_wait3A_239 = tpu.memref_slice %arg3[%add3A_19, %dma_wait3A_238] : memref<25088x128xi32, #tpu.memory_space<hbm>> -> memref<8x128xi32, #tpu.memory_space<hbm>>
        %dma_wait3A_240 = arith.constant 0 : i32
        %dma_wait3A_241 = tpu.memref_slice %arg3[%add3A_19, %dma_wait3A_240] : memref<25088x128xi32, #tpu.memory_space<hbm>> -> memref<8x128xi32, #tpu.memory_space<hbm>>
        tpu.wait_dma2 semaphore(%run_scoped3A_233 : memref<!tpu.dma_semaphore, #tpu.memory_space<semaphore_mem>>) src(%dma_wait3A_241 : memref<8x128xi32, #tpu.memory_space<hbm>>) dst(%arg12 : memref<8x128xi32, #tpu.memory_space<vmem>>)
        tpu.yield
      }) : () -> ()
      %dma_start3A = arith.constant 0 : i32
      %dma_start3A_20 = arith.constant 0 : i32
      %dma_start3A_21 = arith.constant 0 : i32
      %dma_start3A_22 = arith.constant 0 : i32
      %dma_start3A_23 = tpu.memref_slice %arg13[%dma_start3A_20, %dma_start3A_21, %dma_start3A_22] : memref<8x128x4xf32, #tpu.memory_space<vmem>> -> memref<1x128x4xf32, #tpu.memory_space<vmem>>
      %dma_start3A_24 = tpu.memref_squeeze %dma_start3A_23 : memref<1x128x4xf32, #tpu.memory_space<vmem>> -> memref<128x4xf32, #tpu.memory_space<vmem>>
      %dma_start3A_25 = arith.constant 0 : i32
      %dma_start3A_26 = tpu.memref_slice %arg10[%dma_start3A, %dma_start3A_25] : memref<8x128xi32, #tpu.memory_space<vmem>> -> memref<1x128xi32, #tpu.memory_space<vmem>>
      %dma_start3A_27 = tpu.memref_squeeze %dma_start3A_26 : memref<1x128xi32, #tpu.memory_space<vmem>> -> memref<128xi32, #tpu.memory_space<vmem>>
      %dma_start3A_28 = arith.constant 0 : i32
      %dma_start3A_29 = arith.constant 0 : i32
      %dma_start3A_30 = tpu.memref_slice %arg5[%dma_start3A_28, %dma_start3A_29] : memref<102400x4xf32, #tpu.memory_space<hbm>> -> memref<102400x4xf32, #tpu.memory_space<hbm>>
      tpu.enqueue_indirect_dma source(%dma_start3A_30 : memref<102400x4xf32, #tpu.memory_space<hbm>>) target(%dma_start3A_24 : memref<128x4xf32, #tpu.memory_space<vmem>>) offsets(%dma_start3A_27 : memref<128xi32, #tpu.memory_space<vmem>>) semaphore(%arg16 : memref<!tpu.dma_semaphore, #tpu.memory_space<semaphore_mem>>)
      %dma_start3A_31 = arith.constant 1 : i32
      %dma_start3A_32 = arith.constant 1 : i32
      %dma_start3A_33 = arith.constant 0 : i32
      %dma_start3A_34 = arith.constant 0 : i32
      %dma_start3A_35 = tpu.memref_slice %arg13[%dma_start3A_32, %dma_start3A_33, %dma_start3A_34] : memref<8x128x4xf32, #tpu.memory_space<vmem>> -> memref<1x128x4xf32, #tpu.memory_space<vmem>>
      %dma_start3A_36 = tpu.memref_squeeze %dma_start3A_35 : memref<1x128x4xf32, #tpu.memory_space<vmem>> -> memref<128x4xf32, #tpu.memory_space<vmem>>
      %dma_start3A_37 = arith.constant 0 : i32
      %dma_start3A_38 = tpu.memref_slice %arg10[%dma_start3A_31, %dma_start3A_37] : memref<8x128xi32, #tpu.memory_space<vmem>> -> memref<1x128xi32, #tpu.memory_space<vmem>>
      %dma_start3A_39 = tpu.memref_squeeze %dma_start3A_38 : memref<1x128xi32, #tpu.memory_space<vmem>> -> memref<128xi32, #tpu.memory_space<vmem>>
      %dma_start3A_40 = arith.constant 0 : i32
      %dma_start3A_41 = arith.constant 0 : i32
      %dma_start3A_42 = tpu.memref_slice %arg5[%dma_start3A_40, %dma_start3A_41] : memref<102400x4xf32, #tpu.memory_space<hbm>> -> memref<102400x4xf32, #tpu.memory_space<hbm>>
      tpu.enqueue_indirect_dma source(%dma_start3A_42 : memref<102400x4xf32, #tpu.memory_space<hbm>>) target(%dma_start3A_36 : memref<128x4xf32, #tpu.memory_space<vmem>>) offsets(%dma_start3A_39 : memref<128xi32, #tpu.memory_space<vmem>>) semaphore(%arg16 : memref<!tpu.dma_semaphore, #tpu.memory_space<semaphore_mem>>)
      %dma_start3A_43 = arith.constant 2 : i32
      %dma_start3A_44 = arith.constant 2 : i32
      %dma_start3A_45 = arith.constant 0 : i32
      %dma_start3A_46 = arith.constant 0 : i32
      %dma_start3A_47 = tpu.memref_slice %arg13[%dma_start3A_44, %dma_start3A_45, %dma_start3A_46] : memref<8x128x4xf32, #tpu.memory_space<vmem>> -> memref<1x128x4xf32, #tpu.memory_space<vmem>>
      %dma_start3A_48 = tpu.memref_squeeze %dma_start3A_47 : memref<1x128x4xf32, #tpu.memory_space<vmem>> -> memref<128x4xf32, #tpu.memory_space<vmem>>
      %dma_start3A_49 = arith.constant 0 : i32
      %dma_start3A_50 = tpu.memref_slice %arg10[%dma_start3A_43, %dma_start3A_49] : memref<8x128xi32, #tpu.memory_space<vmem>> -> memref<1x128xi32, #tpu.memory_space<vmem>>
      %dma_start3A_51 = tpu.memref_squeeze %dma_start3A_50 : memref<1x128xi32, #tpu.memory_space<vmem>> -> memref<128xi32, #tpu.memory_space<vmem>>
      %dma_start3A_52 = arith.constant 0 : i32
      %dma_start3A_53 = arith.constant 0 : i32
      %dma_start3A_54 = tpu.memref_slice %arg5[%dma_start3A_52, %dma_start3A_53] : memref<102400x4xf32, #tpu.memory_space<hbm>> -> memref<102400x4xf32, #tpu.memory_space<hbm>>
      tpu.enqueue_indirect_dma source(%dma_start3A_54 : memref<102400x4xf32, #tpu.memory_space<hbm>>) target(%dma_start3A_48 : memref<128x4xf32, #tpu.memory_space<vmem>>) offsets(%dma_start3A_51 : memref<128xi32, #tpu.memory_space<vmem>>) semaphore(%arg16 : memref<!tpu.dma_semaphore, #tpu.memory_space<semaphore_mem>>)
      %dma_start3A_55 = arith.constant 3 : i32
      %dma_start3A_56 = arith.constant 3 : i32
      %dma_start3A_57 = arith.constant 0 : i32
      %dma_start3A_58 = arith.constant 0 : i32
      %dma_start3A_59 = tpu.memref_slice %arg13[%dma_start3A_56, %dma_start3A_57, %dma_start3A_58] : memref<8x128x4xf32, #tpu.memory_space<vmem>> -> memref<1x128x4xf32, #tpu.memory_space<vmem>>
      %dma_start3A_60 = tpu.memref_squeeze %dma_start3A_59 : memref<1x128x4xf32, #tpu.memory_space<vmem>> -> memref<128x4xf32, #tpu.memory_space<vmem>>
      %dma_start3A_61 = arith.constant 0 : i32
      %dma_start3A_62 = tpu.memref_slice %arg10[%dma_start3A_55, %dma_start3A_61] : memref<8x128xi32, #tpu.memory_space<vmem>> -> memref<1x128xi32, #tpu.memory_space<vmem>>
      %dma_start3A_63 = tpu.memref_squeeze %dma_start3A_62 : memref<1x128xi32, #tpu.memory_space<vmem>> -> memref<128xi32, #tpu.memory_space<vmem>>
      %dma_start3A_64 = arith.constant 0 : i32
      %dma_start3A_65 = arith.constant 0 : i32
      %dma_start3A_66 = tpu.memref_slice %arg5[%dma_start3A_64, %dma_start3A_65] : memref<102400x4xf32, #tpu.memory_space<hbm>> -> memref<102400x4xf32, #tpu.memory_space<hbm>>
      tpu.enqueue_indirect_dma source(%dma_start3A_66 : memref<102400x4xf32, #tpu.memory_space<hbm>>) target(%dma_start3A_60 : memref<128x4xf32, #tpu.memory_space<vmem>>) offsets(%dma_start3A_63 : memref<128xi32, #tpu.memory_space<vmem>>) semaphore(%arg16 : memref<!tpu.dma_semaphore, #tpu.memory_space<semaphore_mem>>)
      %dma_start3A_67 = arith.constant 4 : i32
      %dma_start3A_68 = arith.constant 4 : i32
      %dma_start3A_69 = arith.constant 0 : i32
      %dma_start3A_70 = arith.constant 0 : i32
      %dma_start3A_71 = tpu.memref_slice %arg13[%dma_start3A_68, %dma_start3A_69, %dma_start3A_70] : memref<8x128x4xf32, #tpu.memory_space<vmem>> -> memref<1x128x4xf32, #tpu.memory_space<vmem>>
      %dma_start3A_72 = tpu.memref_squeeze %dma_start3A_71 : memref<1x128x4xf32, #tpu.memory_space<vmem>> -> memref<128x4xf32, #tpu.memory_space<vmem>>
      %dma_start3A_73 = arith.constant 0 : i32
      %dma_start3A_74 = tpu.memref_slice %arg10[%dma_start3A_67, %dma_start3A_73] : memref<8x128xi32, #tpu.memory_space<vmem>> -> memref<1x128xi32, #tpu.memory_space<vmem>>
      %dma_start3A_75 = tpu.memref_squeeze %dma_start3A_74 : memref<1x128xi32, #tpu.memory_space<vmem>> -> memref<128xi32, #tpu.memory_space<vmem>>
      %dma_start3A_76 = arith.constant 0 : i32
      %dma_start3A_77 = arith.constant 0 : i32
      %dma_start3A_78 = tpu.memref_slice %arg5[%dma_start3A_76, %dma_start3A_77] : memref<102400x4xf32, #tpu.memory_space<hbm>> -> memref<102400x4xf32, #tpu.memory_space<hbm>>
      tpu.enqueue_indirect_dma source(%dma_start3A_78 : memref<102400x4xf32, #tpu.memory_space<hbm>>) target(%dma_start3A_72 : memref<128x4xf32, #tpu.memory_space<vmem>>) offsets(%dma_start3A_75 : memref<128xi32, #tpu.memory_space<vmem>>) semaphore(%arg16 : memref<!tpu.dma_semaphore, #tpu.memory_space<semaphore_mem>>)
      %dma_start3A_79 = arith.constant 5 : i32
      %dma_start3A_80 = arith.constant 5 : i32
      %dma_start3A_81 = arith.constant 0 : i32
      %dma_start3A_82 = arith.constant 0 : i32
      %dma_start3A_83 = tpu.memref_slice %arg13[%dma_start3A_80, %dma_start3A_81, %dma_start3A_82] : memref<8x128x4xf32, #tpu.memory_space<vmem>> -> memref<1x128x4xf32, #tpu.memory_space<vmem>>
      %dma_start3A_84 = tpu.memref_squeeze %dma_start3A_83 : memref<1x128x4xf32, #tpu.memory_space<vmem>> -> memref<128x4xf32, #tpu.memory_space<vmem>>
      %dma_start3A_85 = arith.constant 0 : i32
      %dma_start3A_86 = tpu.memref_slice %arg10[%dma_start3A_79, %dma_start3A_85] : memref<8x128xi32, #tpu.memory_space<vmem>> -> memref<1x128xi32, #tpu.memory_space<vmem>>
      %dma_start3A_87 = tpu.memref_squeeze %dma_start3A_86 : memref<1x128xi32, #tpu.memory_space<vmem>> -> memref<128xi32, #tpu.memory_space<vmem>>
      %dma_start3A_88 = arith.constant 0 : i32
      %dma_start3A_89 = arith.constant 0 : i32
      %dma_start3A_90 = tpu.memref_slice %arg5[%dma_start3A_88, %dma_start3A_89] : memref<102400x4xf32, #tpu.memory_space<hbm>> -> memref<102400x4xf32, #tpu.memory_space<hbm>>
      tpu.enqueue_indirect_dma source(%dma_start3A_90 : memref<102400x4xf32, #tpu.memory_space<hbm>>) target(%dma_start3A_84 : memref<128x4xf32, #tpu.memory_space<vmem>>) offsets(%dma_start3A_87 : memref<128xi32, #tpu.memory_space<vmem>>) semaphore(%arg16 : memref<!tpu.dma_semaphore, #tpu.memory_space<semaphore_mem>>)
      %dma_start3A_91 = arith.constant 6 : i32
      %dma_start3A_92 = arith.constant 6 : i32
      %dma_start3A_93 = arith.constant 0 : i32
      %dma_start3A_94 = arith.constant 0 : i32
      %dma_start3A_95 = tpu.memref_slice %arg13[%dma_start3A_92, %dma_start3A_93, %dma_start3A_94] : memref<8x128x4xf32, #tpu.memory_space<vmem>> -> memref<1x128x4xf32, #tpu.memory_space<vmem>>
      %dma_start3A_96 = tpu.memref_squeeze %dma_start3A_95 : memref<1x128x4xf32, #tpu.memory_space<vmem>> -> memref<128x4xf32, #tpu.memory_space<vmem>>
      %dma_start3A_97 = arith.constant 0 : i32
      %dma_start3A_98 = tpu.memref_slice %arg10[%dma_start3A_91, %dma_start3A_97] : memref<8x128xi32, #tpu.memory_space<vmem>> -> memref<1x128xi32, #tpu.memory_space<vmem>>
      %dma_start3A_99 = tpu.memref_squeeze %dma_start3A_98 : memref<1x128xi32, #tpu.memory_space<vmem>> -> memref<128xi32, #tpu.memory_space<vmem>>
      %dma_start3A_100 = arith.constant 0 : i32
      %dma_start3A_101 = arith.constant 0 : i32
      %dma_start3A_102 = tpu.memref_slice %arg5[%dma_start3A_100, %dma_start3A_101] : memref<102400x4xf32, #tpu.memory_space<hbm>> -> memref<102400x4xf32, #tpu.memory_space<hbm>>
      tpu.enqueue_indirect_dma source(%dma_start3A_102 : memref<102400x4xf32, #tpu.memory_space<hbm>>) target(%dma_start3A_96 : memref<128x4xf32, #tpu.memory_space<vmem>>) offsets(%dma_start3A_99 : memref<128xi32, #tpu.memory_space<vmem>>) semaphore(%arg16 : memref<!tpu.dma_semaphore, #tpu.memory_space<semaphore_mem>>)
      %dma_start3A_103 = arith.constant 7 : i32
      %dma_start3A_104 = arith.constant 7 : i32
      %dma_start3A_105 = arith.constant 0 : i32
      %dma_start3A_106 = arith.constant 0 : i32
      %dma_start3A_107 = tpu.memref_slice %arg13[%dma_start3A_104, %dma_start3A_105, %dma_start3A_106] : memref<8x128x4xf32, #tpu.memory_space<vmem>> -> memref<1x128x4xf32, #tpu.memory_space<vmem>>
      %dma_start3A_108 = tpu.memref_squeeze %dma_start3A_107 : memref<1x128x4xf32, #tpu.memory_space<vmem>> -> memref<128x4xf32, #tpu.memory_space<vmem>>
      %dma_start3A_109 = arith.constant 0 : i32
      %dma_start3A_110 = tpu.memref_slice %arg10[%dma_start3A_103, %dma_start3A_109] : memref<8x128xi32, #tpu.memory_space<vmem>> -> memref<1x128xi32, #tpu.memory_space<vmem>>
      %dma_start3A_111 = tpu.memref_squeeze %dma_start3A_110 : memref<1x128xi32, #tpu.memory_space<vmem>> -> memref<128xi32, #tpu.memory_space<vmem>>
      %dma_start3A_112 = arith.constant 0 : i32
      %dma_start3A_113 = arith.constant 0 : i32
      %dma_start3A_114 = tpu.memref_slice %arg5[%dma_start3A_112, %dma_start3A_113] : memref<102400x4xf32, #tpu.memory_space<hbm>> -> memref<102400x4xf32, #tpu.memory_space<hbm>>
      tpu.enqueue_indirect_dma source(%dma_start3A_114 : memref<102400x4xf32, #tpu.memory_space<hbm>>) target(%dma_start3A_108 : memref<128x4xf32, #tpu.memory_space<vmem>>) offsets(%dma_start3A_111 : memref<128xi32, #tpu.memory_space<vmem>>) semaphore(%arg16 : memref<!tpu.dma_semaphore, #tpu.memory_space<semaphore_mem>>)
      %dma_wait3A = arith.constant 0 : i32
      %dma_wait3A_115 = arith.constant 0 : i32
      %dma_wait3A_116 = arith.constant 0 : i32
      %dma_wait3A_117 = arith.constant 0 : i32
      %dma_wait3A_118 = tpu.memref_slice %arg13[%dma_wait3A_115, %dma_wait3A_116, %dma_wait3A_117] : memref<8x128x4xf32, #tpu.memory_space<vmem>> -> memref<1x128x4xf32, #tpu.memory_space<vmem>>
      %dma_wait3A_119 = tpu.memref_squeeze %dma_wait3A_118 : memref<1x128x4xf32, #tpu.memory_space<vmem>> -> memref<128x4xf32, #tpu.memory_space<vmem>>
      %dma_wait3A_120 = arith.constant 0 : i32
      %dma_wait3A_121 = tpu.memref_slice %arg10[%dma_wait3A, %dma_wait3A_120] : memref<8x128xi32, #tpu.memory_space<vmem>> -> memref<1x128xi32, #tpu.memory_space<vmem>>
      %dma_wait3A_122 = tpu.memref_squeeze %dma_wait3A_121 : memref<1x128xi32, #tpu.memory_space<vmem>> -> memref<128xi32, #tpu.memory_space<vmem>>
      %dma_wait3A_123 = arith.constant 0 : i32
      %dma_wait3A_124 = arith.constant 0 : i32
      %dma_wait3A_125 = tpu.memref_slice %arg5[%dma_wait3A_123, %dma_wait3A_124] : memref<102400x4xf32, #tpu.memory_space<hbm>> -> memref<102400x4xf32, #tpu.memory_space<hbm>>
      tpu.wait_indirect_dma semaphore(%arg16 : memref<!tpu.dma_semaphore, #tpu.memory_space<semaphore_mem>>) src(%dma_wait3A_125 : memref<102400x4xf32, #tpu.memory_space<hbm>>) dst(%dma_wait3A_119 : memref<128x4xf32, #tpu.memory_space<vmem>>)
      %run_scoped3A = arith.constant 0 : i32
      %run_scoped3A_126 = arith.constant 0 : i32
      "tpu.region"() ({
        %run_scoped3A_233 = tpu.sem_alloc : memref<!tpu.dma_semaphore, #tpu.memory_space<semaphore_mem>>
        %dma_start3A_234 = arith.constant 0 : i32
        %dma_start3A_235 = arith.constant 0 : i32
        %dma_start3A_236 = tpu.memref_slice %arg13[%run_scoped3A, %dma_start3A_234, %dma_start3A_235] : memref<8x128x4xf32, #tpu.memory_space<vmem>> -> memref<1x128x4xf32, #tpu.memory_space<vmem>>
        %dma_start3A_237 = tpu.memref_squeeze %dma_start3A_236 : memref<1x128x4xf32, #tpu.memory_space<vmem>> -> memref<128x4xf32, #tpu.memory_space<vmem>>
        %dma_start3A_238 = arith.constant 0 : i32
        %dma_start3A_239 = tpu.memref_slice %arg11[%run_scoped3A_126, %dma_start3A_238] : memref<8x128xi32, #tpu.memory_space<vmem>> -> memref<1x128xi32, #tpu.memory_space<vmem>>
        %dma_start3A_240 = tpu.memref_squeeze %dma_start3A_239 : memref<1x128xi32, #tpu.memory_space<vmem>> -> memref<128xi32, #tpu.memory_space<vmem>>
        %dma_start3A_241 = arith.constant 0 : i32
        %dma_start3A_242 = arith.constant 0 : i32
        %dma_start3A_243 = tpu.memref_slice %arg15[%dma_start3A_241, %dma_start3A_242] : memref<204800x4xf32, #tpu.memory_space<vmem_shared>> -> memref<204800x4xf32, #tpu.memory_space<vmem_shared>>
        tpu.enqueue_indirect_dma source(%dma_start3A_237 : memref<128x4xf32, #tpu.memory_space<vmem>>) target(%dma_start3A_243 : memref<204800x4xf32, #tpu.memory_space<vmem_shared>>) offsets(%dma_start3A_240 : memref<128xi32, #tpu.memory_space<vmem>>) semaphore(%run_scoped3A_233 : memref<!tpu.dma_semaphore, #tpu.memory_space<semaphore_mem>>) {add = true}
        %dma_wait3A_244 = arith.constant 0 : i32
        %dma_wait3A_245 = arith.constant 0 : i32
        %dma_wait3A_246 = tpu.memref_slice %arg13[%run_scoped3A, %dma_wait3A_244, %dma_wait3A_245] : memref<8x128x4xf32, #tpu.memory_space<vmem>> -> memref<1x128x4xf32, #tpu.memory_space<vmem>>
        %dma_wait3A_247 = tpu.memref_squeeze %dma_wait3A_246 : memref<1x128x4xf32, #tpu.memory_space<vmem>> -> memref<128x4xf32, #tpu.memory_space<vmem>>
        %dma_wait3A_248 = arith.constant 0 : i32
        %dma_wait3A_249 = tpu.memref_slice %arg11[%run_scoped3A_126, %dma_wait3A_248] : memref<8x128xi32, #tpu.memory_space<vmem>> -> memref<1x128xi32, #tpu.memory_space<vmem>>
        %dma_wait3A_250 = tpu.memref_squeeze %dma_wait3A_249 : memref<1x128xi32, #tpu.memory_space<vmem>> -> memref<128xi32, #tpu.memory_space<vmem>>
        %dma_wait3A_251 = arith.constant 0 : i32
        %dma_wait3A_252 = arith.constant 0 : i32
        %dma_wait3A_253 = tpu.memref_slice %arg15[%dma_wait3A_251, %dma_wait3A_252] : memref<204800x4xf32, #tpu.memory_space<vmem_shared>> -> memref<204800x4xf32, #tpu.memory_space<vmem_shared>>
        tpu.wait_indirect_dma semaphore(%run_scoped3A_233 : memref<!tpu.dma_semaphore, #tpu.memory_space<semaphore_mem>>) src(%dma_wait3A_247 : memref<128x4xf32, #tpu.memory_space<vmem>>) dst(%dma_wait3A_253 : memref<204800x4xf32, #tpu.memory_space<vmem_shared>>)
        tpu.yield
      }) : () -> ()
      %run_scoped3A_127 = arith.constant 0 : i32
      "tpu.region"() ({
        %run_scoped3A_233 = tpu.sem_alloc : memref<!tpu.dma_semaphore, #tpu.memory_space<semaphore_mem>>
        %dma_start3A_234 = arith.constant 0 : i32
        %dma_start3A_235 = tpu.memref_slice %arg12[%run_scoped3A_127, %dma_start3A_234] : memref<8x128xi32, #tpu.memory_space<vmem>> -> memref<1x128xi32, #tpu.memory_space<vmem>>
        %dma_start3A_236 = tpu.memref_squeeze %dma_start3A_235 : memref<1x128xi32, #tpu.memory_space<vmem>> -> memref<128xi32, #tpu.memory_space<vmem>>
        %dma_start3A_237 = arith.constant 0 : i32
        %dma_start3A_238 = arith.constant 0 : i32
        %dma_start3A_239 = tpu.memref_slice %arg15[%dma_start3A_237, %dma_start3A_238] : memref<204800x4xf32, #tpu.memory_space<vmem_shared>> -> memref<204800x4xf32, #tpu.memory_space<vmem_shared>>
        tpu.enqueue_indirect_dma source(%arg14 : memref<128x4xf32, #tpu.memory_space<vmem>>) target(%dma_start3A_239 : memref<204800x4xf32, #tpu.memory_space<vmem_shared>>) offsets(%dma_start3A_236 : memref<128xi32, #tpu.memory_space<vmem>>) semaphore(%run_scoped3A_233 : memref<!tpu.dma_semaphore, #tpu.memory_space<semaphore_mem>>) {add = true}
        %dma_wait3A_240 = arith.constant 0 : i32
        %dma_wait3A_241 = tpu.memref_slice %arg12[%run_scoped3A_127, %dma_wait3A_240] : memref<8x128xi32, #tpu.memory_space<vmem>> -> memref<1x128xi32, #tpu.memory_space<vmem>>
        %dma_wait3A_242 = tpu.memref_squeeze %dma_wait3A_241 : memref<1x128xi32, #tpu.memory_space<vmem>> -> memref<128xi32, #tpu.memory_space<vmem>>
        %dma_wait3A_243 = arith.constant 0 : i32
        %dma_wait3A_244 = arith.constant 0 : i32
        %dma_wait3A_245 = tpu.memref_slice %arg15[%dma_wait3A_243, %dma_wait3A_244] : memref<204800x4xf32, #tpu.memory_space<vmem_shared>> -> memref<204800x4xf32, #tpu.memory_space<vmem_shared>>
        tpu.wait_indirect_dma semaphore(%run_scoped3A_233 : memref<!tpu.dma_semaphore, #tpu.memory_space<semaphore_mem>>) src(%arg14 : memref<128x4xf32, #tpu.memory_space<vmem>>) dst(%dma_wait3A_245 : memref<204800x4xf32, #tpu.memory_space<vmem_shared>>)
        tpu.yield
      }) : () -> ()
      %dma_wait3A_128 = arith.constant 1 : i32
      %dma_wait3A_129 = arith.constant 1 : i32
      %dma_wait3A_130 = arith.constant 0 : i32
      %dma_wait3A_131 = arith.constant 0 : i32
      %dma_wait3A_132 = tpu.memref_slice %arg13[%dma_wait3A_129, %dma_wait3A_130, %dma_wait3A_131] : memref<8x128x4xf32, #tpu.memory_space<vmem>> -> memref<1x128x4xf32, #tpu.memory_space<vmem>>
      %dma_wait3A_133 = tpu.memref_squeeze %dma_wait3A_132 : memref<1x128x4xf32, #tpu.memory_space<vmem>> -> memref<128x4xf32, #tpu.memory_space<vmem>>
      %dma_wait3A_134 = arith.constant 0 : i32
      %dma_wait3A_135 = tpu.memref_slice %arg10[%dma_wait3A_128, %dma_wait3A_134] : memref<8x128xi32, #tpu.memory_space<vmem>> -> memref<1x128xi32, #tpu.memory_space<vmem>>
      %dma_wait3A_136 = tpu.memref_squeeze %dma_wait3A_135 : memref<1x128xi32, #tpu.memory_space<vmem>> -> memref<128xi32, #tpu.memory_space<vmem>>
      %dma_wait3A_137 = arith.constant 0 : i32
      %dma_wait3A_138 = arith.constant 0 : i32
      %dma_wait3A_139 = tpu.memref_slice %arg5[%dma_wait3A_137, %dma_wait3A_138] : memref<102400x4xf32, #tpu.memory_space<hbm>> -> memref<102400x4xf32, #tpu.memory_space<hbm>>
      tpu.wait_indirect_dma semaphore(%arg16 : memref<!tpu.dma_semaphore, #tpu.memory_space<semaphore_mem>>) src(%dma_wait3A_139 : memref<102400x4xf32, #tpu.memory_space<hbm>>) dst(%dma_wait3A_133 : memref<128x4xf32, #tpu.memory_space<vmem>>)
      %run_scoped3A_140 = arith.constant 1 : i32
      %run_scoped3A_141 = arith.constant 1 : i32
      "tpu.region"() ({
        %run_scoped3A_233 = tpu.sem_alloc : memref<!tpu.dma_semaphore, #tpu.memory_space<semaphore_mem>>
        %dma_start3A_234 = arith.constant 0 : i32
        %dma_start3A_235 = arith.constant 0 : i32
        %dma_start3A_236 = tpu.memref_slice %arg13[%run_scoped3A_140, %dma_start3A_234, %dma_start3A_235] : memref<8x128x4xf32, #tpu.memory_space<vmem>> -> memref<1x128x4xf32, #tpu.memory_space<vmem>>
        %dma_start3A_237 = tpu.memref_squeeze %dma_start3A_236 : memref<1x128x4xf32, #tpu.memory_space<vmem>> -> memref<128x4xf32, #tpu.memory_space<vmem>>
        %dma_start3A_238 = arith.constant 0 : i32
        %dma_start3A_239 = tpu.memref_slice %arg11[%run_scoped3A_141, %dma_start3A_238] : memref<8x128xi32, #tpu.memory_space<vmem>> -> memref<1x128xi32, #tpu.memory_space<vmem>>
        %dma_start3A_240 = tpu.memref_squeeze %dma_start3A_239 : memref<1x128xi32, #tpu.memory_space<vmem>> -> memref<128xi32, #tpu.memory_space<vmem>>
        %dma_start3A_241 = arith.constant 0 : i32
        %dma_start3A_242 = arith.constant 0 : i32
        %dma_start3A_243 = tpu.memref_slice %arg15[%dma_start3A_241, %dma_start3A_242] : memref<204800x4xf32, #tpu.memory_space<vmem_shared>> -> memref<204800x4xf32, #tpu.memory_space<vmem_shared>>
        tpu.enqueue_indirect_dma source(%dma_start3A_237 : memref<128x4xf32, #tpu.memory_space<vmem>>) target(%dma_start3A_243 : memref<204800x4xf32, #tpu.memory_space<vmem_shared>>) offsets(%dma_start3A_240 : memref<128xi32, #tpu.memory_space<vmem>>) semaphore(%run_scoped3A_233 : memref<!tpu.dma_semaphore, #tpu.memory_space<semaphore_mem>>) {add = true}
        %dma_wait3A_244 = arith.constant 0 : i32
        %dma_wait3A_245 = arith.constant 0 : i32
        %dma_wait3A_246 = tpu.memref_slice %arg13[%run_scoped3A_140, %dma_wait3A_244, %dma_wait3A_245] : memref<8x128x4xf32, #tpu.memory_space<vmem>> -> memref<1x128x4xf32, #tpu.memory_space<vmem>>
        %dma_wait3A_247 = tpu.memref_squeeze %dma_wait3A_246 : memref<1x128x4xf32, #tpu.memory_space<vmem>> -> memref<128x4xf32, #tpu.memory_space<vmem>>
        %dma_wait3A_248 = arith.constant 0 : i32
        %dma_wait3A_249 = tpu.memref_slice %arg11[%run_scoped3A_141, %dma_wait3A_248] : memref<8x128xi32, #tpu.memory_space<vmem>> -> memref<1x128xi32, #tpu.memory_space<vmem>>
        %dma_wait3A_250 = tpu.memref_squeeze %dma_wait3A_249 : memref<1x128xi32, #tpu.memory_space<vmem>> -> memref<128xi32, #tpu.memory_space<vmem>>
        %dma_wait3A_251 = arith.constant 0 : i32
        %dma_wait3A_252 = arith.constant 0 : i32
        %dma_wait3A_253 = tpu.memref_slice %arg15[%dma_wait3A_251, %dma_wait3A_252] : memref<204800x4xf32, #tpu.memory_space<vmem_shared>> -> memref<204800x4xf32, #tpu.memory_space<vmem_shared>>
        tpu.wait_indirect_dma semaphore(%run_scoped3A_233 : memref<!tpu.dma_semaphore, #tpu.memory_space<semaphore_mem>>) src(%dma_wait3A_247 : memref<128x4xf32, #tpu.memory_space<vmem>>) dst(%dma_wait3A_253 : memref<204800x4xf32, #tpu.memory_space<vmem_shared>>)
        tpu.yield
      }) : () -> ()
      %run_scoped3A_142 = arith.constant 1 : i32
      "tpu.region"() ({
        %run_scoped3A_233 = tpu.sem_alloc : memref<!tpu.dma_semaphore, #tpu.memory_space<semaphore_mem>>
        %dma_start3A_234 = arith.constant 0 : i32
        %dma_start3A_235 = tpu.memref_slice %arg12[%run_scoped3A_142, %dma_start3A_234] : memref<8x128xi32, #tpu.memory_space<vmem>> -> memref<1x128xi32, #tpu.memory_space<vmem>>
        %dma_start3A_236 = tpu.memref_squeeze %dma_start3A_235 : memref<1x128xi32, #tpu.memory_space<vmem>> -> memref<128xi32, #tpu.memory_space<vmem>>
        %dma_start3A_237 = arith.constant 0 : i32
        %dma_start3A_238 = arith.constant 0 : i32
        %dma_start3A_239 = tpu.memref_slice %arg15[%dma_start3A_237, %dma_start3A_238] : memref<204800x4xf32, #tpu.memory_space<vmem_shared>> -> memref<204800x4xf32, #tpu.memory_space<vmem_shared>>
        tpu.enqueue_indirect_dma source(%arg14 : memref<128x4xf32, #tpu.memory_space<vmem>>) target(%dma_start3A_239 : memref<204800x4xf32, #tpu.memory_space<vmem_shared>>) offsets(%dma_start3A_236 : memref<128xi32, #tpu.memory_space<vmem>>) semaphore(%run_scoped3A_233 : memref<!tpu.dma_semaphore, #tpu.memory_space<semaphore_mem>>) {add = true}
        %dma_wait3A_240 = arith.constant 0 : i32
        %dma_wait3A_241 = tpu.memref_slice %arg12[%run_scoped3A_142, %dma_wait3A_240] : memref<8x128xi32, #tpu.memory_space<vmem>> -> memref<1x128xi32, #tpu.memory_space<vmem>>
        %dma_wait3A_242 = tpu.memref_squeeze %dma_wait3A_241 : memref<1x128xi32, #tpu.memory_space<vmem>> -> memref<128xi32, #tpu.memory_space<vmem>>
        %dma_wait3A_243 = arith.constant 0 : i32
        %dma_wait3A_244 = arith.constant 0 : i32
        %dma_wait3A_245 = tpu.memref_slice %arg15[%dma_wait3A_243, %dma_wait3A_244] : memref<204800x4xf32, #tpu.memory_space<vmem_shared>> -> memref<204800x4xf32, #tpu.memory_space<vmem_shared>>
        tpu.wait_indirect_dma semaphore(%run_scoped3A_233 : memref<!tpu.dma_semaphore, #tpu.memory_space<semaphore_mem>>) src(%arg14 : memref<128x4xf32, #tpu.memory_space<vmem>>) dst(%dma_wait3A_245 : memref<204800x4xf32, #tpu.memory_space<vmem_shared>>)
        tpu.yield
      }) : () -> ()
      %dma_wait3A_143 = arith.constant 2 : i32
      %dma_wait3A_144 = arith.constant 2 : i32
      %dma_wait3A_145 = arith.constant 0 : i32
      %dma_wait3A_146 = arith.constant 0 : i32
      %dma_wait3A_147 = tpu.memref_slice %arg13[%dma_wait3A_144, %dma_wait3A_145, %dma_wait3A_146] : memref<8x128x4xf32, #tpu.memory_space<vmem>> -> memref<1x128x4xf32, #tpu.memory_space<vmem>>
      %dma_wait3A_148 = tpu.memref_squeeze %dma_wait3A_147 : memref<1x128x4xf32, #tpu.memory_space<vmem>> -> memref<128x4xf32, #tpu.memory_space<vmem>>
      %dma_wait3A_149 = arith.constant 0 : i32
      %dma_wait3A_150 = tpu.memref_slice %arg10[%dma_wait3A_143, %dma_wait3A_149] : memref<8x128xi32, #tpu.memory_space<vmem>> -> memref<1x128xi32, #tpu.memory_space<vmem>>
      %dma_wait3A_151 = tpu.memref_squeeze %dma_wait3A_150 : memref<1x128xi32, #tpu.memory_space<vmem>> -> memref<128xi32, #tpu.memory_space<vmem>>
      %dma_wait3A_152 = arith.constant 0 : i32
      %dma_wait3A_153 = arith.constant 0 : i32
      %dma_wait3A_154 = tpu.memref_slice %arg5[%dma_wait3A_152, %dma_wait3A_153] : memref<102400x4xf32, #tpu.memory_space<hbm>> -> memref<102400x4xf32, #tpu.memory_space<hbm>>
      tpu.wait_indirect_dma semaphore(%arg16 : memref<!tpu.dma_semaphore, #tpu.memory_space<semaphore_mem>>) src(%dma_wait3A_154 : memref<102400x4xf32, #tpu.memory_space<hbm>>) dst(%dma_wait3A_148 : memref<128x4xf32, #tpu.memory_space<vmem>>)
      %run_scoped3A_155 = arith.constant 2 : i32
      %run_scoped3A_156 = arith.constant 2 : i32
      "tpu.region"() ({
        %run_scoped3A_233 = tpu.sem_alloc : memref<!tpu.dma_semaphore, #tpu.memory_space<semaphore_mem>>
        %dma_start3A_234 = arith.constant 0 : i32
        %dma_start3A_235 = arith.constant 0 : i32
        %dma_start3A_236 = tpu.memref_slice %arg13[%run_scoped3A_155, %dma_start3A_234, %dma_start3A_235] : memref<8x128x4xf32, #tpu.memory_space<vmem>> -> memref<1x128x4xf32, #tpu.memory_space<vmem>>
        %dma_start3A_237 = tpu.memref_squeeze %dma_start3A_236 : memref<1x128x4xf32, #tpu.memory_space<vmem>> -> memref<128x4xf32, #tpu.memory_space<vmem>>
        %dma_start3A_238 = arith.constant 0 : i32
        %dma_start3A_239 = tpu.memref_slice %arg11[%run_scoped3A_156, %dma_start3A_238] : memref<8x128xi32, #tpu.memory_space<vmem>> -> memref<1x128xi32, #tpu.memory_space<vmem>>
        %dma_start3A_240 = tpu.memref_squeeze %dma_start3A_239 : memref<1x128xi32, #tpu.memory_space<vmem>> -> memref<128xi32, #tpu.memory_space<vmem>>
        %dma_start3A_241 = arith.constant 0 : i32
        %dma_start3A_242 = arith.constant 0 : i32
        %dma_start3A_243 = tpu.memref_slice %arg15[%dma_start3A_241, %dma_start3A_242] : memref<204800x4xf32, #tpu.memory_space<vmem_shared>> -> memref<204800x4xf32, #tpu.memory_space<vmem_shared>>
        tpu.enqueue_indirect_dma source(%dma_start3A_237 : memref<128x4xf32, #tpu.memory_space<vmem>>) target(%dma_start3A_243 : memref<204800x4xf32, #tpu.memory_space<vmem_shared>>) offsets(%dma_start3A_240 : memref<128xi32, #tpu.memory_space<vmem>>) semaphore(%run_scoped3A_233 : memref<!tpu.dma_semaphore, #tpu.memory_space<semaphore_mem>>) {add = true}
        %dma_wait3A_244 = arith.constant 0 : i32
        %dma_wait3A_245 = arith.constant 0 : i32
        %dma_wait3A_246 = tpu.memref_slice %arg13[%run_scoped3A_155, %dma_wait3A_244, %dma_wait3A_245] : memref<8x128x4xf32, #tpu.memory_space<vmem>> -> memref<1x128x4xf32, #tpu.memory_space<vmem>>
        %dma_wait3A_247 = tpu.memref_squeeze %dma_wait3A_246 : memref<1x128x4xf32, #tpu.memory_space<vmem>> -> memref<128x4xf32, #tpu.memory_space<vmem>>
        %dma_wait3A_248 = arith.constant 0 : i32
        %dma_wait3A_249 = tpu.memref_slice %arg11[%run_scoped3A_156, %dma_wait3A_248] : memref<8x128xi32, #tpu.memory_space<vmem>> -> memref<1x128xi32, #tpu.memory_space<vmem>>
        %dma_wait3A_250 = tpu.memref_squeeze %dma_wait3A_249 : memref<1x128xi32, #tpu.memory_space<vmem>> -> memref<128xi32, #tpu.memory_space<vmem>>
        %dma_wait3A_251 = arith.constant 0 : i32
        %dma_wait3A_252 = arith.constant 0 : i32
        %dma_wait3A_253 = tpu.memref_slice %arg15[%dma_wait3A_251, %dma_wait3A_252] : memref<204800x4xf32, #tpu.memory_space<vmem_shared>> -> memref<204800x4xf32, #tpu.memory_space<vmem_shared>>
        tpu.wait_indirect_dma semaphore(%run_scoped3A_233 : memref<!tpu.dma_semaphore, #tpu.memory_space<semaphore_mem>>) src(%dma_wait3A_247 : memref<128x4xf32, #tpu.memory_space<vmem>>) dst(%dma_wait3A_253 : memref<204800x4xf32, #tpu.memory_space<vmem_shared>>)
        tpu.yield
      }) : () -> ()
      %run_scoped3A_157 = arith.constant 2 : i32
      "tpu.region"() ({
        %run_scoped3A_233 = tpu.sem_alloc : memref<!tpu.dma_semaphore, #tpu.memory_space<semaphore_mem>>
        %dma_start3A_234 = arith.constant 0 : i32
        %dma_start3A_235 = tpu.memref_slice %arg12[%run_scoped3A_157, %dma_start3A_234] : memref<8x128xi32, #tpu.memory_space<vmem>> -> memref<1x128xi32, #tpu.memory_space<vmem>>
        %dma_start3A_236 = tpu.memref_squeeze %dma_start3A_235 : memref<1x128xi32, #tpu.memory_space<vmem>> -> memref<128xi32, #tpu.memory_space<vmem>>
        %dma_start3A_237 = arith.constant 0 : i32
        %dma_start3A_238 = arith.constant 0 : i32
        %dma_start3A_239 = tpu.memref_slice %arg15[%dma_start3A_237, %dma_start3A_238] : memref<204800x4xf32, #tpu.memory_space<vmem_shared>> -> memref<204800x4xf32, #tpu.memory_space<vmem_shared>>
        tpu.enqueue_indirect_dma source(%arg14 : memref<128x4xf32, #tpu.memory_space<vmem>>) target(%dma_start3A_239 : memref<204800x4xf32, #tpu.memory_space<vmem_shared>>) offsets(%dma_start3A_236 : memref<128xi32, #tpu.memory_space<vmem>>) semaphore(%run_scoped3A_233 : memref<!tpu.dma_semaphore, #tpu.memory_space<semaphore_mem>>) {add = true}
        %dma_wait3A_240 = arith.constant 0 : i32
        %dma_wait3A_241 = tpu.memref_slice %arg12[%run_scoped3A_157, %dma_wait3A_240] : memref<8x128xi32, #tpu.memory_space<vmem>> -> memref<1x128xi32, #tpu.memory_space<vmem>>
        %dma_wait3A_242 = tpu.memref_squeeze %dma_wait3A_241 : memref<1x128xi32, #tpu.memory_space<vmem>> -> memref<128xi32, #tpu.memory_space<vmem>>
        %dma_wait3A_243 = arith.constant 0 : i32
        %dma_wait3A_244 = arith.constant 0 : i32
        %dma_wait3A_245 = tpu.memref_slice %arg15[%dma_wait3A_243, %dma_wait3A_244] : memref<204800x4xf32, #tpu.memory_space<vmem_shared>> -> memref<204800x4xf32, #tpu.memory_space<vmem_shared>>
        tpu.wait_indirect_dma semaphore(%run_scoped3A_233 : memref<!tpu.dma_semaphore, #tpu.memory_space<semaphore_mem>>) src(%arg14 : memref<128x4xf32, #tpu.memory_space<vmem>>) dst(%dma_wait3A_245 : memref<204800x4xf32, #tpu.memory_space<vmem_shared>>)
        tpu.yield
      }) : () -> ()
      %dma_wait3A_158 = arith.constant 3 : i32
      %dma_wait3A_159 = arith.constant 3 : i32
      %dma_wait3A_160 = arith.constant 0 : i32
      %dma_wait3A_161 = arith.constant 0 : i32
      %dma_wait3A_162 = tpu.memref_slice %arg13[%dma_wait3A_159, %dma_wait3A_160, %dma_wait3A_161] : memref<8x128x4xf32, #tpu.memory_space<vmem>> -> memref<1x128x4xf32, #tpu.memory_space<vmem>>
      %dma_wait3A_163 = tpu.memref_squeeze %dma_wait3A_162 : memref<1x128x4xf32, #tpu.memory_space<vmem>> -> memref<128x4xf32, #tpu.memory_space<vmem>>
      %dma_wait3A_164 = arith.constant 0 : i32
      %dma_wait3A_165 = tpu.memref_slice %arg10[%dma_wait3A_158, %dma_wait3A_164] : memref<8x128xi32, #tpu.memory_space<vmem>> -> memref<1x128xi32, #tpu.memory_space<vmem>>
      %dma_wait3A_166 = tpu.memref_squeeze %dma_wait3A_165 : memref<1x128xi32, #tpu.memory_space<vmem>> -> memref<128xi32, #tpu.memory_space<vmem>>
      %dma_wait3A_167 = arith.constant 0 : i32
      %dma_wait3A_168 = arith.constant 0 : i32
      %dma_wait3A_169 = tpu.memref_slice %arg5[%dma_wait3A_167, %dma_wait3A_168] : memref<102400x4xf32, #tpu.memory_space<hbm>> -> memref<102400x4xf32, #tpu.memory_space<hbm>>
      tpu.wait_indirect_dma semaphore(%arg16 : memref<!tpu.dma_semaphore, #tpu.memory_space<semaphore_mem>>) src(%dma_wait3A_169 : memref<102400x4xf32, #tpu.memory_space<hbm>>) dst(%dma_wait3A_163 : memref<128x4xf32, #tpu.memory_space<vmem>>)
      %run_scoped3A_170 = arith.constant 3 : i32
      %run_scoped3A_171 = arith.constant 3 : i32
      "tpu.region"() ({
        %run_scoped3A_233 = tpu.sem_alloc : memref<!tpu.dma_semaphore, #tpu.memory_space<semaphore_mem>>
        %dma_start3A_234 = arith.constant 0 : i32
        %dma_start3A_235 = arith.constant 0 : i32
        %dma_start3A_236 = tpu.memref_slice %arg13[%run_scoped3A_170, %dma_start3A_234, %dma_start3A_235] : memref<8x128x4xf32, #tpu.memory_space<vmem>> -> memref<1x128x4xf32, #tpu.memory_space<vmem>>
        %dma_start3A_237 = tpu.memref_squeeze %dma_start3A_236 : memref<1x128x4xf32, #tpu.memory_space<vmem>> -> memref<128x4xf32, #tpu.memory_space<vmem>>
        %dma_start3A_238 = arith.constant 0 : i32
        %dma_start3A_239 = tpu.memref_slice %arg11[%run_scoped3A_171, %dma_start3A_238] : memref<8x128xi32, #tpu.memory_space<vmem>> -> memref<1x128xi32, #tpu.memory_space<vmem>>
        %dma_start3A_240 = tpu.memref_squeeze %dma_start3A_239 : memref<1x128xi32, #tpu.memory_space<vmem>> -> memref<128xi32, #tpu.memory_space<vmem>>
        %dma_start3A_241 = arith.constant 0 : i32
        %dma_start3A_242 = arith.constant 0 : i32
        %dma_start3A_243 = tpu.memref_slice %arg15[%dma_start3A_241, %dma_start3A_242] : memref<204800x4xf32, #tpu.memory_space<vmem_shared>> -> memref<204800x4xf32, #tpu.memory_space<vmem_shared>>
        tpu.enqueue_indirect_dma source(%dma_start3A_237 : memref<128x4xf32, #tpu.memory_space<vmem>>) target(%dma_start3A_243 : memref<204800x4xf32, #tpu.memory_space<vmem_shared>>) offsets(%dma_start3A_240 : memref<128xi32, #tpu.memory_space<vmem>>) semaphore(%run_scoped3A_233 : memref<!tpu.dma_semaphore, #tpu.memory_space<semaphore_mem>>) {add = true}
        %dma_wait3A_244 = arith.constant 0 : i32
        %dma_wait3A_245 = arith.constant 0 : i32
        %dma_wait3A_246 = tpu.memref_slice %arg13[%run_scoped3A_170, %dma_wait3A_244, %dma_wait3A_245] : memref<8x128x4xf32, #tpu.memory_space<vmem>> -> memref<1x128x4xf32, #tpu.memory_space<vmem>>
        %dma_wait3A_247 = tpu.memref_squeeze %dma_wait3A_246 : memref<1x128x4xf32, #tpu.memory_space<vmem>> -> memref<128x4xf32, #tpu.memory_space<vmem>>
        %dma_wait3A_248 = arith.constant 0 : i32
        %dma_wait3A_249 = tpu.memref_slice %arg11[%run_scoped3A_171, %dma_wait3A_248] : memref<8x128xi32, #tpu.memory_space<vmem>> -> memref<1x128xi32, #tpu.memory_space<vmem>>
        %dma_wait3A_250 = tpu.memref_squeeze %dma_wait3A_249 : memref<1x128xi32, #tpu.memory_space<vmem>> -> memref<128xi32, #tpu.memory_space<vmem>>
        %dma_wait3A_251 = arith.constant 0 : i32
        %dma_wait3A_252 = arith.constant 0 : i32
        %dma_wait3A_253 = tpu.memref_slice %arg15[%dma_wait3A_251, %dma_wait3A_252] : memref<204800x4xf32, #tpu.memory_space<vmem_shared>> -> memref<204800x4xf32, #tpu.memory_space<vmem_shared>>
        tpu.wait_indirect_dma semaphore(%run_scoped3A_233 : memref<!tpu.dma_semaphore, #tpu.memory_space<semaphore_mem>>) src(%dma_wait3A_247 : memref<128x4xf32, #tpu.memory_space<vmem>>) dst(%dma_wait3A_253 : memref<204800x4xf32, #tpu.memory_space<vmem_shared>>)
        tpu.yield
      }) : () -> ()
      %run_scoped3A_172 = arith.constant 3 : i32
      "tpu.region"() ({
        %run_scoped3A_233 = tpu.sem_alloc : memref<!tpu.dma_semaphore, #tpu.memory_space<semaphore_mem>>
        %dma_start3A_234 = arith.constant 0 : i32
        %dma_start3A_235 = tpu.memref_slice %arg12[%run_scoped3A_172, %dma_start3A_234] : memref<8x128xi32, #tpu.memory_space<vmem>> -> memref<1x128xi32, #tpu.memory_space<vmem>>
        %dma_start3A_236 = tpu.memref_squeeze %dma_start3A_235 : memref<1x128xi32, #tpu.memory_space<vmem>> -> memref<128xi32, #tpu.memory_space<vmem>>
        %dma_start3A_237 = arith.constant 0 : i32
        %dma_start3A_238 = arith.constant 0 : i32
        %dma_start3A_239 = tpu.memref_slice %arg15[%dma_start3A_237, %dma_start3A_238] : memref<204800x4xf32, #tpu.memory_space<vmem_shared>> -> memref<204800x4xf32, #tpu.memory_space<vmem_shared>>
        tpu.enqueue_indirect_dma source(%arg14 : memref<128x4xf32, #tpu.memory_space<vmem>>) target(%dma_start3A_239 : memref<204800x4xf32, #tpu.memory_space<vmem_shared>>) offsets(%dma_start3A_236 : memref<128xi32, #tpu.memory_space<vmem>>) semaphore(%run_scoped3A_233 : memref<!tpu.dma_semaphore, #tpu.memory_space<semaphore_mem>>) {add = true}
        %dma_wait3A_240 = arith.constant 0 : i32
        %dma_wait3A_241 = tpu.memref_slice %arg12[%run_scoped3A_172, %dma_wait3A_240] : memref<8x128xi32, #tpu.memory_space<vmem>> -> memref<1x128xi32, #tpu.memory_space<vmem>>
        %dma_wait3A_242 = tpu.memref_squeeze %dma_wait3A_241 : memref<1x128xi32, #tpu.memory_space<vmem>> -> memref<128xi32, #tpu.memory_space<vmem>>
        %dma_wait3A_243 = arith.constant 0 : i32
        %dma_wait3A_244 = arith.constant 0 : i32
        %dma_wait3A_245 = tpu.memref_slice %arg15[%dma_wait3A_243, %dma_wait3A_244] : memref<204800x4xf32, #tpu.memory_space<vmem_shared>> -> memref<204800x4xf32, #tpu.memory_space<vmem_shared>>
        tpu.wait_indirect_dma semaphore(%run_scoped3A_233 : memref<!tpu.dma_semaphore, #tpu.memory_space<semaphore_mem>>) src(%arg14 : memref<128x4xf32, #tpu.memory_space<vmem>>) dst(%dma_wait3A_245 : memref<204800x4xf32, #tpu.memory_space<vmem_shared>>)
        tpu.yield
      }) : () -> ()
      %dma_wait3A_173 = arith.constant 4 : i32
      %dma_wait3A_174 = arith.constant 4 : i32
      %dma_wait3A_175 = arith.constant 0 : i32
      %dma_wait3A_176 = arith.constant 0 : i32
      %dma_wait3A_177 = tpu.memref_slice %arg13[%dma_wait3A_174, %dma_wait3A_175, %dma_wait3A_176] : memref<8x128x4xf32, #tpu.memory_space<vmem>> -> memref<1x128x4xf32, #tpu.memory_space<vmem>>
      %dma_wait3A_178 = tpu.memref_squeeze %dma_wait3A_177 : memref<1x128x4xf32, #tpu.memory_space<vmem>> -> memref<128x4xf32, #tpu.memory_space<vmem>>
      %dma_wait3A_179 = arith.constant 0 : i32
      %dma_wait3A_180 = tpu.memref_slice %arg10[%dma_wait3A_173, %dma_wait3A_179] : memref<8x128xi32, #tpu.memory_space<vmem>> -> memref<1x128xi32, #tpu.memory_space<vmem>>
      %dma_wait3A_181 = tpu.memref_squeeze %dma_wait3A_180 : memref<1x128xi32, #tpu.memory_space<vmem>> -> memref<128xi32, #tpu.memory_space<vmem>>
      %dma_wait3A_182 = arith.constant 0 : i32
      %dma_wait3A_183 = arith.constant 0 : i32
      %dma_wait3A_184 = tpu.memref_slice %arg5[%dma_wait3A_182, %dma_wait3A_183] : memref<102400x4xf32, #tpu.memory_space<hbm>> -> memref<102400x4xf32, #tpu.memory_space<hbm>>
      tpu.wait_indirect_dma semaphore(%arg16 : memref<!tpu.dma_semaphore, #tpu.memory_space<semaphore_mem>>) src(%dma_wait3A_184 : memref<102400x4xf32, #tpu.memory_space<hbm>>) dst(%dma_wait3A_178 : memref<128x4xf32, #tpu.memory_space<vmem>>)
      %run_scoped3A_185 = arith.constant 4 : i32
      %run_scoped3A_186 = arith.constant 4 : i32
      "tpu.region"() ({
        %run_scoped3A_233 = tpu.sem_alloc : memref<!tpu.dma_semaphore, #tpu.memory_space<semaphore_mem>>
        %dma_start3A_234 = arith.constant 0 : i32
        %dma_start3A_235 = arith.constant 0 : i32
        %dma_start3A_236 = tpu.memref_slice %arg13[%run_scoped3A_185, %dma_start3A_234, %dma_start3A_235] : memref<8x128x4xf32, #tpu.memory_space<vmem>> -> memref<1x128x4xf32, #tpu.memory_space<vmem>>
        %dma_start3A_237 = tpu.memref_squeeze %dma_start3A_236 : memref<1x128x4xf32, #tpu.memory_space<vmem>> -> memref<128x4xf32, #tpu.memory_space<vmem>>
        %dma_start3A_238 = arith.constant 0 : i32
        %dma_start3A_239 = tpu.memref_slice %arg11[%run_scoped3A_186, %dma_start3A_238] : memref<8x128xi32, #tpu.memory_space<vmem>> -> memref<1x128xi32, #tpu.memory_space<vmem>>
        %dma_start3A_240 = tpu.memref_squeeze %dma_start3A_239 : memref<1x128xi32, #tpu.memory_space<vmem>> -> memref<128xi32, #tpu.memory_space<vmem>>
        %dma_start3A_241 = arith.constant 0 : i32
        %dma_start3A_242 = arith.constant 0 : i32
        %dma_start3A_243 = tpu.memref_slice %arg15[%dma_start3A_241, %dma_start3A_242] : memref<204800x4xf32, #tpu.memory_space<vmem_shared>> -> memref<204800x4xf32, #tpu.memory_space<vmem_shared>>
        tpu.enqueue_indirect_dma source(%dma_start3A_237 : memref<128x4xf32, #tpu.memory_space<vmem>>) target(%dma_start3A_243 : memref<204800x4xf32, #tpu.memory_space<vmem_shared>>) offsets(%dma_start3A_240 : memref<128xi32, #tpu.memory_space<vmem>>) semaphore(%run_scoped3A_233 : memref<!tpu.dma_semaphore, #tpu.memory_space<semaphore_mem>>) {add = true}
        %dma_wait3A_244 = arith.constant 0 : i32
        %dma_wait3A_245 = arith.constant 0 : i32
        %dma_wait3A_246 = tpu.memref_slice %arg13[%run_scoped3A_185, %dma_wait3A_244, %dma_wait3A_245] : memref<8x128x4xf32, #tpu.memory_space<vmem>> -> memref<1x128x4xf32, #tpu.memory_space<vmem>>
        %dma_wait3A_247 = tpu.memref_squeeze %dma_wait3A_246 : memref<1x128x4xf32, #tpu.memory_space<vmem>> -> memref<128x4xf32, #tpu.memory_space<vmem>>
        %dma_wait3A_248 = arith.constant 0 : i32
        %dma_wait3A_249 = tpu.memref_slice %arg11[%run_scoped3A_186, %dma_wait3A_248] : memref<8x128xi32, #tpu.memory_space<vmem>> -> memref<1x128xi32, #tpu.memory_space<vmem>>
        %dma_wait3A_250 = tpu.memref_squeeze %dma_wait3A_249 : memref<1x128xi32, #tpu.memory_space<vmem>> -> memref<128xi32, #tpu.memory_space<vmem>>
        %dma_wait3A_251 = arith.constant 0 : i32
        %dma_wait3A_252 = arith.constant 0 : i32
        %dma_wait3A_253 = tpu.memref_slice %arg15[%dma_wait3A_251, %dma_wait3A_252] : memref<204800x4xf32, #tpu.memory_space<vmem_shared>> -> memref<204800x4xf32, #tpu.memory_space<vmem_shared>>
        tpu.wait_indirect_dma semaphore(%run_scoped3A_233 : memref<!tpu.dma_semaphore, #tpu.memory_space<semaphore_mem>>) src(%dma_wait3A_247 : memref<128x4xf32, #tpu.memory_space<vmem>>) dst(%dma_wait3A_253 : memref<204800x4xf32, #tpu.memory_space<vmem_shared>>)
        tpu.yield
      }) : () -> ()
      %run_scoped3A_187 = arith.constant 4 : i32
      "tpu.region"() ({
        %run_scoped3A_233 = tpu.sem_alloc : memref<!tpu.dma_semaphore, #tpu.memory_space<semaphore_mem>>
        %dma_start3A_234 = arith.constant 0 : i32
        %dma_start3A_235 = tpu.memref_slice %arg12[%run_scoped3A_187, %dma_start3A_234] : memref<8x128xi32, #tpu.memory_space<vmem>> -> memref<1x128xi32, #tpu.memory_space<vmem>>
        %dma_start3A_236 = tpu.memref_squeeze %dma_start3A_235 : memref<1x128xi32, #tpu.memory_space<vmem>> -> memref<128xi32, #tpu.memory_space<vmem>>
        %dma_start3A_237 = arith.constant 0 : i32
        %dma_start3A_238 = arith.constant 0 : i32
        %dma_start3A_239 = tpu.memref_slice %arg15[%dma_start3A_237, %dma_start3A_238] : memref<204800x4xf32, #tpu.memory_space<vmem_shared>> -> memref<204800x4xf32, #tpu.memory_space<vmem_shared>>
        tpu.enqueue_indirect_dma source(%arg14 : memref<128x4xf32, #tpu.memory_space<vmem>>) target(%dma_start3A_239 : memref<204800x4xf32, #tpu.memory_space<vmem_shared>>) offsets(%dma_start3A_236 : memref<128xi32, #tpu.memory_space<vmem>>) semaphore(%run_scoped3A_233 : memref<!tpu.dma_semaphore, #tpu.memory_space<semaphore_mem>>) {add = true}
        %dma_wait3A_240 = arith.constant 0 : i32
        %dma_wait3A_241 = tpu.memref_slice %arg12[%run_scoped3A_187, %dma_wait3A_240] : memref<8x128xi32, #tpu.memory_space<vmem>> -> memref<1x128xi32, #tpu.memory_space<vmem>>
        %dma_wait3A_242 = tpu.memref_squeeze %dma_wait3A_241 : memref<1x128xi32, #tpu.memory_space<vmem>> -> memref<128xi32, #tpu.memory_space<vmem>>
        %dma_wait3A_243 = arith.constant 0 : i32
        %dma_wait3A_244 = arith.constant 0 : i32
        %dma_wait3A_245 = tpu.memref_slice %arg15[%dma_wait3A_243, %dma_wait3A_244] : memref<204800x4xf32, #tpu.memory_space<vmem_shared>> -> memref<204800x4xf32, #tpu.memory_space<vmem_shared>>
        tpu.wait_indirect_dma semaphore(%run_scoped3A_233 : memref<!tpu.dma_semaphore, #tpu.memory_space<semaphore_mem>>) src(%arg14 : memref<128x4xf32, #tpu.memory_space<vmem>>) dst(%dma_wait3A_245 : memref<204800x4xf32, #tpu.memory_space<vmem_shared>>)
        tpu.yield
      }) : () -> ()
      %dma_wait3A_188 = arith.constant 5 : i32
      %dma_wait3A_189 = arith.constant 5 : i32
      %dma_wait3A_190 = arith.constant 0 : i32
      %dma_wait3A_191 = arith.constant 0 : i32
      %dma_wait3A_192 = tpu.memref_slice %arg13[%dma_wait3A_189, %dma_wait3A_190, %dma_wait3A_191] : memref<8x128x4xf32, #tpu.memory_space<vmem>> -> memref<1x128x4xf32, #tpu.memory_space<vmem>>
      %dma_wait3A_193 = tpu.memref_squeeze %dma_wait3A_192 : memref<1x128x4xf32, #tpu.memory_space<vmem>> -> memref<128x4xf32, #tpu.memory_space<vmem>>
      %dma_wait3A_194 = arith.constant 0 : i32
      %dma_wait3A_195 = tpu.memref_slice %arg10[%dma_wait3A_188, %dma_wait3A_194] : memref<8x128xi32, #tpu.memory_space<vmem>> -> memref<1x128xi32, #tpu.memory_space<vmem>>
      %dma_wait3A_196 = tpu.memref_squeeze %dma_wait3A_195 : memref<1x128xi32, #tpu.memory_space<vmem>> -> memref<128xi32, #tpu.memory_space<vmem>>
      %dma_wait3A_197 = arith.constant 0 : i32
      %dma_wait3A_198 = arith.constant 0 : i32
      %dma_wait3A_199 = tpu.memref_slice %arg5[%dma_wait3A_197, %dma_wait3A_198] : memref<102400x4xf32, #tpu.memory_space<hbm>> -> memref<102400x4xf32, #tpu.memory_space<hbm>>
      tpu.wait_indirect_dma semaphore(%arg16 : memref<!tpu.dma_semaphore, #tpu.memory_space<semaphore_mem>>) src(%dma_wait3A_199 : memref<102400x4xf32, #tpu.memory_space<hbm>>) dst(%dma_wait3A_193 : memref<128x4xf32, #tpu.memory_space<vmem>>)
      %run_scoped3A_200 = arith.constant 5 : i32
      %run_scoped3A_201 = arith.constant 5 : i32
      "tpu.region"() ({
        %run_scoped3A_233 = tpu.sem_alloc : memref<!tpu.dma_semaphore, #tpu.memory_space<semaphore_mem>>
        %dma_start3A_234 = arith.constant 0 : i32
        %dma_start3A_235 = arith.constant 0 : i32
        %dma_start3A_236 = tpu.memref_slice %arg13[%run_scoped3A_200, %dma_start3A_234, %dma_start3A_235] : memref<8x128x4xf32, #tpu.memory_space<vmem>> -> memref<1x128x4xf32, #tpu.memory_space<vmem>>
        %dma_start3A_237 = tpu.memref_squeeze %dma_start3A_236 : memref<1x128x4xf32, #tpu.memory_space<vmem>> -> memref<128x4xf32, #tpu.memory_space<vmem>>
        %dma_start3A_238 = arith.constant 0 : i32
        %dma_start3A_239 = tpu.memref_slice %arg11[%run_scoped3A_201, %dma_start3A_238] : memref<8x128xi32, #tpu.memory_space<vmem>> -> memref<1x128xi32, #tpu.memory_space<vmem>>
        %dma_start3A_240 = tpu.memref_squeeze %dma_start3A_239 : memref<1x128xi32, #tpu.memory_space<vmem>> -> memref<128xi32, #tpu.memory_space<vmem>>
        %dma_start3A_241 = arith.constant 0 : i32
        %dma_start3A_242 = arith.constant 0 : i32
        %dma_start3A_243 = tpu.memref_slice %arg15[%dma_start3A_241, %dma_start3A_242] : memref<204800x4xf32, #tpu.memory_space<vmem_shared>> -> memref<204800x4xf32, #tpu.memory_space<vmem_shared>>
        tpu.enqueue_indirect_dma source(%dma_start3A_237 : memref<128x4xf32, #tpu.memory_space<vmem>>) target(%dma_start3A_243 : memref<204800x4xf32, #tpu.memory_space<vmem_shared>>) offsets(%dma_start3A_240 : memref<128xi32, #tpu.memory_space<vmem>>) semaphore(%run_scoped3A_233 : memref<!tpu.dma_semaphore, #tpu.memory_space<semaphore_mem>>) {add = true}
        %dma_wait3A_244 = arith.constant 0 : i32
        %dma_wait3A_245 = arith.constant 0 : i32
        %dma_wait3A_246 = tpu.memref_slice %arg13[%run_scoped3A_200, %dma_wait3A_244, %dma_wait3A_245] : memref<8x128x4xf32, #tpu.memory_space<vmem>> -> memref<1x128x4xf32, #tpu.memory_space<vmem>>
        %dma_wait3A_247 = tpu.memref_squeeze %dma_wait3A_246 : memref<1x128x4xf32, #tpu.memory_space<vmem>> -> memref<128x4xf32, #tpu.memory_space<vmem>>
        %dma_wait3A_248 = arith.constant 0 : i32
        %dma_wait3A_249 = tpu.memref_slice %arg11[%run_scoped3A_201, %dma_wait3A_248] : memref<8x128xi32, #tpu.memory_space<vmem>> -> memref<1x128xi32, #tpu.memory_space<vmem>>
        %dma_wait3A_250 = tpu.memref_squeeze %dma_wait3A_249 : memref<1x128xi32, #tpu.memory_space<vmem>> -> memref<128xi32, #tpu.memory_space<vmem>>
        %dma_wait3A_251 = arith.constant 0 : i32
        %dma_wait3A_252 = arith.constant 0 : i32
        %dma_wait3A_253 = tpu.memref_slice %arg15[%dma_wait3A_251, %dma_wait3A_252] : memref<204800x4xf32, #tpu.memory_space<vmem_shared>> -> memref<204800x4xf32, #tpu.memory_space<vmem_shared>>
        tpu.wait_indirect_dma semaphore(%run_scoped3A_233 : memref<!tpu.dma_semaphore, #tpu.memory_space<semaphore_mem>>) src(%dma_wait3A_247 : memref<128x4xf32, #tpu.memory_space<vmem>>) dst(%dma_wait3A_253 : memref<204800x4xf32, #tpu.memory_space<vmem_shared>>)
        tpu.yield
      }) : () -> ()
      %run_scoped3A_202 = arith.constant 5 : i32
      "tpu.region"() ({
        %run_scoped3A_233 = tpu.sem_alloc : memref<!tpu.dma_semaphore, #tpu.memory_space<semaphore_mem>>
        %dma_start3A_234 = arith.constant 0 : i32
        %dma_start3A_235 = tpu.memref_slice %arg12[%run_scoped3A_202, %dma_start3A_234] : memref<8x128xi32, #tpu.memory_space<vmem>> -> memref<1x128xi32, #tpu.memory_space<vmem>>
        %dma_start3A_236 = tpu.memref_squeeze %dma_start3A_235 : memref<1x128xi32, #tpu.memory_space<vmem>> -> memref<128xi32, #tpu.memory_space<vmem>>
        %dma_start3A_237 = arith.constant 0 : i32
        %dma_start3A_238 = arith.constant 0 : i32
        %dma_start3A_239 = tpu.memref_slice %arg15[%dma_start3A_237, %dma_start3A_238] : memref<204800x4xf32, #tpu.memory_space<vmem_shared>> -> memref<204800x4xf32, #tpu.memory_space<vmem_shared>>
        tpu.enqueue_indirect_dma source(%arg14 : memref<128x4xf32, #tpu.memory_space<vmem>>) target(%dma_start3A_239 : memref<204800x4xf32, #tpu.memory_space<vmem_shared>>) offsets(%dma_start3A_236 : memref<128xi32, #tpu.memory_space<vmem>>) semaphore(%run_scoped3A_233 : memref<!tpu.dma_semaphore, #tpu.memory_space<semaphore_mem>>) {add = true}
        %dma_wait3A_240 = arith.constant 0 : i32
        %dma_wait3A_241 = tpu.memref_slice %arg12[%run_scoped3A_202, %dma_wait3A_240] : memref<8x128xi32, #tpu.memory_space<vmem>> -> memref<1x128xi32, #tpu.memory_space<vmem>>
        %dma_wait3A_242 = tpu.memref_squeeze %dma_wait3A_241 : memref<1x128xi32, #tpu.memory_space<vmem>> -> memref<128xi32, #tpu.memory_space<vmem>>
        %dma_wait3A_243 = arith.constant 0 : i32
        %dma_wait3A_244 = arith.constant 0 : i32
        %dma_wait3A_245 = tpu.memref_slice %arg15[%dma_wait3A_243, %dma_wait3A_244] : memref<204800x4xf32, #tpu.memory_space<vmem_shared>> -> memref<204800x4xf32, #tpu.memory_space<vmem_shared>>
        tpu.wait_indirect_dma semaphore(%run_scoped3A_233 : memref<!tpu.dma_semaphore, #tpu.memory_space<semaphore_mem>>) src(%arg14 : memref<128x4xf32, #tpu.memory_space<vmem>>) dst(%dma_wait3A_245 : memref<204800x4xf32, #tpu.memory_space<vmem_shared>>)
        tpu.yield
      }) : () -> ()
      %dma_wait3A_203 = arith.constant 6 : i32
      %dma_wait3A_204 = arith.constant 6 : i32
      %dma_wait3A_205 = arith.constant 0 : i32
      %dma_wait3A_206 = arith.constant 0 : i32
      %dma_wait3A_207 = tpu.memref_slice %arg13[%dma_wait3A_204, %dma_wait3A_205, %dma_wait3A_206] : memref<8x128x4xf32, #tpu.memory_space<vmem>> -> memref<1x128x4xf32, #tpu.memory_space<vmem>>
      %dma_wait3A_208 = tpu.memref_squeeze %dma_wait3A_207 : memref<1x128x4xf32, #tpu.memory_space<vmem>> -> memref<128x4xf32, #tpu.memory_space<vmem>>
      %dma_wait3A_209 = arith.constant 0 : i32
      %dma_wait3A_210 = tpu.memref_slice %arg10[%dma_wait3A_203, %dma_wait3A_209] : memref<8x128xi32, #tpu.memory_space<vmem>> -> memref<1x128xi32, #tpu.memory_space<vmem>>
      %dma_wait3A_211 = tpu.memref_squeeze %dma_wait3A_210 : memref<1x128xi32, #tpu.memory_space<vmem>> -> memref<128xi32, #tpu.memory_space<vmem>>
      %dma_wait3A_212 = arith.constant 0 : i32
      %dma_wait3A_213 = arith.constant 0 : i32
      %dma_wait3A_214 = tpu.memref_slice %arg5[%dma_wait3A_212, %dma_wait3A_213] : memref<102400x4xf32, #tpu.memory_space<hbm>> -> memref<102400x4xf32, #tpu.memory_space<hbm>>
      tpu.wait_indirect_dma semaphore(%arg16 : memref<!tpu.dma_semaphore, #tpu.memory_space<semaphore_mem>>) src(%dma_wait3A_214 : memref<102400x4xf32, #tpu.memory_space<hbm>>) dst(%dma_wait3A_208 : memref<128x4xf32, #tpu.memory_space<vmem>>)
      %run_scoped3A_215 = arith.constant 6 : i32
      %run_scoped3A_216 = arith.constant 6 : i32
      "tpu.region"() ({
        %run_scoped3A_233 = tpu.sem_alloc : memref<!tpu.dma_semaphore, #tpu.memory_space<semaphore_mem>>
        %dma_start3A_234 = arith.constant 0 : i32
        %dma_start3A_235 = arith.constant 0 : i32
        %dma_start3A_236 = tpu.memref_slice %arg13[%run_scoped3A_215, %dma_start3A_234, %dma_start3A_235] : memref<8x128x4xf32, #tpu.memory_space<vmem>> -> memref<1x128x4xf32, #tpu.memory_space<vmem>>
        %dma_start3A_237 = tpu.memref_squeeze %dma_start3A_236 : memref<1x128x4xf32, #tpu.memory_space<vmem>> -> memref<128x4xf32, #tpu.memory_space<vmem>>
        %dma_start3A_238 = arith.constant 0 : i32
        %dma_start3A_239 = tpu.memref_slice %arg11[%run_scoped3A_216, %dma_start3A_238] : memref<8x128xi32, #tpu.memory_space<vmem>> -> memref<1x128xi32, #tpu.memory_space<vmem>>
        %dma_start3A_240 = tpu.memref_squeeze %dma_start3A_239 : memref<1x128xi32, #tpu.memory_space<vmem>> -> memref<128xi32, #tpu.memory_space<vmem>>
        %dma_start3A_241 = arith.constant 0 : i32
        %dma_start3A_242 = arith.constant 0 : i32
        %dma_start3A_243 = tpu.memref_slice %arg15[%dma_start3A_241, %dma_start3A_242] : memref<204800x4xf32, #tpu.memory_space<vmem_shared>> -> memref<204800x4xf32, #tpu.memory_space<vmem_shared>>
        tpu.enqueue_indirect_dma source(%dma_start3A_237 : memref<128x4xf32, #tpu.memory_space<vmem>>) target(%dma_start3A_243 : memref<204800x4xf32, #tpu.memory_space<vmem_shared>>) offsets(%dma_start3A_240 : memref<128xi32, #tpu.memory_space<vmem>>) semaphore(%run_scoped3A_233 : memref<!tpu.dma_semaphore, #tpu.memory_space<semaphore_mem>>) {add = true}
        %dma_wait3A_244 = arith.constant 0 : i32
        %dma_wait3A_245 = arith.constant 0 : i32
        %dma_wait3A_246 = tpu.memref_slice %arg13[%run_scoped3A_215, %dma_wait3A_244, %dma_wait3A_245] : memref<8x128x4xf32, #tpu.memory_space<vmem>> -> memref<1x128x4xf32, #tpu.memory_space<vmem>>
        %dma_wait3A_247 = tpu.memref_squeeze %dma_wait3A_246 : memref<1x128x4xf32, #tpu.memory_space<vmem>> -> memref<128x4xf32, #tpu.memory_space<vmem>>
        %dma_wait3A_248 = arith.constant 0 : i32
        %dma_wait3A_249 = tpu.memref_slice %arg11[%run_scoped3A_216, %dma_wait3A_248] : memref<8x128xi32, #tpu.memory_space<vmem>> -> memref<1x128xi32, #tpu.memory_space<vmem>>
        %dma_wait3A_250 = tpu.memref_squeeze %dma_wait3A_249 : memref<1x128xi32, #tpu.memory_space<vmem>> -> memref<128xi32, #tpu.memory_space<vmem>>
        %dma_wait3A_251 = arith.constant 0 : i32
        %dma_wait3A_252 = arith.constant 0 : i32
        %dma_wait3A_253 = tpu.memref_slice %arg15[%dma_wait3A_251, %dma_wait3A_252] : memref<204800x4xf32, #tpu.memory_space<vmem_shared>> -> memref<204800x4xf32, #tpu.memory_space<vmem_shared>>
        tpu.wait_indirect_dma semaphore(%run_scoped3A_233 : memref<!tpu.dma_semaphore, #tpu.memory_space<semaphore_mem>>) src(%dma_wait3A_247 : memref<128x4xf32, #tpu.memory_space<vmem>>) dst(%dma_wait3A_253 : memref<204800x4xf32, #tpu.memory_space<vmem_shared>>)
        tpu.yield
      }) : () -> ()
      %run_scoped3A_217 = arith.constant 6 : i32
      "tpu.region"() ({
        %run_scoped3A_233 = tpu.sem_alloc : memref<!tpu.dma_semaphore, #tpu.memory_space<semaphore_mem>>
        %dma_start3A_234 = arith.constant 0 : i32
        %dma_start3A_235 = tpu.memref_slice %arg12[%run_scoped3A_217, %dma_start3A_234] : memref<8x128xi32, #tpu.memory_space<vmem>> -> memref<1x128xi32, #tpu.memory_space<vmem>>
        %dma_start3A_236 = tpu.memref_squeeze %dma_start3A_235 : memref<1x128xi32, #tpu.memory_space<vmem>> -> memref<128xi32, #tpu.memory_space<vmem>>
        %dma_start3A_237 = arith.constant 0 : i32
        %dma_start3A_238 = arith.constant 0 : i32
        %dma_start3A_239 = tpu.memref_slice %arg15[%dma_start3A_237, %dma_start3A_238] : memref<204800x4xf32, #tpu.memory_space<vmem_shared>> -> memref<204800x4xf32, #tpu.memory_space<vmem_shared>>
        tpu.enqueue_indirect_dma source(%arg14 : memref<128x4xf32, #tpu.memory_space<vmem>>) target(%dma_start3A_239 : memref<204800x4xf32, #tpu.memory_space<vmem_shared>>) offsets(%dma_start3A_236 : memref<128xi32, #tpu.memory_space<vmem>>) semaphore(%run_scoped3A_233 : memref<!tpu.dma_semaphore, #tpu.memory_space<semaphore_mem>>) {add = true}
        %dma_wait3A_240 = arith.constant 0 : i32
        %dma_wait3A_241 = tpu.memref_slice %arg12[%run_scoped3A_217, %dma_wait3A_240] : memref<8x128xi32, #tpu.memory_space<vmem>> -> memref<1x128xi32, #tpu.memory_space<vmem>>
        %dma_wait3A_242 = tpu.memref_squeeze %dma_wait3A_241 : memref<1x128xi32, #tpu.memory_space<vmem>> -> memref<128xi32, #tpu.memory_space<vmem>>
        %dma_wait3A_243 = arith.constant 0 : i32
        %dma_wait3A_244 = arith.constant 0 : i32
        %dma_wait3A_245 = tpu.memref_slice %arg15[%dma_wait3A_243, %dma_wait3A_244] : memref<204800x4xf32, #tpu.memory_space<vmem_shared>> -> memref<204800x4xf32, #tpu.memory_space<vmem_shared>>
        tpu.wait_indirect_dma semaphore(%run_scoped3A_233 : memref<!tpu.dma_semaphore, #tpu.memory_space<semaphore_mem>>) src(%arg14 : memref<128x4xf32, #tpu.memory_space<vmem>>) dst(%dma_wait3A_245 : memref<204800x4xf32, #tpu.memory_space<vmem_shared>>)
        tpu.yield
      }) : () -> ()
      %dma_wait3A_218 = arith.constant 7 : i32
      %dma_wait3A_219 = arith.constant 7 : i32
      %dma_wait3A_220 = arith.constant 0 : i32
      %dma_wait3A_221 = arith.constant 0 : i32
      %dma_wait3A_222 = tpu.memref_slice %arg13[%dma_wait3A_219, %dma_wait3A_220, %dma_wait3A_221] : memref<8x128x4xf32, #tpu.memory_space<vmem>> -> memref<1x128x4xf32, #tpu.memory_space<vmem>>
      %dma_wait3A_223 = tpu.memref_squeeze %dma_wait3A_222 : memref<1x128x4xf32, #tpu.memory_space<vmem>> -> memref<128x4xf32, #tpu.memory_space<vmem>>
      %dma_wait3A_224 = arith.constant 0 : i32
      %dma_wait3A_225 = tpu.memref_slice %arg10[%dma_wait3A_218, %dma_wait3A_224] : memref<8x128xi32, #tpu.memory_space<vmem>> -> memref<1x128xi32, #tpu.memory_space<vmem>>
      %dma_wait3A_226 = tpu.memref_squeeze %dma_wait3A_225 : memref<1x128xi32, #tpu.memory_space<vmem>> -> memref<128xi32, #tpu.memory_space<vmem>>
      %dma_wait3A_227 = arith.constant 0 : i32
      %dma_wait3A_228 = arith.constant 0 : i32
      %dma_wait3A_229 = tpu.memref_slice %arg5[%dma_wait3A_227, %dma_wait3A_228] : memref<102400x4xf32, #tpu.memory_space<hbm>> -> memref<102400x4xf32, #tpu.memory_space<hbm>>
      tpu.wait_indirect_dma semaphore(%arg16 : memref<!tpu.dma_semaphore, #tpu.memory_space<semaphore_mem>>) src(%dma_wait3A_229 : memref<102400x4xf32, #tpu.memory_space<hbm>>) dst(%dma_wait3A_223 : memref<128x4xf32, #tpu.memory_space<vmem>>)
      %run_scoped3A_230 = arith.constant 7 : i32
      %run_scoped3A_231 = arith.constant 7 : i32
      "tpu.region"() ({
        %run_scoped3A_233 = tpu.sem_alloc : memref<!tpu.dma_semaphore, #tpu.memory_space<semaphore_mem>>
        %dma_start3A_234 = arith.constant 0 : i32
        %dma_start3A_235 = arith.constant 0 : i32
        %dma_start3A_236 = tpu.memref_slice %arg13[%run_scoped3A_230, %dma_start3A_234, %dma_start3A_235] : memref<8x128x4xf32, #tpu.memory_space<vmem>> -> memref<1x128x4xf32, #tpu.memory_space<vmem>>
        %dma_start3A_237 = tpu.memref_squeeze %dma_start3A_236 : memref<1x128x4xf32, #tpu.memory_space<vmem>> -> memref<128x4xf32, #tpu.memory_space<vmem>>
        %dma_start3A_238 = arith.constant 0 : i32
        %dma_start3A_239 = tpu.memref_slice %arg11[%run_scoped3A_231, %dma_start3A_238] : memref<8x128xi32, #tpu.memory_space<vmem>> -> memref<1x128xi32, #tpu.memory_space<vmem>>
        %dma_start3A_240 = tpu.memref_squeeze %dma_start3A_239 : memref<1x128xi32, #tpu.memory_space<vmem>> -> memref<128xi32, #tpu.memory_space<vmem>>
        %dma_start3A_241 = arith.constant 0 : i32
        %dma_start3A_242 = arith.constant 0 : i32
        %dma_start3A_243 = tpu.memref_slice %arg15[%dma_start3A_241, %dma_start3A_242] : memref<204800x4xf32, #tpu.memory_space<vmem_shared>> -> memref<204800x4xf32, #tpu.memory_space<vmem_shared>>
        tpu.enqueue_indirect_dma source(%dma_start3A_237 : memref<128x4xf32, #tpu.memory_space<vmem>>) target(%dma_start3A_243 : memref<204800x4xf32, #tpu.memory_space<vmem_shared>>) offsets(%dma_start3A_240 : memref<128xi32, #tpu.memory_space<vmem>>) semaphore(%run_scoped3A_233 : memref<!tpu.dma_semaphore, #tpu.memory_space<semaphore_mem>>) {add = true}
        %dma_wait3A_244 = arith.constant 0 : i32
        %dma_wait3A_245 = arith.constant 0 : i32
        %dma_wait3A_246 = tpu.memref_slice %arg13[%run_scoped3A_230, %dma_wait3A_244, %dma_wait3A_245] : memref<8x128x4xf32, #tpu.memory_space<vmem>> -> memref<1x128x4xf32, #tpu.memory_space<vmem>>
        %dma_wait3A_247 = tpu.memref_squeeze %dma_wait3A_246 : memref<1x128x4xf32, #tpu.memory_space<vmem>> -> memref<128x4xf32, #tpu.memory_space<vmem>>
        %dma_wait3A_248 = arith.constant 0 : i32
        %dma_wait3A_249 = tpu.memref_slice %arg11[%run_scoped3A_231, %dma_wait3A_248] : memref<8x128xi32, #tpu.memory_space<vmem>> -> memref<1x128xi32, #tpu.memory_space<vmem>>
        %dma_wait3A_250 = tpu.memref_squeeze %dma_wait3A_249 : memref<1x128xi32, #tpu.memory_space<vmem>> -> memref<128xi32, #tpu.memory_space<vmem>>
        %dma_wait3A_251 = arith.constant 0 : i32
        %dma_wait3A_252 = arith.constant 0 : i32
        %dma_wait3A_253 = tpu.memref_slice %arg15[%dma_wait3A_251, %dma_wait3A_252] : memref<204800x4xf32, #tpu.memory_space<vmem_shared>> -> memref<204800x4xf32, #tpu.memory_space<vmem_shared>>
        tpu.wait_indirect_dma semaphore(%run_scoped3A_233 : memref<!tpu.dma_semaphore, #tpu.memory_space<semaphore_mem>>) src(%dma_wait3A_247 : memref<128x4xf32, #tpu.memory_space<vmem>>) dst(%dma_wait3A_253 : memref<204800x4xf32, #tpu.memory_space<vmem_shared>>)
        tpu.yield
      }) : () -> ()
      %run_scoped3A_232 = arith.constant 7 : i32
      "tpu.region"() ({
        %run_scoped3A_233 = tpu.sem_alloc : memref<!tpu.dma_semaphore, #tpu.memory_space<semaphore_mem>>
        %dma_start3A_234 = arith.constant 0 : i32
        %dma_start3A_235 = tpu.memref_slice %arg12[%run_scoped3A_232, %dma_start3A_234] : memref<8x128xi32, #tpu.memory_space<vmem>> -> memref<1x128xi32, #tpu.memory_space<vmem>>
        %dma_start3A_236 = tpu.memref_squeeze %dma_start3A_235 : memref<1x128xi32, #tpu.memory_space<vmem>> -> memref<128xi32, #tpu.memory_space<vmem>>
        %dma_start3A_237 = arith.constant 0 : i32
        %dma_start3A_238 = arith.constant 0 : i32
        %dma_start3A_239 = tpu.memref_slice %arg15[%dma_start3A_237, %dma_start3A_238] : memref<204800x4xf32, #tpu.memory_space<vmem_shared>> -> memref<204800x4xf32, #tpu.memory_space<vmem_shared>>
        tpu.enqueue_indirect_dma source(%arg14 : memref<128x4xf32, #tpu.memory_space<vmem>>) target(%dma_start3A_239 : memref<204800x4xf32, #tpu.memory_space<vmem_shared>>) offsets(%dma_start3A_236 : memref<128xi32, #tpu.memory_space<vmem>>) semaphore(%run_scoped3A_233 : memref<!tpu.dma_semaphore, #tpu.memory_space<semaphore_mem>>) {add = true}
        %dma_wait3A_240 = arith.constant 0 : i32
        %dma_wait3A_241 = tpu.memref_slice %arg12[%run_scoped3A_232, %dma_wait3A_240] : memref<8x128xi32, #tpu.memory_space<vmem>> -> memref<1x128xi32, #tpu.memory_space<vmem>>
        %dma_wait3A_242 = tpu.memref_squeeze %dma_wait3A_241 : memref<1x128xi32, #tpu.memory_space<vmem>> -> memref<128xi32, #tpu.memory_space<vmem>>
        %dma_wait3A_243 = arith.constant 0 : i32
        %dma_wait3A_244 = arith.constant 0 : i32
        %dma_wait3A_245 = tpu.memref_slice %arg15[%dma_wait3A_243, %dma_wait3A_244] : memref<204800x4xf32, #tpu.memory_space<vmem_shared>> -> memref<204800x4xf32, #tpu.memory_space<vmem_shared>>
        tpu.wait_indirect_dma semaphore(%run_scoped3A_233 : memref<!tpu.dma_semaphore, #tpu.memory_space<semaphore_mem>>) src(%arg14 : memref<128x4xf32, #tpu.memory_space<vmem>>) dst(%dma_wait3A_245 : memref<204800x4xf32, #tpu.memory_space<vmem_shared>>)
        tpu.yield
      }) : () -> ()
    }
    %scan3A_12 = arith.constant 98 : i32
    %barrier3A_13 = arith.constant 0 : index
    tpu.barrier barrier_id(%barrier3A_13)
    "tpu.region"() ({
      %run_scoped3A = tpu.sem_alloc : memref<!tpu.dma_semaphore, #tpu.memory_space<semaphore_mem>>
      %dma_start3A = arith.constant 0 : i32
      %dma_start3A_14 = tpu.memref_slice %arg8[%arg0, %mul3A_2, %dma_start3A] : memref<2x102400x4xf32, #tpu.memory_space<hbm>> -> memref<1x6400x4xf32, #tpu.memory_space<hbm>>
      %dma_start3A_15 = tpu.memref_squeeze %dma_start3A_14 : memref<1x6400x4xf32, #tpu.memory_space<hbm>> -> memref<6400x4xf32, #tpu.memory_space<hbm>>
      %dma_start3A_16 = arith.constant 0 : i32
      %dma_start3A_17 = tpu.memref_slice %arg15[%mul3A_2, %dma_start3A_16] : memref<204800x4xf32, #tpu.memory_space<vmem_shared>> -> memref<6400x4xf32, #tpu.memory_space<vmem_shared>>
      tpu.enqueue_dma source(%dma_start3A_17 : memref<6400x4xf32, #tpu.memory_space<vmem_shared>>) target(%dma_start3A_15 : memref<6400x4xf32, #tpu.memory_space<hbm>>) target_semaphore(%run_scoped3A : memref<!tpu.dma_semaphore, #tpu.memory_space<semaphore_mem>>)
      %dma_wait3A = arith.constant 0 : i32
      %dma_wait3A_18 = tpu.memref_slice %arg8[%arg0, %mul3A_2, %dma_wait3A] : memref<2x102400x4xf32, #tpu.memory_space<hbm>> -> memref<1x6400x4xf32, #tpu.memory_space<hbm>>
      %dma_wait3A_19 = tpu.memref_squeeze %dma_wait3A_18 : memref<1x6400x4xf32, #tpu.memory_space<hbm>> -> memref<6400x4xf32, #tpu.memory_space<hbm>>
      %dma_wait3A_20 = arith.constant 0 : i32
      %dma_wait3A_21 = tpu.memref_slice %arg15[%mul3A_2, %dma_wait3A_20] : memref<204800x4xf32, #tpu.memory_space<vmem_shared>> -> memref<6400x4xf32, #tpu.memory_space<vmem_shared>>
      tpu.wait_dma2 semaphore(%run_scoped3A : memref<!tpu.dma_semaphore, #tpu.memory_space<semaphore_mem>>) src(%dma_wait3A_21 : memref<6400x4xf32, #tpu.memory_space<vmem_shared>>) dst(%dma_wait3A_19 : memref<6400x4xf32, #tpu.memory_space<hbm>>)
      tpu.yield
    }) : () -> ()
    "tpu.region"() ({
      %run_scoped3A = tpu.sem_alloc : memref<!tpu.dma_semaphore, #tpu.memory_space<semaphore_mem>>
      %dma_start3A = arith.constant 0 : i32
      %dma_start3A_14 = tpu.memref_slice %arg9[%arg0, %mul3A_2, %dma_start3A] : memref<2x102400x4xf32, #tpu.memory_space<hbm>> -> memref<1x6400x4xf32, #tpu.memory_space<hbm>>
      %dma_start3A_15 = tpu.memref_squeeze %dma_start3A_14 : memref<1x6400x4xf32, #tpu.memory_space<hbm>> -> memref<6400x4xf32, #tpu.memory_space<hbm>>
      %dma_start3A_16 = arith.constant 0 : i32
      %dma_start3A_17 = tpu.memref_slice %arg15[%add3A_6, %dma_start3A_16] : memref<204800x4xf32, #tpu.memory_space<vmem_shared>> -> memref<6400x4xf32, #tpu.memory_space<vmem_shared>>
      tpu.enqueue_dma source(%dma_start3A_17 : memref<6400x4xf32, #tpu.memory_space<vmem_shared>>) target(%dma_start3A_15 : memref<6400x4xf32, #tpu.memory_space<hbm>>) target_semaphore(%run_scoped3A : memref<!tpu.dma_semaphore, #tpu.memory_space<semaphore_mem>>)
      %dma_wait3A = arith.constant 0 : i32
      %dma_wait3A_18 = tpu.memref_slice %arg9[%arg0, %mul3A_2, %dma_wait3A] : memref<2x102400x4xf32, #tpu.memory_space<hbm>> -> memref<1x6400x4xf32, #tpu.memory_space<hbm>>
      %dma_wait3A_19 = tpu.memref_squeeze %dma_wait3A_18 : memref<1x6400x4xf32, #tpu.memory_space<hbm>> -> memref<6400x4xf32, #tpu.memory_space<hbm>>
      %dma_wait3A_20 = arith.constant 0 : i32
      %dma_wait3A_21 = tpu.memref_slice %arg15[%add3A_6, %dma_wait3A_20] : memref<204800x4xf32, #tpu.memory_space<vmem_shared>> -> memref<6400x4xf32, #tpu.memory_space<vmem_shared>>
      tpu.wait_dma2 semaphore(%run_scoped3A : memref<!tpu.dma_semaphore, #tpu.memory_space<semaphore_mem>>) src(%dma_wait3A_21 : memref<6400x4xf32, #tpu.memory_space<vmem_shared>>) dst(%dma_wait3A_19 : memref<6400x4xf32, #tpu.memory_space<hbm>>)
      tpu.yield
    }) : () -> ()
    return
  }
}

#map = affine_map<(d0, d1) -> (0, 0)>
#map1 = affine_map<(d0, d1) -> (0, 0, 0)>
module attributes {stable_mosaic.version = 14 : i64} {
  func.func @_lambda_(%arg0: i32, %arg1: i32, %arg2: memref<25088x128xi32, #tpu.memory_space<hbm>>, %arg3: memref<25088x128xi32, #tpu.memory_space<hbm>>, %arg4: memref<102400x4xf32, #tpu.memory_space<hbm>>, %arg5: memref<6400x4xf32, #tpu.memory_space<hbm>>, %arg6: memref<2x102400x4xf32, #tpu.memory_space<hbm>>, %arg7: memref<8x128xi32, #tpu.memory_space<vmem>>, %arg8: memref<8x128xi32, #tpu.memory_space<vmem>>, %arg9: memref<8x128x4xf32, #tpu.memory_space<vmem>>, %arg10: memref<204800x4xf32, #tpu.memory_space<vmem_shared>>, %arg11: memref<!tpu.dma_semaphore, #tpu.memory_space<semaphore_mem>>) attributes {dimension_semantics = [#tpu.dimension_semantics<core_parallel>, #tpu.dimension_semantics<subcore_parallel>], iteration_bounds = array<i64: 2, 16>, scalar_prefetch = 0 : i64, scratch_operands = 5 : i64, tpu.core_type = #tpu.core_type<sc_vector_subcore>, window_params = [{transform_indices = #map}, {transform_indices = #map}, {transform_indices = #map}, {transform_indices = #map}, {transform_indices = #map1}]} {
    %mul3A = arith.constant 16 : i32
    %mul3A_0 = arith.muli %arg0, %mul3A : i32
    %add3A = arith.addi %mul3A_0, %arg1 : i32
    %mul3A_1 = arith.constant 6400 : i32
    %mul3A_2 = arith.muli %arg1, %mul3A_1 : i32
    %mul3A_3 = arith.constant 6400 : i32
    %mul3A_4 = arith.muli %arg1, %mul3A_3 : i32
    %add3A_5 = arith.constant 102400 : i32
    %add3A_6 = arith.addi %add3A_5, %mul3A_4 : i32
    "tpu.region"() ({
      %run_scoped3A = tpu.sem_alloc : memref<!tpu.dma_semaphore, #tpu.memory_space<semaphore_mem>>
      %dma_start3A = arith.constant 0 : i32
      %dma_start3A_14 = tpu.memref_slice %arg10[%mul3A_2, %dma_start3A] : memref<204800x4xf32, #tpu.memory_space<vmem_shared>> -> memref<6400x4xf32, #tpu.memory_space<vmem_shared>>
      %dma_start3A_15 = arith.constant 0 : i32
      %dma_start3A_16 = tpu.memref_slice %arg4[%mul3A_2, %dma_start3A_15] : memref<102400x4xf32, #tpu.memory_space<hbm>> -> memref<6400x4xf32, #tpu.memory_space<hbm>>
      tpu.enqueue_dma source(%dma_start3A_16 : memref<6400x4xf32, #tpu.memory_space<hbm>>) target(%dma_start3A_14 : memref<6400x4xf32, #tpu.memory_space<vmem_shared>>) target_semaphore(%run_scoped3A : memref<!tpu.dma_semaphore, #tpu.memory_space<semaphore_mem>>)
      %dma_wait3A = arith.constant 0 : i32
      %dma_wait3A_17 = tpu.memref_slice %arg10[%mul3A_2, %dma_wait3A] : memref<204800x4xf32, #tpu.memory_space<vmem_shared>> -> memref<6400x4xf32, #tpu.memory_space<vmem_shared>>
      %dma_wait3A_18 = arith.constant 0 : i32
      %dma_wait3A_19 = tpu.memref_slice %arg4[%mul3A_2, %dma_wait3A_18] : memref<102400x4xf32, #tpu.memory_space<hbm>> -> memref<6400x4xf32, #tpu.memory_space<hbm>>
      tpu.wait_dma2 semaphore(%run_scoped3A : memref<!tpu.dma_semaphore, #tpu.memory_space<semaphore_mem>>) src(%dma_wait3A_19 : memref<6400x4xf32, #tpu.memory_space<hbm>>) dst(%dma_wait3A_17 : memref<6400x4xf32, #tpu.memory_space<vmem_shared>>)
      tpu.yield
    }) : () -> ()
    "tpu.region"() ({
      %run_scoped3A = tpu.sem_alloc : memref<!tpu.dma_semaphore, #tpu.memory_space<semaphore_mem>>
      %dma_start3A = arith.constant 0 : i32
      %dma_start3A_14 = tpu.memref_slice %arg10[%add3A_6, %dma_start3A] : memref<204800x4xf32, #tpu.memory_space<vmem_shared>> -> memref<6400x4xf32, #tpu.memory_space<vmem_shared>>
      tpu.enqueue_dma source(%arg5 : memref<6400x4xf32, #tpu.memory_space<hbm>>) target(%dma_start3A_14 : memref<6400x4xf32, #tpu.memory_space<vmem_shared>>) target_semaphore(%run_scoped3A : memref<!tpu.dma_semaphore, #tpu.memory_space<semaphore_mem>>)
      %dma_wait3A = arith.constant 0 : i32
      %dma_wait3A_15 = tpu.memref_slice %arg10[%add3A_6, %dma_wait3A] : memref<204800x4xf32, #tpu.memory_space<vmem_shared>> -> memref<6400x4xf32, #tpu.memory_space<vmem_shared>>
      tpu.wait_dma2 semaphore(%run_scoped3A : memref<!tpu.dma_semaphore, #tpu.memory_space<semaphore_mem>>) src(%arg5 : memref<6400x4xf32, #tpu.memory_space<hbm>>) dst(%dma_wait3A_15 : memref<6400x4xf32, #tpu.memory_space<vmem_shared>>)
      tpu.yield
    }) : () -> ()
    %barrier3A = arith.constant 0 : index
    tpu.barrier barrier_id(%barrier3A)
    %mul3A_7 = arith.constant 784 : i32
    %mul3A_8 = arith.muli %add3A, %mul3A_7 : i32
    %scan3A = arith.constant 0 : i32
    %scan3A_9 = arith.constant 98 : i32
    %scan3A_10 = arith.addi %scan3A, %scan3A_9 : i32
    %scan3A_11 = arith.constant 1 : i32
    scf.for %scan3A_14 = %scan3A to %scan3A_10 step %scan3A_11  : i32 {
      %mul3A_15 = arith.constant 8 : i32
      %mul3A_16 = arith.muli %scan3A_14, %mul3A_15 : i32
      %add3A_17 = arith.constant 0 : i32
      %add3A_18 = arith.addi %add3A_17, %mul3A_16 : i32
      %add3A_19 = arith.addi %mul3A_8, %add3A_18 : i32
      "tpu.region"() ({
        %run_scoped3A_225 = tpu.sem_alloc : memref<!tpu.dma_semaphore, #tpu.memory_space<semaphore_mem>>
        %dma_start3A_226 = arith.constant 0 : i32
        %dma_start3A_227 = tpu.memref_slice %arg2[%add3A_19, %dma_start3A_226] : memref<25088x128xi32, #tpu.memory_space<hbm>> -> memref<8x128xi32, #tpu.memory_space<hbm>>
        %dma_start3A_228 = arith.constant 0 : i32
        %dma_start3A_229 = tpu.memref_slice %arg2[%add3A_19, %dma_start3A_228] : memref<25088x128xi32, #tpu.memory_space<hbm>> -> memref<8x128xi32, #tpu.memory_space<hbm>>
        tpu.enqueue_dma source(%dma_start3A_229 : memref<8x128xi32, #tpu.memory_space<hbm>>) target(%arg7 : memref<8x128xi32, #tpu.memory_space<vmem>>) target_semaphore(%run_scoped3A_225 : memref<!tpu.dma_semaphore, #tpu.memory_space<semaphore_mem>>)
        %dma_wait3A_230 = arith.constant 0 : i32
        %dma_wait3A_231 = tpu.memref_slice %arg2[%add3A_19, %dma_wait3A_230] : memref<25088x128xi32, #tpu.memory_space<hbm>> -> memref<8x128xi32, #tpu.memory_space<hbm>>
        %dma_wait3A_232 = arith.constant 0 : i32
        %dma_wait3A_233 = tpu.memref_slice %arg2[%add3A_19, %dma_wait3A_232] : memref<25088x128xi32, #tpu.memory_space<hbm>> -> memref<8x128xi32, #tpu.memory_space<hbm>>
        tpu.wait_dma2 semaphore(%run_scoped3A_225 : memref<!tpu.dma_semaphore, #tpu.memory_space<semaphore_mem>>) src(%dma_wait3A_233 : memref<8x128xi32, #tpu.memory_space<hbm>>) dst(%arg7 : memref<8x128xi32, #tpu.memory_space<vmem>>)
        tpu.yield
      }) : () -> ()
      "tpu.region"() ({
        %run_scoped3A_225 = tpu.sem_alloc : memref<!tpu.dma_semaphore, #tpu.memory_space<semaphore_mem>>
        %dma_start3A_226 = arith.constant 0 : i32
        %dma_start3A_227 = tpu.memref_slice %arg3[%add3A_19, %dma_start3A_226] : memref<25088x128xi32, #tpu.memory_space<hbm>> -> memref<8x128xi32, #tpu.memory_space<hbm>>
        %dma_start3A_228 = arith.constant 0 : i32
        %dma_start3A_229 = tpu.memref_slice %arg3[%add3A_19, %dma_start3A_228] : memref<25088x128xi32, #tpu.memory_space<hbm>> -> memref<8x128xi32, #tpu.memory_space<hbm>>
        tpu.enqueue_dma source(%dma_start3A_229 : memref<8x128xi32, #tpu.memory_space<hbm>>) target(%arg8 : memref<8x128xi32, #tpu.memory_space<vmem>>) target_semaphore(%run_scoped3A_225 : memref<!tpu.dma_semaphore, #tpu.memory_space<semaphore_mem>>)
        %dma_wait3A_230 = arith.constant 0 : i32
        %dma_wait3A_231 = tpu.memref_slice %arg3[%add3A_19, %dma_wait3A_230] : memref<25088x128xi32, #tpu.memory_space<hbm>> -> memref<8x128xi32, #tpu.memory_space<hbm>>
        %dma_wait3A_232 = arith.constant 0 : i32
        %dma_wait3A_233 = tpu.memref_slice %arg3[%add3A_19, %dma_wait3A_232] : memref<25088x128xi32, #tpu.memory_space<hbm>> -> memref<8x128xi32, #tpu.memory_space<hbm>>
        tpu.wait_dma2 semaphore(%run_scoped3A_225 : memref<!tpu.dma_semaphore, #tpu.memory_space<semaphore_mem>>) src(%dma_wait3A_233 : memref<8x128xi32, #tpu.memory_space<hbm>>) dst(%arg8 : memref<8x128xi32, #tpu.memory_space<vmem>>)
        tpu.yield
      }) : () -> ()
      %dma_start3A = arith.constant 0 : i32
      %dma_start3A_20 = arith.constant 0 : i32
      %dma_start3A_21 = arith.constant 0 : i32
      %dma_start3A_22 = arith.constant 0 : i32
      %dma_start3A_23 = tpu.memref_slice %arg9[%dma_start3A_20, %dma_start3A_21, %dma_start3A_22] : memref<8x128x4xf32, #tpu.memory_space<vmem>> -> memref<1x128x4xf32, #tpu.memory_space<vmem>>
      %dma_start3A_24 = tpu.memref_squeeze %dma_start3A_23 : memref<1x128x4xf32, #tpu.memory_space<vmem>> -> memref<128x4xf32, #tpu.memory_space<vmem>>
      %dma_start3A_25 = arith.constant 0 : i32
      %dma_start3A_26 = tpu.memref_slice %arg7[%dma_start3A, %dma_start3A_25] : memref<8x128xi32, #tpu.memory_space<vmem>> -> memref<1x128xi32, #tpu.memory_space<vmem>>
      %dma_start3A_27 = tpu.memref_squeeze %dma_start3A_26 : memref<1x128xi32, #tpu.memory_space<vmem>> -> memref<128xi32, #tpu.memory_space<vmem>>
      %dma_start3A_28 = arith.constant 0 : i32
      %dma_start3A_29 = arith.constant 0 : i32
      %dma_start3A_30 = tpu.memref_slice %arg10[%dma_start3A_28, %dma_start3A_29] : memref<204800x4xf32, #tpu.memory_space<vmem_shared>> -> memref<204800x4xf32, #tpu.memory_space<vmem_shared>>
      tpu.enqueue_indirect_dma source(%dma_start3A_30 : memref<204800x4xf32, #tpu.memory_space<vmem_shared>>) target(%dma_start3A_24 : memref<128x4xf32, #tpu.memory_space<vmem>>) offsets(%dma_start3A_27 : memref<128xi32, #tpu.memory_space<vmem>>) semaphore(%arg11 : memref<!tpu.dma_semaphore, #tpu.memory_space<semaphore_mem>>)
      %dma_start3A_31 = arith.constant 1 : i32
      %dma_start3A_32 = arith.constant 1 : i32
      %dma_start3A_33 = arith.constant 0 : i32
      %dma_start3A_34 = arith.constant 0 : i32
      %dma_start3A_35 = tpu.memref_slice %arg9[%dma_start3A_32, %dma_start3A_33, %dma_start3A_34] : memref<8x128x4xf32, #tpu.memory_space<vmem>> -> memref<1x128x4xf32, #tpu.memory_space<vmem>>
      %dma_start3A_36 = tpu.memref_squeeze %dma_start3A_35 : memref<1x128x4xf32, #tpu.memory_space<vmem>> -> memref<128x4xf32, #tpu.memory_space<vmem>>
      %dma_start3A_37 = arith.constant 0 : i32
      %dma_start3A_38 = tpu.memref_slice %arg7[%dma_start3A_31, %dma_start3A_37] : memref<8x128xi32, #tpu.memory_space<vmem>> -> memref<1x128xi32, #tpu.memory_space<vmem>>
      %dma_start3A_39 = tpu.memref_squeeze %dma_start3A_38 : memref<1x128xi32, #tpu.memory_space<vmem>> -> memref<128xi32, #tpu.memory_space<vmem>>
      %dma_start3A_40 = arith.constant 0 : i32
      %dma_start3A_41 = arith.constant 0 : i32
      %dma_start3A_42 = tpu.memref_slice %arg10[%dma_start3A_40, %dma_start3A_41] : memref<204800x4xf32, #tpu.memory_space<vmem_shared>> -> memref<204800x4xf32, #tpu.memory_space<vmem_shared>>
      tpu.enqueue_indirect_dma source(%dma_start3A_42 : memref<204800x4xf32, #tpu.memory_space<vmem_shared>>) target(%dma_start3A_36 : memref<128x4xf32, #tpu.memory_space<vmem>>) offsets(%dma_start3A_39 : memref<128xi32, #tpu.memory_space<vmem>>) semaphore(%arg11 : memref<!tpu.dma_semaphore, #tpu.memory_space<semaphore_mem>>)
      %dma_start3A_43 = arith.constant 2 : i32
      %dma_start3A_44 = arith.constant 2 : i32
      %dma_start3A_45 = arith.constant 0 : i32
      %dma_start3A_46 = arith.constant 0 : i32
      %dma_start3A_47 = tpu.memref_slice %arg9[%dma_start3A_44, %dma_start3A_45, %dma_start3A_46] : memref<8x128x4xf32, #tpu.memory_space<vmem>> -> memref<1x128x4xf32, #tpu.memory_space<vmem>>
      %dma_start3A_48 = tpu.memref_squeeze %dma_start3A_47 : memref<1x128x4xf32, #tpu.memory_space<vmem>> -> memref<128x4xf32, #tpu.memory_space<vmem>>
      %dma_start3A_49 = arith.constant 0 : i32
      %dma_start3A_50 = tpu.memref_slice %arg7[%dma_start3A_43, %dma_start3A_49] : memref<8x128xi32, #tpu.memory_space<vmem>> -> memref<1x128xi32, #tpu.memory_space<vmem>>
      %dma_start3A_51 = tpu.memref_squeeze %dma_start3A_50 : memref<1x128xi32, #tpu.memory_space<vmem>> -> memref<128xi32, #tpu.memory_space<vmem>>
      %dma_start3A_52 = arith.constant 0 : i32
      %dma_start3A_53 = arith.constant 0 : i32
      %dma_start3A_54 = tpu.memref_slice %arg10[%dma_start3A_52, %dma_start3A_53] : memref<204800x4xf32, #tpu.memory_space<vmem_shared>> -> memref<204800x4xf32, #tpu.memory_space<vmem_shared>>
      tpu.enqueue_indirect_dma source(%dma_start3A_54 : memref<204800x4xf32, #tpu.memory_space<vmem_shared>>) target(%dma_start3A_48 : memref<128x4xf32, #tpu.memory_space<vmem>>) offsets(%dma_start3A_51 : memref<128xi32, #tpu.memory_space<vmem>>) semaphore(%arg11 : memref<!tpu.dma_semaphore, #tpu.memory_space<semaphore_mem>>)
      %dma_start3A_55 = arith.constant 3 : i32
      %dma_start3A_56 = arith.constant 3 : i32
      %dma_start3A_57 = arith.constant 0 : i32
      %dma_start3A_58 = arith.constant 0 : i32
      %dma_start3A_59 = tpu.memref_slice %arg9[%dma_start3A_56, %dma_start3A_57, %dma_start3A_58] : memref<8x128x4xf32, #tpu.memory_space<vmem>> -> memref<1x128x4xf32, #tpu.memory_space<vmem>>
      %dma_start3A_60 = tpu.memref_squeeze %dma_start3A_59 : memref<1x128x4xf32, #tpu.memory_space<vmem>> -> memref<128x4xf32, #tpu.memory_space<vmem>>
      %dma_start3A_61 = arith.constant 0 : i32
      %dma_start3A_62 = tpu.memref_slice %arg7[%dma_start3A_55, %dma_start3A_61] : memref<8x128xi32, #tpu.memory_space<vmem>> -> memref<1x128xi32, #tpu.memory_space<vmem>>
      %dma_start3A_63 = tpu.memref_squeeze %dma_start3A_62 : memref<1x128xi32, #tpu.memory_space<vmem>> -> memref<128xi32, #tpu.memory_space<vmem>>
      %dma_start3A_64 = arith.constant 0 : i32
      %dma_start3A_65 = arith.constant 0 : i32
      %dma_start3A_66 = tpu.memref_slice %arg10[%dma_start3A_64, %dma_start3A_65] : memref<204800x4xf32, #tpu.memory_space<vmem_shared>> -> memref<204800x4xf32, #tpu.memory_space<vmem_shared>>
      tpu.enqueue_indirect_dma source(%dma_start3A_66 : memref<204800x4xf32, #tpu.memory_space<vmem_shared>>) target(%dma_start3A_60 : memref<128x4xf32, #tpu.memory_space<vmem>>) offsets(%dma_start3A_63 : memref<128xi32, #tpu.memory_space<vmem>>) semaphore(%arg11 : memref<!tpu.dma_semaphore, #tpu.memory_space<semaphore_mem>>)
      %dma_start3A_67 = arith.constant 4 : i32
      %dma_start3A_68 = arith.constant 4 : i32
      %dma_start3A_69 = arith.constant 0 : i32
      %dma_start3A_70 = arith.constant 0 : i32
      %dma_start3A_71 = tpu.memref_slice %arg9[%dma_start3A_68, %dma_start3A_69, %dma_start3A_70] : memref<8x128x4xf32, #tpu.memory_space<vmem>> -> memref<1x128x4xf32, #tpu.memory_space<vmem>>
      %dma_start3A_72 = tpu.memref_squeeze %dma_start3A_71 : memref<1x128x4xf32, #tpu.memory_space<vmem>> -> memref<128x4xf32, #tpu.memory_space<vmem>>
      %dma_start3A_73 = arith.constant 0 : i32
      %dma_start3A_74 = tpu.memref_slice %arg7[%dma_start3A_67, %dma_start3A_73] : memref<8x128xi32, #tpu.memory_space<vmem>> -> memref<1x128xi32, #tpu.memory_space<vmem>>
      %dma_start3A_75 = tpu.memref_squeeze %dma_start3A_74 : memref<1x128xi32, #tpu.memory_space<vmem>> -> memref<128xi32, #tpu.memory_space<vmem>>
      %dma_start3A_76 = arith.constant 0 : i32
      %dma_start3A_77 = arith.constant 0 : i32
      %dma_start3A_78 = tpu.memref_slice %arg10[%dma_start3A_76, %dma_start3A_77] : memref<204800x4xf32, #tpu.memory_space<vmem_shared>> -> memref<204800x4xf32, #tpu.memory_space<vmem_shared>>
      tpu.enqueue_indirect_dma source(%dma_start3A_78 : memref<204800x4xf32, #tpu.memory_space<vmem_shared>>) target(%dma_start3A_72 : memref<128x4xf32, #tpu.memory_space<vmem>>) offsets(%dma_start3A_75 : memref<128xi32, #tpu.memory_space<vmem>>) semaphore(%arg11 : memref<!tpu.dma_semaphore, #tpu.memory_space<semaphore_mem>>)
      %dma_start3A_79 = arith.constant 5 : i32
      %dma_start3A_80 = arith.constant 5 : i32
      %dma_start3A_81 = arith.constant 0 : i32
      %dma_start3A_82 = arith.constant 0 : i32
      %dma_start3A_83 = tpu.memref_slice %arg9[%dma_start3A_80, %dma_start3A_81, %dma_start3A_82] : memref<8x128x4xf32, #tpu.memory_space<vmem>> -> memref<1x128x4xf32, #tpu.memory_space<vmem>>
      %dma_start3A_84 = tpu.memref_squeeze %dma_start3A_83 : memref<1x128x4xf32, #tpu.memory_space<vmem>> -> memref<128x4xf32, #tpu.memory_space<vmem>>
      %dma_start3A_85 = arith.constant 0 : i32
      %dma_start3A_86 = tpu.memref_slice %arg7[%dma_start3A_79, %dma_start3A_85] : memref<8x128xi32, #tpu.memory_space<vmem>> -> memref<1x128xi32, #tpu.memory_space<vmem>>
      %dma_start3A_87 = tpu.memref_squeeze %dma_start3A_86 : memref<1x128xi32, #tpu.memory_space<vmem>> -> memref<128xi32, #tpu.memory_space<vmem>>
      %dma_start3A_88 = arith.constant 0 : i32
      %dma_start3A_89 = arith.constant 0 : i32
      %dma_start3A_90 = tpu.memref_slice %arg10[%dma_start3A_88, %dma_start3A_89] : memref<204800x4xf32, #tpu.memory_space<vmem_shared>> -> memref<204800x4xf32, #tpu.memory_space<vmem_shared>>
      tpu.enqueue_indirect_dma source(%dma_start3A_90 : memref<204800x4xf32, #tpu.memory_space<vmem_shared>>) target(%dma_start3A_84 : memref<128x4xf32, #tpu.memory_space<vmem>>) offsets(%dma_start3A_87 : memref<128xi32, #tpu.memory_space<vmem>>) semaphore(%arg11 : memref<!tpu.dma_semaphore, #tpu.memory_space<semaphore_mem>>)
      %dma_start3A_91 = arith.constant 6 : i32
      %dma_start3A_92 = arith.constant 6 : i32
      %dma_start3A_93 = arith.constant 0 : i32
      %dma_start3A_94 = arith.constant 0 : i32
      %dma_start3A_95 = tpu.memref_slice %arg9[%dma_start3A_92, %dma_start3A_93, %dma_start3A_94] : memref<8x128x4xf32, #tpu.memory_space<vmem>> -> memref<1x128x4xf32, #tpu.memory_space<vmem>>
      %dma_start3A_96 = tpu.memref_squeeze %dma_start3A_95 : memref<1x128x4xf32, #tpu.memory_space<vmem>> -> memref<128x4xf32, #tpu.memory_space<vmem>>
      %dma_start3A_97 = arith.constant 0 : i32
      %dma_start3A_98 = tpu.memref_slice %arg7[%dma_start3A_91, %dma_start3A_97] : memref<8x128xi32, #tpu.memory_space<vmem>> -> memref<1x128xi32, #tpu.memory_space<vmem>>
      %dma_start3A_99 = tpu.memref_squeeze %dma_start3A_98 : memref<1x128xi32, #tpu.memory_space<vmem>> -> memref<128xi32, #tpu.memory_space<vmem>>
      %dma_start3A_100 = arith.constant 0 : i32
      %dma_start3A_101 = arith.constant 0 : i32
      %dma_start3A_102 = tpu.memref_slice %arg10[%dma_start3A_100, %dma_start3A_101] : memref<204800x4xf32, #tpu.memory_space<vmem_shared>> -> memref<204800x4xf32, #tpu.memory_space<vmem_shared>>
      tpu.enqueue_indirect_dma source(%dma_start3A_102 : memref<204800x4xf32, #tpu.memory_space<vmem_shared>>) target(%dma_start3A_96 : memref<128x4xf32, #tpu.memory_space<vmem>>) offsets(%dma_start3A_99 : memref<128xi32, #tpu.memory_space<vmem>>) semaphore(%arg11 : memref<!tpu.dma_semaphore, #tpu.memory_space<semaphore_mem>>)
      %dma_start3A_103 = arith.constant 7 : i32
      %dma_start3A_104 = arith.constant 7 : i32
      %dma_start3A_105 = arith.constant 0 : i32
      %dma_start3A_106 = arith.constant 0 : i32
      %dma_start3A_107 = tpu.memref_slice %arg9[%dma_start3A_104, %dma_start3A_105, %dma_start3A_106] : memref<8x128x4xf32, #tpu.memory_space<vmem>> -> memref<1x128x4xf32, #tpu.memory_space<vmem>>
      %dma_start3A_108 = tpu.memref_squeeze %dma_start3A_107 : memref<1x128x4xf32, #tpu.memory_space<vmem>> -> memref<128x4xf32, #tpu.memory_space<vmem>>
      %dma_start3A_109 = arith.constant 0 : i32
      %dma_start3A_110 = tpu.memref_slice %arg7[%dma_start3A_103, %dma_start3A_109] : memref<8x128xi32, #tpu.memory_space<vmem>> -> memref<1x128xi32, #tpu.memory_space<vmem>>
      %dma_start3A_111 = tpu.memref_squeeze %dma_start3A_110 : memref<1x128xi32, #tpu.memory_space<vmem>> -> memref<128xi32, #tpu.memory_space<vmem>>
      %dma_start3A_112 = arith.constant 0 : i32
      %dma_start3A_113 = arith.constant 0 : i32
      %dma_start3A_114 = tpu.memref_slice %arg10[%dma_start3A_112, %dma_start3A_113] : memref<204800x4xf32, #tpu.memory_space<vmem_shared>> -> memref<204800x4xf32, #tpu.memory_space<vmem_shared>>
      tpu.enqueue_indirect_dma source(%dma_start3A_114 : memref<204800x4xf32, #tpu.memory_space<vmem_shared>>) target(%dma_start3A_108 : memref<128x4xf32, #tpu.memory_space<vmem>>) offsets(%dma_start3A_111 : memref<128xi32, #tpu.memory_space<vmem>>) semaphore(%arg11 : memref<!tpu.dma_semaphore, #tpu.memory_space<semaphore_mem>>)
      %dma_wait3A = arith.constant 0 : i32
      %dma_wait3A_115 = arith.constant 0 : i32
      %dma_wait3A_116 = arith.constant 0 : i32
      %dma_wait3A_117 = arith.constant 0 : i32
      %dma_wait3A_118 = tpu.memref_slice %arg9[%dma_wait3A_115, %dma_wait3A_116, %dma_wait3A_117] : memref<8x128x4xf32, #tpu.memory_space<vmem>> -> memref<1x128x4xf32, #tpu.memory_space<vmem>>
      %dma_wait3A_119 = tpu.memref_squeeze %dma_wait3A_118 : memref<1x128x4xf32, #tpu.memory_space<vmem>> -> memref<128x4xf32, #tpu.memory_space<vmem>>
      %dma_wait3A_120 = arith.constant 0 : i32
      %dma_wait3A_121 = tpu.memref_slice %arg7[%dma_wait3A, %dma_wait3A_120] : memref<8x128xi32, #tpu.memory_space<vmem>> -> memref<1x128xi32, #tpu.memory_space<vmem>>
      %dma_wait3A_122 = tpu.memref_squeeze %dma_wait3A_121 : memref<1x128xi32, #tpu.memory_space<vmem>> -> memref<128xi32, #tpu.memory_space<vmem>>
      %dma_wait3A_123 = arith.constant 0 : i32
      %dma_wait3A_124 = arith.constant 0 : i32
      %dma_wait3A_125 = tpu.memref_slice %arg10[%dma_wait3A_123, %dma_wait3A_124] : memref<204800x4xf32, #tpu.memory_space<vmem_shared>> -> memref<204800x4xf32, #tpu.memory_space<vmem_shared>>
      tpu.wait_indirect_dma semaphore(%arg11 : memref<!tpu.dma_semaphore, #tpu.memory_space<semaphore_mem>>) src(%dma_wait3A_125 : memref<204800x4xf32, #tpu.memory_space<vmem_shared>>) dst(%dma_wait3A_119 : memref<128x4xf32, #tpu.memory_space<vmem>>)
      %run_scoped3A = arith.constant 0 : i32
      %run_scoped3A_126 = arith.constant 0 : i32
      "tpu.region"() ({
        %run_scoped3A_225 = tpu.sem_alloc : memref<!tpu.dma_semaphore, #tpu.memory_space<semaphore_mem>>
        %dma_start3A_226 = arith.constant 0 : i32
        %dma_start3A_227 = arith.constant 0 : i32
        %dma_start3A_228 = tpu.memref_slice %arg9[%run_scoped3A, %dma_start3A_226, %dma_start3A_227] : memref<8x128x4xf32, #tpu.memory_space<vmem>> -> memref<1x128x4xf32, #tpu.memory_space<vmem>>
        %dma_start3A_229 = tpu.memref_squeeze %dma_start3A_228 : memref<1x128x4xf32, #tpu.memory_space<vmem>> -> memref<128x4xf32, #tpu.memory_space<vmem>>
        %dma_start3A_230 = arith.constant 0 : i32
        %dma_start3A_231 = tpu.memref_slice %arg8[%run_scoped3A_126, %dma_start3A_230] : memref<8x128xi32, #tpu.memory_space<vmem>> -> memref<1x128xi32, #tpu.memory_space<vmem>>
        %dma_start3A_232 = tpu.memref_squeeze %dma_start3A_231 : memref<1x128xi32, #tpu.memory_space<vmem>> -> memref<128xi32, #tpu.memory_space<vmem>>
        %dma_start3A_233 = arith.constant 0 : i32
        %dma_start3A_234 = arith.constant 0 : i32
        %dma_start3A_235 = tpu.memref_slice %arg10[%dma_start3A_233, %dma_start3A_234] : memref<204800x4xf32, #tpu.memory_space<vmem_shared>> -> memref<204800x4xf32, #tpu.memory_space<vmem_shared>>
        tpu.enqueue_indirect_dma source(%dma_start3A_229 : memref<128x4xf32, #tpu.memory_space<vmem>>) target(%dma_start3A_235 : memref<204800x4xf32, #tpu.memory_space<vmem_shared>>) offsets(%dma_start3A_232 : memref<128xi32, #tpu.memory_space<vmem>>) semaphore(%run_scoped3A_225 : memref<!tpu.dma_semaphore, #tpu.memory_space<semaphore_mem>>) {add = true}
        %dma_wait3A_236 = arith.constant 0 : i32
        %dma_wait3A_237 = arith.constant 0 : i32
        %dma_wait3A_238 = tpu.memref_slice %arg9[%run_scoped3A, %dma_wait3A_236, %dma_wait3A_237] : memref<8x128x4xf32, #tpu.memory_space<vmem>> -> memref<1x128x4xf32, #tpu.memory_space<vmem>>
        %dma_wait3A_239 = tpu.memref_squeeze %dma_wait3A_238 : memref<1x128x4xf32, #tpu.memory_space<vmem>> -> memref<128x4xf32, #tpu.memory_space<vmem>>
        %dma_wait3A_240 = arith.constant 0 : i32
        %dma_wait3A_241 = tpu.memref_slice %arg8[%run_scoped3A_126, %dma_wait3A_240] : memref<8x128xi32, #tpu.memory_space<vmem>> -> memref<1x128xi32, #tpu.memory_space<vmem>>
        %dma_wait3A_242 = tpu.memref_squeeze %dma_wait3A_241 : memref<1x128xi32, #tpu.memory_space<vmem>> -> memref<128xi32, #tpu.memory_space<vmem>>
        %dma_wait3A_243 = arith.constant 0 : i32
        %dma_wait3A_244 = arith.constant 0 : i32
        %dma_wait3A_245 = tpu.memref_slice %arg10[%dma_wait3A_243, %dma_wait3A_244] : memref<204800x4xf32, #tpu.memory_space<vmem_shared>> -> memref<204800x4xf32, #tpu.memory_space<vmem_shared>>
        tpu.wait_indirect_dma semaphore(%run_scoped3A_225 : memref<!tpu.dma_semaphore, #tpu.memory_space<semaphore_mem>>) src(%dma_wait3A_239 : memref<128x4xf32, #tpu.memory_space<vmem>>) dst(%dma_wait3A_245 : memref<204800x4xf32, #tpu.memory_space<vmem_shared>>)
        tpu.yield
      }) : () -> ()
      %dma_wait3A_127 = arith.constant 1 : i32
      %dma_wait3A_128 = arith.constant 1 : i32
      %dma_wait3A_129 = arith.constant 0 : i32
      %dma_wait3A_130 = arith.constant 0 : i32
      %dma_wait3A_131 = tpu.memref_slice %arg9[%dma_wait3A_128, %dma_wait3A_129, %dma_wait3A_130] : memref<8x128x4xf32, #tpu.memory_space<vmem>> -> memref<1x128x4xf32, #tpu.memory_space<vmem>>
      %dma_wait3A_132 = tpu.memref_squeeze %dma_wait3A_131 : memref<1x128x4xf32, #tpu.memory_space<vmem>> -> memref<128x4xf32, #tpu.memory_space<vmem>>
      %dma_wait3A_133 = arith.constant 0 : i32
      %dma_wait3A_134 = tpu.memref_slice %arg7[%dma_wait3A_127, %dma_wait3A_133] : memref<8x128xi32, #tpu.memory_space<vmem>> -> memref<1x128xi32, #tpu.memory_space<vmem>>
      %dma_wait3A_135 = tpu.memref_squeeze %dma_wait3A_134 : memref<1x128xi32, #tpu.memory_space<vmem>> -> memref<128xi32, #tpu.memory_space<vmem>>
      %dma_wait3A_136 = arith.constant 0 : i32
      %dma_wait3A_137 = arith.constant 0 : i32
      %dma_wait3A_138 = tpu.memref_slice %arg10[%dma_wait3A_136, %dma_wait3A_137] : memref<204800x4xf32, #tpu.memory_space<vmem_shared>> -> memref<204800x4xf32, #tpu.memory_space<vmem_shared>>
      tpu.wait_indirect_dma semaphore(%arg11 : memref<!tpu.dma_semaphore, #tpu.memory_space<semaphore_mem>>) src(%dma_wait3A_138 : memref<204800x4xf32, #tpu.memory_space<vmem_shared>>) dst(%dma_wait3A_132 : memref<128x4xf32, #tpu.memory_space<vmem>>)
      %run_scoped3A_139 = arith.constant 1 : i32
      %run_scoped3A_140 = arith.constant 1 : i32
      "tpu.region"() ({
        %run_scoped3A_225 = tpu.sem_alloc : memref<!tpu.dma_semaphore, #tpu.memory_space<semaphore_mem>>
        %dma_start3A_226 = arith.constant 0 : i32
        %dma_start3A_227 = arith.constant 0 : i32
        %dma_start3A_228 = tpu.memref_slice %arg9[%run_scoped3A_139, %dma_start3A_226, %dma_start3A_227] : memref<8x128x4xf32, #tpu.memory_space<vmem>> -> memref<1x128x4xf32, #tpu.memory_space<vmem>>
        %dma_start3A_229 = tpu.memref_squeeze %dma_start3A_228 : memref<1x128x4xf32, #tpu.memory_space<vmem>> -> memref<128x4xf32, #tpu.memory_space<vmem>>
        %dma_start3A_230 = arith.constant 0 : i32
        %dma_start3A_231 = tpu.memref_slice %arg8[%run_scoped3A_140, %dma_start3A_230] : memref<8x128xi32, #tpu.memory_space<vmem>> -> memref<1x128xi32, #tpu.memory_space<vmem>>
        %dma_start3A_232 = tpu.memref_squeeze %dma_start3A_231 : memref<1x128xi32, #tpu.memory_space<vmem>> -> memref<128xi32, #tpu.memory_space<vmem>>
        %dma_start3A_233 = arith.constant 0 : i32
        %dma_start3A_234 = arith.constant 0 : i32
        %dma_start3A_235 = tpu.memref_slice %arg10[%dma_start3A_233, %dma_start3A_234] : memref<204800x4xf32, #tpu.memory_space<vmem_shared>> -> memref<204800x4xf32, #tpu.memory_space<vmem_shared>>
        tpu.enqueue_indirect_dma source(%dma_start3A_229 : memref<128x4xf32, #tpu.memory_space<vmem>>) target(%dma_start3A_235 : memref<204800x4xf32, #tpu.memory_space<vmem_shared>>) offsets(%dma_start3A_232 : memref<128xi32, #tpu.memory_space<vmem>>) semaphore(%run_scoped3A_225 : memref<!tpu.dma_semaphore, #tpu.memory_space<semaphore_mem>>) {add = true}
        %dma_wait3A_236 = arith.constant 0 : i32
        %dma_wait3A_237 = arith.constant 0 : i32
        %dma_wait3A_238 = tpu.memref_slice %arg9[%run_scoped3A_139, %dma_wait3A_236, %dma_wait3A_237] : memref<8x128x4xf32, #tpu.memory_space<vmem>> -> memref<1x128x4xf32, #tpu.memory_space<vmem>>
        %dma_wait3A_239 = tpu.memref_squeeze %dma_wait3A_238 : memref<1x128x4xf32, #tpu.memory_space<vmem>> -> memref<128x4xf32, #tpu.memory_space<vmem>>
        %dma_wait3A_240 = arith.constant 0 : i32
        %dma_wait3A_241 = tpu.memref_slice %arg8[%run_scoped3A_140, %dma_wait3A_240] : memref<8x128xi32, #tpu.memory_space<vmem>> -> memref<1x128xi32, #tpu.memory_space<vmem>>
        %dma_wait3A_242 = tpu.memref_squeeze %dma_wait3A_241 : memref<1x128xi32, #tpu.memory_space<vmem>> -> memref<128xi32, #tpu.memory_space<vmem>>
        %dma_wait3A_243 = arith.constant 0 : i32
        %dma_wait3A_244 = arith.constant 0 : i32
        %dma_wait3A_245 = tpu.memref_slice %arg10[%dma_wait3A_243, %dma_wait3A_244] : memref<204800x4xf32, #tpu.memory_space<vmem_shared>> -> memref<204800x4xf32, #tpu.memory_space<vmem_shared>>
        tpu.wait_indirect_dma semaphore(%run_scoped3A_225 : memref<!tpu.dma_semaphore, #tpu.memory_space<semaphore_mem>>) src(%dma_wait3A_239 : memref<128x4xf32, #tpu.memory_space<vmem>>) dst(%dma_wait3A_245 : memref<204800x4xf32, #tpu.memory_space<vmem_shared>>)
        tpu.yield
      }) : () -> ()
      %dma_wait3A_141 = arith.constant 2 : i32
      %dma_wait3A_142 = arith.constant 2 : i32
      %dma_wait3A_143 = arith.constant 0 : i32
      %dma_wait3A_144 = arith.constant 0 : i32
      %dma_wait3A_145 = tpu.memref_slice %arg9[%dma_wait3A_142, %dma_wait3A_143, %dma_wait3A_144] : memref<8x128x4xf32, #tpu.memory_space<vmem>> -> memref<1x128x4xf32, #tpu.memory_space<vmem>>
      %dma_wait3A_146 = tpu.memref_squeeze %dma_wait3A_145 : memref<1x128x4xf32, #tpu.memory_space<vmem>> -> memref<128x4xf32, #tpu.memory_space<vmem>>
      %dma_wait3A_147 = arith.constant 0 : i32
      %dma_wait3A_148 = tpu.memref_slice %arg7[%dma_wait3A_141, %dma_wait3A_147] : memref<8x128xi32, #tpu.memory_space<vmem>> -> memref<1x128xi32, #tpu.memory_space<vmem>>
      %dma_wait3A_149 = tpu.memref_squeeze %dma_wait3A_148 : memref<1x128xi32, #tpu.memory_space<vmem>> -> memref<128xi32, #tpu.memory_space<vmem>>
      %dma_wait3A_150 = arith.constant 0 : i32
      %dma_wait3A_151 = arith.constant 0 : i32
      %dma_wait3A_152 = tpu.memref_slice %arg10[%dma_wait3A_150, %dma_wait3A_151] : memref<204800x4xf32, #tpu.memory_space<vmem_shared>> -> memref<204800x4xf32, #tpu.memory_space<vmem_shared>>
      tpu.wait_indirect_dma semaphore(%arg11 : memref<!tpu.dma_semaphore, #tpu.memory_space<semaphore_mem>>) src(%dma_wait3A_152 : memref<204800x4xf32, #tpu.memory_space<vmem_shared>>) dst(%dma_wait3A_146 : memref<128x4xf32, #tpu.memory_space<vmem>>)
      %run_scoped3A_153 = arith.constant 2 : i32
      %run_scoped3A_154 = arith.constant 2 : i32
      "tpu.region"() ({
        %run_scoped3A_225 = tpu.sem_alloc : memref<!tpu.dma_semaphore, #tpu.memory_space<semaphore_mem>>
        %dma_start3A_226 = arith.constant 0 : i32
        %dma_start3A_227 = arith.constant 0 : i32
        %dma_start3A_228 = tpu.memref_slice %arg9[%run_scoped3A_153, %dma_start3A_226, %dma_start3A_227] : memref<8x128x4xf32, #tpu.memory_space<vmem>> -> memref<1x128x4xf32, #tpu.memory_space<vmem>>
        %dma_start3A_229 = tpu.memref_squeeze %dma_start3A_228 : memref<1x128x4xf32, #tpu.memory_space<vmem>> -> memref<128x4xf32, #tpu.memory_space<vmem>>
        %dma_start3A_230 = arith.constant 0 : i32
        %dma_start3A_231 = tpu.memref_slice %arg8[%run_scoped3A_154, %dma_start3A_230] : memref<8x128xi32, #tpu.memory_space<vmem>> -> memref<1x128xi32, #tpu.memory_space<vmem>>
        %dma_start3A_232 = tpu.memref_squeeze %dma_start3A_231 : memref<1x128xi32, #tpu.memory_space<vmem>> -> memref<128xi32, #tpu.memory_space<vmem>>
        %dma_start3A_233 = arith.constant 0 : i32
        %dma_start3A_234 = arith.constant 0 : i32
        %dma_start3A_235 = tpu.memref_slice %arg10[%dma_start3A_233, %dma_start3A_234] : memref<204800x4xf32, #tpu.memory_space<vmem_shared>> -> memref<204800x4xf32, #tpu.memory_space<vmem_shared>>
        tpu.enqueue_indirect_dma source(%dma_start3A_229 : memref<128x4xf32, #tpu.memory_space<vmem>>) target(%dma_start3A_235 : memref<204800x4xf32, #tpu.memory_space<vmem_shared>>) offsets(%dma_start3A_232 : memref<128xi32, #tpu.memory_space<vmem>>) semaphore(%run_scoped3A_225 : memref<!tpu.dma_semaphore, #tpu.memory_space<semaphore_mem>>) {add = true}
        %dma_wait3A_236 = arith.constant 0 : i32
        %dma_wait3A_237 = arith.constant 0 : i32
        %dma_wait3A_238 = tpu.memref_slice %arg9[%run_scoped3A_153, %dma_wait3A_236, %dma_wait3A_237] : memref<8x128x4xf32, #tpu.memory_space<vmem>> -> memref<1x128x4xf32, #tpu.memory_space<vmem>>
        %dma_wait3A_239 = tpu.memref_squeeze %dma_wait3A_238 : memref<1x128x4xf32, #tpu.memory_space<vmem>> -> memref<128x4xf32, #tpu.memory_space<vmem>>
        %dma_wait3A_240 = arith.constant 0 : i32
        %dma_wait3A_241 = tpu.memref_slice %arg8[%run_scoped3A_154, %dma_wait3A_240] : memref<8x128xi32, #tpu.memory_space<vmem>> -> memref<1x128xi32, #tpu.memory_space<vmem>>
        %dma_wait3A_242 = tpu.memref_squeeze %dma_wait3A_241 : memref<1x128xi32, #tpu.memory_space<vmem>> -> memref<128xi32, #tpu.memory_space<vmem>>
        %dma_wait3A_243 = arith.constant 0 : i32
        %dma_wait3A_244 = arith.constant 0 : i32
        %dma_wait3A_245 = tpu.memref_slice %arg10[%dma_wait3A_243, %dma_wait3A_244] : memref<204800x4xf32, #tpu.memory_space<vmem_shared>> -> memref<204800x4xf32, #tpu.memory_space<vmem_shared>>
        tpu.wait_indirect_dma semaphore(%run_scoped3A_225 : memref<!tpu.dma_semaphore, #tpu.memory_space<semaphore_mem>>) src(%dma_wait3A_239 : memref<128x4xf32, #tpu.memory_space<vmem>>) dst(%dma_wait3A_245 : memref<204800x4xf32, #tpu.memory_space<vmem_shared>>)
        tpu.yield
      }) : () -> ()
      %dma_wait3A_155 = arith.constant 3 : i32
      %dma_wait3A_156 = arith.constant 3 : i32
      %dma_wait3A_157 = arith.constant 0 : i32
      %dma_wait3A_158 = arith.constant 0 : i32
      %dma_wait3A_159 = tpu.memref_slice %arg9[%dma_wait3A_156, %dma_wait3A_157, %dma_wait3A_158] : memref<8x128x4xf32, #tpu.memory_space<vmem>> -> memref<1x128x4xf32, #tpu.memory_space<vmem>>
      %dma_wait3A_160 = tpu.memref_squeeze %dma_wait3A_159 : memref<1x128x4xf32, #tpu.memory_space<vmem>> -> memref<128x4xf32, #tpu.memory_space<vmem>>
      %dma_wait3A_161 = arith.constant 0 : i32
      %dma_wait3A_162 = tpu.memref_slice %arg7[%dma_wait3A_155, %dma_wait3A_161] : memref<8x128xi32, #tpu.memory_space<vmem>> -> memref<1x128xi32, #tpu.memory_space<vmem>>
      %dma_wait3A_163 = tpu.memref_squeeze %dma_wait3A_162 : memref<1x128xi32, #tpu.memory_space<vmem>> -> memref<128xi32, #tpu.memory_space<vmem>>
      %dma_wait3A_164 = arith.constant 0 : i32
      %dma_wait3A_165 = arith.constant 0 : i32
      %dma_wait3A_166 = tpu.memref_slice %arg10[%dma_wait3A_164, %dma_wait3A_165] : memref<204800x4xf32, #tpu.memory_space<vmem_shared>> -> memref<204800x4xf32, #tpu.memory_space<vmem_shared>>
      tpu.wait_indirect_dma semaphore(%arg11 : memref<!tpu.dma_semaphore, #tpu.memory_space<semaphore_mem>>) src(%dma_wait3A_166 : memref<204800x4xf32, #tpu.memory_space<vmem_shared>>) dst(%dma_wait3A_160 : memref<128x4xf32, #tpu.memory_space<vmem>>)
      %run_scoped3A_167 = arith.constant 3 : i32
      %run_scoped3A_168 = arith.constant 3 : i32
      "tpu.region"() ({
        %run_scoped3A_225 = tpu.sem_alloc : memref<!tpu.dma_semaphore, #tpu.memory_space<semaphore_mem>>
        %dma_start3A_226 = arith.constant 0 : i32
        %dma_start3A_227 = arith.constant 0 : i32
        %dma_start3A_228 = tpu.memref_slice %arg9[%run_scoped3A_167, %dma_start3A_226, %dma_start3A_227] : memref<8x128x4xf32, #tpu.memory_space<vmem>> -> memref<1x128x4xf32, #tpu.memory_space<vmem>>
        %dma_start3A_229 = tpu.memref_squeeze %dma_start3A_228 : memref<1x128x4xf32, #tpu.memory_space<vmem>> -> memref<128x4xf32, #tpu.memory_space<vmem>>
        %dma_start3A_230 = arith.constant 0 : i32
        %dma_start3A_231 = tpu.memref_slice %arg8[%run_scoped3A_168, %dma_start3A_230] : memref<8x128xi32, #tpu.memory_space<vmem>> -> memref<1x128xi32, #tpu.memory_space<vmem>>
        %dma_start3A_232 = tpu.memref_squeeze %dma_start3A_231 : memref<1x128xi32, #tpu.memory_space<vmem>> -> memref<128xi32, #tpu.memory_space<vmem>>
        %dma_start3A_233 = arith.constant 0 : i32
        %dma_start3A_234 = arith.constant 0 : i32
        %dma_start3A_235 = tpu.memref_slice %arg10[%dma_start3A_233, %dma_start3A_234] : memref<204800x4xf32, #tpu.memory_space<vmem_shared>> -> memref<204800x4xf32, #tpu.memory_space<vmem_shared>>
        tpu.enqueue_indirect_dma source(%dma_start3A_229 : memref<128x4xf32, #tpu.memory_space<vmem>>) target(%dma_start3A_235 : memref<204800x4xf32, #tpu.memory_space<vmem_shared>>) offsets(%dma_start3A_232 : memref<128xi32, #tpu.memory_space<vmem>>) semaphore(%run_scoped3A_225 : memref<!tpu.dma_semaphore, #tpu.memory_space<semaphore_mem>>) {add = true}
        %dma_wait3A_236 = arith.constant 0 : i32
        %dma_wait3A_237 = arith.constant 0 : i32
        %dma_wait3A_238 = tpu.memref_slice %arg9[%run_scoped3A_167, %dma_wait3A_236, %dma_wait3A_237] : memref<8x128x4xf32, #tpu.memory_space<vmem>> -> memref<1x128x4xf32, #tpu.memory_space<vmem>>
        %dma_wait3A_239 = tpu.memref_squeeze %dma_wait3A_238 : memref<1x128x4xf32, #tpu.memory_space<vmem>> -> memref<128x4xf32, #tpu.memory_space<vmem>>
        %dma_wait3A_240 = arith.constant 0 : i32
        %dma_wait3A_241 = tpu.memref_slice %arg8[%run_scoped3A_168, %dma_wait3A_240] : memref<8x128xi32, #tpu.memory_space<vmem>> -> memref<1x128xi32, #tpu.memory_space<vmem>>
        %dma_wait3A_242 = tpu.memref_squeeze %dma_wait3A_241 : memref<1x128xi32, #tpu.memory_space<vmem>> -> memref<128xi32, #tpu.memory_space<vmem>>
        %dma_wait3A_243 = arith.constant 0 : i32
        %dma_wait3A_244 = arith.constant 0 : i32
        %dma_wait3A_245 = tpu.memref_slice %arg10[%dma_wait3A_243, %dma_wait3A_244] : memref<204800x4xf32, #tpu.memory_space<vmem_shared>> -> memref<204800x4xf32, #tpu.memory_space<vmem_shared>>
        tpu.wait_indirect_dma semaphore(%run_scoped3A_225 : memref<!tpu.dma_semaphore, #tpu.memory_space<semaphore_mem>>) src(%dma_wait3A_239 : memref<128x4xf32, #tpu.memory_space<vmem>>) dst(%dma_wait3A_245 : memref<204800x4xf32, #tpu.memory_space<vmem_shared>>)
        tpu.yield
      }) : () -> ()
      %dma_wait3A_169 = arith.constant 4 : i32
      %dma_wait3A_170 = arith.constant 4 : i32
      %dma_wait3A_171 = arith.constant 0 : i32
      %dma_wait3A_172 = arith.constant 0 : i32
      %dma_wait3A_173 = tpu.memref_slice %arg9[%dma_wait3A_170, %dma_wait3A_171, %dma_wait3A_172] : memref<8x128x4xf32, #tpu.memory_space<vmem>> -> memref<1x128x4xf32, #tpu.memory_space<vmem>>
      %dma_wait3A_174 = tpu.memref_squeeze %dma_wait3A_173 : memref<1x128x4xf32, #tpu.memory_space<vmem>> -> memref<128x4xf32, #tpu.memory_space<vmem>>
      %dma_wait3A_175 = arith.constant 0 : i32
      %dma_wait3A_176 = tpu.memref_slice %arg7[%dma_wait3A_169, %dma_wait3A_175] : memref<8x128xi32, #tpu.memory_space<vmem>> -> memref<1x128xi32, #tpu.memory_space<vmem>>
      %dma_wait3A_177 = tpu.memref_squeeze %dma_wait3A_176 : memref<1x128xi32, #tpu.memory_space<vmem>> -> memref<128xi32, #tpu.memory_space<vmem>>
      %dma_wait3A_178 = arith.constant 0 : i32
      %dma_wait3A_179 = arith.constant 0 : i32
      %dma_wait3A_180 = tpu.memref_slice %arg10[%dma_wait3A_178, %dma_wait3A_179] : memref<204800x4xf32, #tpu.memory_space<vmem_shared>> -> memref<204800x4xf32, #tpu.memory_space<vmem_shared>>
      tpu.wait_indirect_dma semaphore(%arg11 : memref<!tpu.dma_semaphore, #tpu.memory_space<semaphore_mem>>) src(%dma_wait3A_180 : memref<204800x4xf32, #tpu.memory_space<vmem_shared>>) dst(%dma_wait3A_174 : memref<128x4xf32, #tpu.memory_space<vmem>>)
      %run_scoped3A_181 = arith.constant 4 : i32
      %run_scoped3A_182 = arith.constant 4 : i32
      "tpu.region"() ({
        %run_scoped3A_225 = tpu.sem_alloc : memref<!tpu.dma_semaphore, #tpu.memory_space<semaphore_mem>>
        %dma_start3A_226 = arith.constant 0 : i32
        %dma_start3A_227 = arith.constant 0 : i32
        %dma_start3A_228 = tpu.memref_slice %arg9[%run_scoped3A_181, %dma_start3A_226, %dma_start3A_227] : memref<8x128x4xf32, #tpu.memory_space<vmem>> -> memref<1x128x4xf32, #tpu.memory_space<vmem>>
        %dma_start3A_229 = tpu.memref_squeeze %dma_start3A_228 : memref<1x128x4xf32, #tpu.memory_space<vmem>> -> memref<128x4xf32, #tpu.memory_space<vmem>>
        %dma_start3A_230 = arith.constant 0 : i32
        %dma_start3A_231 = tpu.memref_slice %arg8[%run_scoped3A_182, %dma_start3A_230] : memref<8x128xi32, #tpu.memory_space<vmem>> -> memref<1x128xi32, #tpu.memory_space<vmem>>
        %dma_start3A_232 = tpu.memref_squeeze %dma_start3A_231 : memref<1x128xi32, #tpu.memory_space<vmem>> -> memref<128xi32, #tpu.memory_space<vmem>>
        %dma_start3A_233 = arith.constant 0 : i32
        %dma_start3A_234 = arith.constant 0 : i32
        %dma_start3A_235 = tpu.memref_slice %arg10[%dma_start3A_233, %dma_start3A_234] : memref<204800x4xf32, #tpu.memory_space<vmem_shared>> -> memref<204800x4xf32, #tpu.memory_space<vmem_shared>>
        tpu.enqueue_indirect_dma source(%dma_start3A_229 : memref<128x4xf32, #tpu.memory_space<vmem>>) target(%dma_start3A_235 : memref<204800x4xf32, #tpu.memory_space<vmem_shared>>) offsets(%dma_start3A_232 : memref<128xi32, #tpu.memory_space<vmem>>) semaphore(%run_scoped3A_225 : memref<!tpu.dma_semaphore, #tpu.memory_space<semaphore_mem>>) {add = true}
        %dma_wait3A_236 = arith.constant 0 : i32
        %dma_wait3A_237 = arith.constant 0 : i32
        %dma_wait3A_238 = tpu.memref_slice %arg9[%run_scoped3A_181, %dma_wait3A_236, %dma_wait3A_237] : memref<8x128x4xf32, #tpu.memory_space<vmem>> -> memref<1x128x4xf32, #tpu.memory_space<vmem>>
        %dma_wait3A_239 = tpu.memref_squeeze %dma_wait3A_238 : memref<1x128x4xf32, #tpu.memory_space<vmem>> -> memref<128x4xf32, #tpu.memory_space<vmem>>
        %dma_wait3A_240 = arith.constant 0 : i32
        %dma_wait3A_241 = tpu.memref_slice %arg8[%run_scoped3A_182, %dma_wait3A_240] : memref<8x128xi32, #tpu.memory_space<vmem>> -> memref<1x128xi32, #tpu.memory_space<vmem>>
        %dma_wait3A_242 = tpu.memref_squeeze %dma_wait3A_241 : memref<1x128xi32, #tpu.memory_space<vmem>> -> memref<128xi32, #tpu.memory_space<vmem>>
        %dma_wait3A_243 = arith.constant 0 : i32
        %dma_wait3A_244 = arith.constant 0 : i32
        %dma_wait3A_245 = tpu.memref_slice %arg10[%dma_wait3A_243, %dma_wait3A_244] : memref<204800x4xf32, #tpu.memory_space<vmem_shared>> -> memref<204800x4xf32, #tpu.memory_space<vmem_shared>>
        tpu.wait_indirect_dma semaphore(%run_scoped3A_225 : memref<!tpu.dma_semaphore, #tpu.memory_space<semaphore_mem>>) src(%dma_wait3A_239 : memref<128x4xf32, #tpu.memory_space<vmem>>) dst(%dma_wait3A_245 : memref<204800x4xf32, #tpu.memory_space<vmem_shared>>)
        tpu.yield
      }) : () -> ()
      %dma_wait3A_183 = arith.constant 5 : i32
      %dma_wait3A_184 = arith.constant 5 : i32
      %dma_wait3A_185 = arith.constant 0 : i32
      %dma_wait3A_186 = arith.constant 0 : i32
      %dma_wait3A_187 = tpu.memref_slice %arg9[%dma_wait3A_184, %dma_wait3A_185, %dma_wait3A_186] : memref<8x128x4xf32, #tpu.memory_space<vmem>> -> memref<1x128x4xf32, #tpu.memory_space<vmem>>
      %dma_wait3A_188 = tpu.memref_squeeze %dma_wait3A_187 : memref<1x128x4xf32, #tpu.memory_space<vmem>> -> memref<128x4xf32, #tpu.memory_space<vmem>>
      %dma_wait3A_189 = arith.constant 0 : i32
      %dma_wait3A_190 = tpu.memref_slice %arg7[%dma_wait3A_183, %dma_wait3A_189] : memref<8x128xi32, #tpu.memory_space<vmem>> -> memref<1x128xi32, #tpu.memory_space<vmem>>
      %dma_wait3A_191 = tpu.memref_squeeze %dma_wait3A_190 : memref<1x128xi32, #tpu.memory_space<vmem>> -> memref<128xi32, #tpu.memory_space<vmem>>
      %dma_wait3A_192 = arith.constant 0 : i32
      %dma_wait3A_193 = arith.constant 0 : i32
      %dma_wait3A_194 = tpu.memref_slice %arg10[%dma_wait3A_192, %dma_wait3A_193] : memref<204800x4xf32, #tpu.memory_space<vmem_shared>> -> memref<204800x4xf32, #tpu.memory_space<vmem_shared>>
      tpu.wait_indirect_dma semaphore(%arg11 : memref<!tpu.dma_semaphore, #tpu.memory_space<semaphore_mem>>) src(%dma_wait3A_194 : memref<204800x4xf32, #tpu.memory_space<vmem_shared>>) dst(%dma_wait3A_188 : memref<128x4xf32, #tpu.memory_space<vmem>>)
      %run_scoped3A_195 = arith.constant 5 : i32
      %run_scoped3A_196 = arith.constant 5 : i32
      "tpu.region"() ({
        %run_scoped3A_225 = tpu.sem_alloc : memref<!tpu.dma_semaphore, #tpu.memory_space<semaphore_mem>>
        %dma_start3A_226 = arith.constant 0 : i32
        %dma_start3A_227 = arith.constant 0 : i32
        %dma_start3A_228 = tpu.memref_slice %arg9[%run_scoped3A_195, %dma_start3A_226, %dma_start3A_227] : memref<8x128x4xf32, #tpu.memory_space<vmem>> -> memref<1x128x4xf32, #tpu.memory_space<vmem>>
        %dma_start3A_229 = tpu.memref_squeeze %dma_start3A_228 : memref<1x128x4xf32, #tpu.memory_space<vmem>> -> memref<128x4xf32, #tpu.memory_space<vmem>>
        %dma_start3A_230 = arith.constant 0 : i32
        %dma_start3A_231 = tpu.memref_slice %arg8[%run_scoped3A_196, %dma_start3A_230] : memref<8x128xi32, #tpu.memory_space<vmem>> -> memref<1x128xi32, #tpu.memory_space<vmem>>
        %dma_start3A_232 = tpu.memref_squeeze %dma_start3A_231 : memref<1x128xi32, #tpu.memory_space<vmem>> -> memref<128xi32, #tpu.memory_space<vmem>>
        %dma_start3A_233 = arith.constant 0 : i32
        %dma_start3A_234 = arith.constant 0 : i32
        %dma_start3A_235 = tpu.memref_slice %arg10[%dma_start3A_233, %dma_start3A_234] : memref<204800x4xf32, #tpu.memory_space<vmem_shared>> -> memref<204800x4xf32, #tpu.memory_space<vmem_shared>>
        tpu.enqueue_indirect_dma source(%dma_start3A_229 : memref<128x4xf32, #tpu.memory_space<vmem>>) target(%dma_start3A_235 : memref<204800x4xf32, #tpu.memory_space<vmem_shared>>) offsets(%dma_start3A_232 : memref<128xi32, #tpu.memory_space<vmem>>) semaphore(%run_scoped3A_225 : memref<!tpu.dma_semaphore, #tpu.memory_space<semaphore_mem>>) {add = true}
        %dma_wait3A_236 = arith.constant 0 : i32
        %dma_wait3A_237 = arith.constant 0 : i32
        %dma_wait3A_238 = tpu.memref_slice %arg9[%run_scoped3A_195, %dma_wait3A_236, %dma_wait3A_237] : memref<8x128x4xf32, #tpu.memory_space<vmem>> -> memref<1x128x4xf32, #tpu.memory_space<vmem>>
        %dma_wait3A_239 = tpu.memref_squeeze %dma_wait3A_238 : memref<1x128x4xf32, #tpu.memory_space<vmem>> -> memref<128x4xf32, #tpu.memory_space<vmem>>
        %dma_wait3A_240 = arith.constant 0 : i32
        %dma_wait3A_241 = tpu.memref_slice %arg8[%run_scoped3A_196, %dma_wait3A_240] : memref<8x128xi32, #tpu.memory_space<vmem>> -> memref<1x128xi32, #tpu.memory_space<vmem>>
        %dma_wait3A_242 = tpu.memref_squeeze %dma_wait3A_241 : memref<1x128xi32, #tpu.memory_space<vmem>> -> memref<128xi32, #tpu.memory_space<vmem>>
        %dma_wait3A_243 = arith.constant 0 : i32
        %dma_wait3A_244 = arith.constant 0 : i32
        %dma_wait3A_245 = tpu.memref_slice %arg10[%dma_wait3A_243, %dma_wait3A_244] : memref<204800x4xf32, #tpu.memory_space<vmem_shared>> -> memref<204800x4xf32, #tpu.memory_space<vmem_shared>>
        tpu.wait_indirect_dma semaphore(%run_scoped3A_225 : memref<!tpu.dma_semaphore, #tpu.memory_space<semaphore_mem>>) src(%dma_wait3A_239 : memref<128x4xf32, #tpu.memory_space<vmem>>) dst(%dma_wait3A_245 : memref<204800x4xf32, #tpu.memory_space<vmem_shared>>)
        tpu.yield
      }) : () -> ()
      %dma_wait3A_197 = arith.constant 6 : i32
      %dma_wait3A_198 = arith.constant 6 : i32
      %dma_wait3A_199 = arith.constant 0 : i32
      %dma_wait3A_200 = arith.constant 0 : i32
      %dma_wait3A_201 = tpu.memref_slice %arg9[%dma_wait3A_198, %dma_wait3A_199, %dma_wait3A_200] : memref<8x128x4xf32, #tpu.memory_space<vmem>> -> memref<1x128x4xf32, #tpu.memory_space<vmem>>
      %dma_wait3A_202 = tpu.memref_squeeze %dma_wait3A_201 : memref<1x128x4xf32, #tpu.memory_space<vmem>> -> memref<128x4xf32, #tpu.memory_space<vmem>>
      %dma_wait3A_203 = arith.constant 0 : i32
      %dma_wait3A_204 = tpu.memref_slice %arg7[%dma_wait3A_197, %dma_wait3A_203] : memref<8x128xi32, #tpu.memory_space<vmem>> -> memref<1x128xi32, #tpu.memory_space<vmem>>
      %dma_wait3A_205 = tpu.memref_squeeze %dma_wait3A_204 : memref<1x128xi32, #tpu.memory_space<vmem>> -> memref<128xi32, #tpu.memory_space<vmem>>
      %dma_wait3A_206 = arith.constant 0 : i32
      %dma_wait3A_207 = arith.constant 0 : i32
      %dma_wait3A_208 = tpu.memref_slice %arg10[%dma_wait3A_206, %dma_wait3A_207] : memref<204800x4xf32, #tpu.memory_space<vmem_shared>> -> memref<204800x4xf32, #tpu.memory_space<vmem_shared>>
      tpu.wait_indirect_dma semaphore(%arg11 : memref<!tpu.dma_semaphore, #tpu.memory_space<semaphore_mem>>) src(%dma_wait3A_208 : memref<204800x4xf32, #tpu.memory_space<vmem_shared>>) dst(%dma_wait3A_202 : memref<128x4xf32, #tpu.memory_space<vmem>>)
      %run_scoped3A_209 = arith.constant 6 : i32
      %run_scoped3A_210 = arith.constant 6 : i32
      "tpu.region"() ({
        %run_scoped3A_225 = tpu.sem_alloc : memref<!tpu.dma_semaphore, #tpu.memory_space<semaphore_mem>>
        %dma_start3A_226 = arith.constant 0 : i32
        %dma_start3A_227 = arith.constant 0 : i32
        %dma_start3A_228 = tpu.memref_slice %arg9[%run_scoped3A_209, %dma_start3A_226, %dma_start3A_227] : memref<8x128x4xf32, #tpu.memory_space<vmem>> -> memref<1x128x4xf32, #tpu.memory_space<vmem>>
        %dma_start3A_229 = tpu.memref_squeeze %dma_start3A_228 : memref<1x128x4xf32, #tpu.memory_space<vmem>> -> memref<128x4xf32, #tpu.memory_space<vmem>>
        %dma_start3A_230 = arith.constant 0 : i32
        %dma_start3A_231 = tpu.memref_slice %arg8[%run_scoped3A_210, %dma_start3A_230] : memref<8x128xi32, #tpu.memory_space<vmem>> -> memref<1x128xi32, #tpu.memory_space<vmem>>
        %dma_start3A_232 = tpu.memref_squeeze %dma_start3A_231 : memref<1x128xi32, #tpu.memory_space<vmem>> -> memref<128xi32, #tpu.memory_space<vmem>>
        %dma_start3A_233 = arith.constant 0 : i32
        %dma_start3A_234 = arith.constant 0 : i32
        %dma_start3A_235 = tpu.memref_slice %arg10[%dma_start3A_233, %dma_start3A_234] : memref<204800x4xf32, #tpu.memory_space<vmem_shared>> -> memref<204800x4xf32, #tpu.memory_space<vmem_shared>>
        tpu.enqueue_indirect_dma source(%dma_start3A_229 : memref<128x4xf32, #tpu.memory_space<vmem>>) target(%dma_start3A_235 : memref<204800x4xf32, #tpu.memory_space<vmem_shared>>) offsets(%dma_start3A_232 : memref<128xi32, #tpu.memory_space<vmem>>) semaphore(%run_scoped3A_225 : memref<!tpu.dma_semaphore, #tpu.memory_space<semaphore_mem>>) {add = true}
        %dma_wait3A_236 = arith.constant 0 : i32
        %dma_wait3A_237 = arith.constant 0 : i32
        %dma_wait3A_238 = tpu.memref_slice %arg9[%run_scoped3A_209, %dma_wait3A_236, %dma_wait3A_237] : memref<8x128x4xf32, #tpu.memory_space<vmem>> -> memref<1x128x4xf32, #tpu.memory_space<vmem>>
        %dma_wait3A_239 = tpu.memref_squeeze %dma_wait3A_238 : memref<1x128x4xf32, #tpu.memory_space<vmem>> -> memref<128x4xf32, #tpu.memory_space<vmem>>
        %dma_wait3A_240 = arith.constant 0 : i32
        %dma_wait3A_241 = tpu.memref_slice %arg8[%run_scoped3A_210, %dma_wait3A_240] : memref<8x128xi32, #tpu.memory_space<vmem>> -> memref<1x128xi32, #tpu.memory_space<vmem>>
        %dma_wait3A_242 = tpu.memref_squeeze %dma_wait3A_241 : memref<1x128xi32, #tpu.memory_space<vmem>> -> memref<128xi32, #tpu.memory_space<vmem>>
        %dma_wait3A_243 = arith.constant 0 : i32
        %dma_wait3A_244 = arith.constant 0 : i32
        %dma_wait3A_245 = tpu.memref_slice %arg10[%dma_wait3A_243, %dma_wait3A_244] : memref<204800x4xf32, #tpu.memory_space<vmem_shared>> -> memref<204800x4xf32, #tpu.memory_space<vmem_shared>>
        tpu.wait_indirect_dma semaphore(%run_scoped3A_225 : memref<!tpu.dma_semaphore, #tpu.memory_space<semaphore_mem>>) src(%dma_wait3A_239 : memref<128x4xf32, #tpu.memory_space<vmem>>) dst(%dma_wait3A_245 : memref<204800x4xf32, #tpu.memory_space<vmem_shared>>)
        tpu.yield
      }) : () -> ()
      %dma_wait3A_211 = arith.constant 7 : i32
      %dma_wait3A_212 = arith.constant 7 : i32
      %dma_wait3A_213 = arith.constant 0 : i32
      %dma_wait3A_214 = arith.constant 0 : i32
      %dma_wait3A_215 = tpu.memref_slice %arg9[%dma_wait3A_212, %dma_wait3A_213, %dma_wait3A_214] : memref<8x128x4xf32, #tpu.memory_space<vmem>> -> memref<1x128x4xf32, #tpu.memory_space<vmem>>
      %dma_wait3A_216 = tpu.memref_squeeze %dma_wait3A_215 : memref<1x128x4xf32, #tpu.memory_space<vmem>> -> memref<128x4xf32, #tpu.memory_space<vmem>>
      %dma_wait3A_217 = arith.constant 0 : i32
      %dma_wait3A_218 = tpu.memref_slice %arg7[%dma_wait3A_211, %dma_wait3A_217] : memref<8x128xi32, #tpu.memory_space<vmem>> -> memref<1x128xi32, #tpu.memory_space<vmem>>
      %dma_wait3A_219 = tpu.memref_squeeze %dma_wait3A_218 : memref<1x128xi32, #tpu.memory_space<vmem>> -> memref<128xi32, #tpu.memory_space<vmem>>
      %dma_wait3A_220 = arith.constant 0 : i32
      %dma_wait3A_221 = arith.constant 0 : i32
      %dma_wait3A_222 = tpu.memref_slice %arg10[%dma_wait3A_220, %dma_wait3A_221] : memref<204800x4xf32, #tpu.memory_space<vmem_shared>> -> memref<204800x4xf32, #tpu.memory_space<vmem_shared>>
      tpu.wait_indirect_dma semaphore(%arg11 : memref<!tpu.dma_semaphore, #tpu.memory_space<semaphore_mem>>) src(%dma_wait3A_222 : memref<204800x4xf32, #tpu.memory_space<vmem_shared>>) dst(%dma_wait3A_216 : memref<128x4xf32, #tpu.memory_space<vmem>>)
      %run_scoped3A_223 = arith.constant 7 : i32
      %run_scoped3A_224 = arith.constant 7 : i32
      "tpu.region"() ({
        %run_scoped3A_225 = tpu.sem_alloc : memref<!tpu.dma_semaphore, #tpu.memory_space<semaphore_mem>>
        %dma_start3A_226 = arith.constant 0 : i32
        %dma_start3A_227 = arith.constant 0 : i32
        %dma_start3A_228 = tpu.memref_slice %arg9[%run_scoped3A_223, %dma_start3A_226, %dma_start3A_227] : memref<8x128x4xf32, #tpu.memory_space<vmem>> -> memref<1x128x4xf32, #tpu.memory_space<vmem>>
        %dma_start3A_229 = tpu.memref_squeeze %dma_start3A_228 : memref<1x128x4xf32, #tpu.memory_space<vmem>> -> memref<128x4xf32, #tpu.memory_space<vmem>>
        %dma_start3A_230 = arith.constant 0 : i32
        %dma_start3A_231 = tpu.memref_slice %arg8[%run_scoped3A_224, %dma_start3A_230] : memref<8x128xi32, #tpu.memory_space<vmem>> -> memref<1x128xi32, #tpu.memory_space<vmem>>
        %dma_start3A_232 = tpu.memref_squeeze %dma_start3A_231 : memref<1x128xi32, #tpu.memory_space<vmem>> -> memref<128xi32, #tpu.memory_space<vmem>>
        %dma_start3A_233 = arith.constant 0 : i32
        %dma_start3A_234 = arith.constant 0 : i32
        %dma_start3A_235 = tpu.memref_slice %arg10[%dma_start3A_233, %dma_start3A_234] : memref<204800x4xf32, #tpu.memory_space<vmem_shared>> -> memref<204800x4xf32, #tpu.memory_space<vmem_shared>>
        tpu.enqueue_indirect_dma source(%dma_start3A_229 : memref<128x4xf32, #tpu.memory_space<vmem>>) target(%dma_start3A_235 : memref<204800x4xf32, #tpu.memory_space<vmem_shared>>) offsets(%dma_start3A_232 : memref<128xi32, #tpu.memory_space<vmem>>) semaphore(%run_scoped3A_225 : memref<!tpu.dma_semaphore, #tpu.memory_space<semaphore_mem>>) {add = true}
        %dma_wait3A_236 = arith.constant 0 : i32
        %dma_wait3A_237 = arith.constant 0 : i32
        %dma_wait3A_238 = tpu.memref_slice %arg9[%run_scoped3A_223, %dma_wait3A_236, %dma_wait3A_237] : memref<8x128x4xf32, #tpu.memory_space<vmem>> -> memref<1x128x4xf32, #tpu.memory_space<vmem>>
        %dma_wait3A_239 = tpu.memref_squeeze %dma_wait3A_238 : memref<1x128x4xf32, #tpu.memory_space<vmem>> -> memref<128x4xf32, #tpu.memory_space<vmem>>
        %dma_wait3A_240 = arith.constant 0 : i32
        %dma_wait3A_241 = tpu.memref_slice %arg8[%run_scoped3A_224, %dma_wait3A_240] : memref<8x128xi32, #tpu.memory_space<vmem>> -> memref<1x128xi32, #tpu.memory_space<vmem>>
        %dma_wait3A_242 = tpu.memref_squeeze %dma_wait3A_241 : memref<1x128xi32, #tpu.memory_space<vmem>> -> memref<128xi32, #tpu.memory_space<vmem>>
        %dma_wait3A_243 = arith.constant 0 : i32
        %dma_wait3A_244 = arith.constant 0 : i32
        %dma_wait3A_245 = tpu.memref_slice %arg10[%dma_wait3A_243, %dma_wait3A_244] : memref<204800x4xf32, #tpu.memory_space<vmem_shared>> -> memref<204800x4xf32, #tpu.memory_space<vmem_shared>>
        tpu.wait_indirect_dma semaphore(%run_scoped3A_225 : memref<!tpu.dma_semaphore, #tpu.memory_space<semaphore_mem>>) src(%dma_wait3A_239 : memref<128x4xf32, #tpu.memory_space<vmem>>) dst(%dma_wait3A_245 : memref<204800x4xf32, #tpu.memory_space<vmem_shared>>)
        tpu.yield
      }) : () -> ()
    }
    %scan3A_12 = arith.constant 98 : i32
    %barrier3A_13 = arith.constant 0 : index
    tpu.barrier barrier_id(%barrier3A_13)
    "tpu.region"() ({
      %run_scoped3A = tpu.sem_alloc : memref<!tpu.dma_semaphore, #tpu.memory_space<semaphore_mem>>
      %dma_start3A = arith.constant 0 : i32
      %dma_start3A_14 = tpu.memref_slice %arg6[%arg0, %mul3A_2, %dma_start3A] : memref<2x102400x4xf32, #tpu.memory_space<hbm>> -> memref<1x6400x4xf32, #tpu.memory_space<hbm>>
      %dma_start3A_15 = tpu.memref_squeeze %dma_start3A_14 : memref<1x6400x4xf32, #tpu.memory_space<hbm>> -> memref<6400x4xf32, #tpu.memory_space<hbm>>
      %dma_start3A_16 = arith.constant 0 : i32
      %dma_start3A_17 = tpu.memref_slice %arg10[%add3A_6, %dma_start3A_16] : memref<204800x4xf32, #tpu.memory_space<vmem_shared>> -> memref<6400x4xf32, #tpu.memory_space<vmem_shared>>
      tpu.enqueue_dma source(%dma_start3A_17 : memref<6400x4xf32, #tpu.memory_space<vmem_shared>>) target(%dma_start3A_15 : memref<6400x4xf32, #tpu.memory_space<hbm>>) target_semaphore(%run_scoped3A : memref<!tpu.dma_semaphore, #tpu.memory_space<semaphore_mem>>)
      %dma_wait3A = arith.constant 0 : i32
      %dma_wait3A_18 = tpu.memref_slice %arg6[%arg0, %mul3A_2, %dma_wait3A] : memref<2x102400x4xf32, #tpu.memory_space<hbm>> -> memref<1x6400x4xf32, #tpu.memory_space<hbm>>
      %dma_wait3A_19 = tpu.memref_squeeze %dma_wait3A_18 : memref<1x6400x4xf32, #tpu.memory_space<hbm>> -> memref<6400x4xf32, #tpu.memory_space<hbm>>
      %dma_wait3A_20 = arith.constant 0 : i32
      %dma_wait3A_21 = tpu.memref_slice %arg10[%add3A_6, %dma_wait3A_20] : memref<204800x4xf32, #tpu.memory_space<vmem_shared>> -> memref<6400x4xf32, #tpu.memory_space<vmem_shared>>
      tpu.wait_dma2 semaphore(%run_scoped3A : memref<!tpu.dma_semaphore, #tpu.memory_space<semaphore_mem>>) src(%dma_wait3A_21 : memref<6400x4xf32, #tpu.memory_space<vmem_shared>>) dst(%dma_wait3A_19 : memref<6400x4xf32, #tpu.memory_space<hbm>>)
      tpu.yield
    }) : () -> ()
    return
  }
}

module attributes {stable_mosaic.version = 14 : i64} {
  func.func @_tc_combine0_body(%arg0: i32, %arg1: memref<320x128xf32, #tpu.memory_space<vmem>>, %arg2: memref<1x320x128xf32, #tpu.memory_space<vmem>>, %arg3: memref<1x320x128xf32, #tpu.memory_space<vmem>>, %arg4: memref<1x320x128xf32, #tpu.memory_space<vmem>>, %arg5: memref<1x320x128xf32, #tpu.memory_space<vmem>>, %arg6: memref<1x1xf32, #tpu.memory_space<vmem>>, %arg7: memref<1x1xf32, #tpu.memory_space<vmem>>, %arg8: memref<1x1xf32, #tpu.memory_space<vmem>>, %arg9: memref<1x1xf32, #tpu.memory_space<vmem>>, %arg10: memref<320x128xf32, #tpu.memory_space<vmem>>, %arg11: memref<320x128xf32, #tpu.memory_space<vmem>>) attributes {dimension_semantics = [#tpu.dimension_semantics<arbitrary>], iteration_bounds = array<i64: 10>, scalar_prefetch = 0 : i64, scratch_operands = 0 : i64, tpu.core_type = #tpu.core_type<tc>, window_params = [{transform_indices = @transform_0, window_bounds = array<i64: 320, 128>}, {transform_indices = @transform_1, window_bounds = array<i64: 1, 320, 128>}, {transform_indices = @transform_2, window_bounds = array<i64: 1, 320, 128>}, {transform_indices = @transform_3, window_bounds = array<i64: 1, 320, 128>}, {transform_indices = @transform_4, window_bounds = array<i64: 1, 320, 128>}, {pipeline_mode = #tpu.pipeline_mode<synchronous>, transform_indices = @transform_5, window_bounds = array<i64: 1, 1>}, {pipeline_mode = #tpu.pipeline_mode<synchronous>, transform_indices = @transform_6, window_bounds = array<i64: 1, 1>}, {pipeline_mode = #tpu.pipeline_mode<synchronous>, transform_indices = @transform_7, window_bounds = array<i64: 1, 1>}, {pipeline_mode = #tpu.pipeline_mode<synchronous>, transform_indices = @transform_8, window_bounds = array<i64: 1, 1>}, {transform_indices = @transform_9, window_bounds = array<i64: 320, 128>}, {transform_indices = @transform_10, window_bounds = array<i64: 320, 128>}]} {
    %get3A = arith.constant 0 : index
    %get3A_0 = arith.constant 0 : index
    %get3A_1 = vector.load %arg6[%get3A, %get3A_0] : memref<1x1xf32, #tpu.memory_space<vmem>>, vector<1x1xf32>
    %get3A_2 = vector.extract %get3A_1[0, 0] : f32 from vector<1x1xf32>
    %get3A_3 = arith.constant 0 : index
    %get3A_4 = arith.constant 0 : index
    %get3A_5 = vector.load %arg7[%get3A_3, %get3A_4] : memref<1x1xf32, #tpu.memory_space<vmem>>, vector<1x1xf32>
    %get3A_6 = vector.extract %get3A_5[0, 0] : f32 from vector<1x1xf32>
    %get3A_7 = arith.constant 0 : index
    %get3A_8 = arith.constant 0 : index
    %get3A_9 = vector.load %arg8[%get3A_7, %get3A_8] : memref<1x1xf32, #tpu.memory_space<vmem>>, vector<1x1xf32>
    %get3A_10 = vector.extract %get3A_9[0, 0] : f32 from vector<1x1xf32>
    %get3A_11 = arith.constant 0 : index
    %get3A_12 = arith.constant 0 : index
    %get3A_13 = vector.load %arg9[%get3A_11, %get3A_12] : memref<1x1xf32, #tpu.memory_space<vmem>>, vector<1x1xf32>
    %get3A_14 = vector.extract %get3A_13[0, 0] : f32 from vector<1x1xf32>
    %get3A_15 = arith.constant 0 : index
    %get3A_16 = arith.constant 0 : index
    %get3A_17 = arith.constant 0 : index
    %get3A_18 = vector.load %arg2[%get3A_15, %get3A_16, %get3A_17] : memref<1x320x128xf32, #tpu.memory_space<vmem>>, vector<1x320x128xf32>
    %get3A_19 = vector.shape_cast %get3A_18 : vector<1x320x128xf32> to vector<320x128xf32>
    %get3A_20 = arith.constant 0 : index
    %get3A_21 = arith.constant 0 : index
    %get3A_22 = arith.constant 0 : index
    %get3A_23 = vector.load %arg3[%get3A_20, %get3A_21, %get3A_22] : memref<1x320x128xf32, #tpu.memory_space<vmem>>, vector<1x320x128xf32>
    %get3A_24 = vector.shape_cast %get3A_23 : vector<1x320x128xf32> to vector<320x128xf32>
    %add3A = arith.addf %get3A_19, %get3A_24 : vector<320x128xf32>
    %log3A = math.log %add3A : vector<320x128xf32>
    %swap3A = arith.constant 0 : index
    %swap3A_25 = arith.constant 0 : index
    %swap3A_26 = vector.load %arg11[%swap3A, %swap3A_25] : memref<320x128xf32, #tpu.memory_space<vmem>>, vector<320x128xf32>
    tpu.vector_store %arg11[%swap3A, %swap3A_25], %log3A {strides = array<i32>} : memref<320x128xf32, #tpu.memory_space<vmem>>, vector<320x128xf32>,
    %get3A_27 = arith.constant 0 : index
    %get3A_28 = arith.constant 0 : index
    %get3A_29 = vector.load %arg1[%get3A_27, %get3A_28] : memref<320x128xf32, #tpu.memory_space<vmem>>, vector<320x128xf32>
    %mul3A = vector.broadcast %get3A_6 : f32 to vector<320x128xf32>
    %mul3A_30 = arith.mulf %mul3A, %get3A_29 : vector<320x128xf32>
    %mul3A_31 = vector.broadcast %get3A_2 : f32 to vector<320x128xf32>
    %mul3A_32 = arith.mulf %mul3A_31, %log3A : vector<320x128xf32>
    %exp3A = math.exp %mul3A_32 : vector<320x128xf32>
    %mul3A_33 = arith.mulf %mul3A_30, %exp3A : vector<320x128xf32>
    %sub3A = arith.constant 1.000000e+00 : f32
    %sub3A_34 = arith.subf %get3A_2, %sub3A : f32
    %mul3A_35 = vector.broadcast %sub3A_34 : f32 to vector<320x128xf32>
    %mul3A_36 = arith.mulf %mul3A_35, %log3A : vector<320x128xf32>
    %exp3A_37 = math.exp %mul3A_36 : vector<320x128xf32>
    %mul3A_38 = vector.broadcast %get3A_10 : f32 to vector<320x128xf32>
    %mul3A_39 = arith.mulf %mul3A_38, %exp3A_37 : vector<320x128xf32>
    %get3A_40 = arith.constant 0 : index
    %get3A_41 = arith.constant 0 : index
    %get3A_42 = arith.constant 0 : index
    %get3A_43 = vector.load %arg4[%get3A_40, %get3A_41, %get3A_42] : memref<1x320x128xf32, #tpu.memory_space<vmem>>, vector<1x320x128xf32>
    %get3A_44 = vector.shape_cast %get3A_43 : vector<1x320x128xf32> to vector<320x128xf32>
    %get3A_45 = arith.constant 0 : index
    %get3A_46 = arith.constant 0 : index
    %get3A_47 = arith.constant 0 : index
    %get3A_48 = vector.load %arg5[%get3A_45, %get3A_46, %get3A_47] : memref<1x320x128xf32, #tpu.memory_space<vmem>>, vector<1x320x128xf32>
    %get3A_49 = vector.shape_cast %get3A_48 : vector<1x320x128xf32> to vector<320x128xf32>
    %add3A_50 = arith.addf %get3A_44, %get3A_49 : vector<320x128xf32>
    %mul3A_51 = arith.mulf %mul3A_39, %add3A_50 : vector<320x128xf32>
    %add3A_52 = arith.addf %mul3A_33, %mul3A_51 : vector<320x128xf32>
    %add3A_53 = vector.broadcast %get3A_14 : f32 to vector<320x128xf32>
    %add3A_54 = arith.addf %add3A_52, %add3A_53 : vector<320x128xf32>
    %swap3A_55 = arith.constant 0 : index
    %swap3A_56 = arith.constant 0 : index
    %swap3A_57 = vector.load %arg10[%swap3A_55, %swap3A_56] : memref<320x128xf32, #tpu.memory_space<vmem>>, vector<320x128xf32>
    tpu.vector_store %arg10[%swap3A_55, %swap3A_56], %add3A_54 {strides = array<i32>} : memref<320x128xf32, #tpu.memory_space<vmem>>, vector<320x128xf32>,
    return
  }
  func.func @transform_0(%arg0: i32) -> (i32, i32) {
    %c0_i32 = arith.constant 0 : i32
    %c0_i32_0 = arith.constant 0 : i32
    return %arg0, %c0_i32 : i32, i32
  }
  func.func @transform_1(%arg0: i32) -> (i32, i32, i32) {
    %c0_i32 = arith.constant 0 : i32
    %c0_i32_0 = arith.constant 0 : i32
    %c0_i32_1 = arith.constant 0 : i32
    return %c0_i32, %arg0, %c0_i32_0 : i32, i32, i32
  }
  func.func @transform_2(%arg0: i32) -> (i32, i32, i32) {
    %c1_i32 = arith.constant 1 : i32
    %c0_i32 = arith.constant 0 : i32
    %c0_i32_0 = arith.constant 0 : i32
    return %c1_i32, %arg0, %c0_i32 : i32, i32, i32
  }
  func.func @transform_3(%arg0: i32) -> (i32, i32, i32) {
    %c0_i32 = arith.constant 0 : i32
    %c0_i32_0 = arith.constant 0 : i32
    %c0_i32_1 = arith.constant 0 : i32
    return %c0_i32, %arg0, %c0_i32_0 : i32, i32, i32
  }
  func.func @transform_4(%arg0: i32) -> (i32, i32, i32) {
    %c1_i32 = arith.constant 1 : i32
    %c0_i32 = arith.constant 0 : i32
    %c0_i32_0 = arith.constant 0 : i32
    return %c1_i32, %arg0, %c0_i32 : i32, i32, i32
  }
  func.func @transform_5(%arg0: i32) -> (i32, i32) {
    %c0_i32 = arith.constant 0 : i32
    %c0_i32_0 = arith.constant 0 : i32
    %c0_i32_1 = arith.constant 0 : i32
    return %c0_i32, %c0_i32_0 : i32, i32
  }
  func.func @transform_6(%arg0: i32) -> (i32, i32) {
    %c0_i32 = arith.constant 0 : i32
    %c0_i32_0 = arith.constant 0 : i32
    %c0_i32_1 = arith.constant 0 : i32
    return %c0_i32, %c0_i32_0 : i32, i32
  }
  func.func @transform_7(%arg0: i32) -> (i32, i32) {
    %c0_i32 = arith.constant 0 : i32
    %c0_i32_0 = arith.constant 0 : i32
    %c0_i32_1 = arith.constant 0 : i32
    return %c0_i32, %c0_i32_0 : i32, i32
  }
  func.func @transform_8(%arg0: i32) -> (i32, i32) {
    %c0_i32 = arith.constant 0 : i32
    %c0_i32_0 = arith.constant 0 : i32
    %c0_i32_1 = arith.constant 0 : i32
    return %c0_i32, %c0_i32_0 : i32, i32
  }
  func.func @transform_9(%arg0: i32) -> (i32, i32) {
    %c0_i32 = arith.constant 0 : i32
    %c0_i32_0 = arith.constant 0 : i32
    return %arg0, %c0_i32 : i32, i32
  }
  func.func @transform_10(%arg0: i32) -> (i32, i32) {
    %c0_i32 = arith.constant 0 : i32
    %c0_i32_0 = arith.constant 0 : i32
    return %arg0, %c0_i32 : i32, i32
  }
}

module attributes {stable_mosaic.version = 14 : i64} {
  func.func @_tc_combine1_body(%arg0: i32, %arg1: memref<320x128xf32, #tpu.memory_space<vmem>>, %arg2: memref<320x128xf32, #tpu.memory_space<vmem>>, %arg3: memref<1x320x128xf32, #tpu.memory_space<vmem>>, %arg4: memref<1x320x128xf32, #tpu.memory_space<vmem>>, %arg5: memref<1x1xf32, #tpu.memory_space<vmem>>, %arg6: memref<1x1xf32, #tpu.memory_space<vmem>>, %arg7: memref<1x1xf32, #tpu.memory_space<vmem>>, %arg8: memref<1x1xf32, #tpu.memory_space<vmem>>, %arg9: memref<320x128xf32, #tpu.memory_space<vmem>>) attributes {dimension_semantics = [#tpu.dimension_semantics<arbitrary>], iteration_bounds = array<i64: 10>, scalar_prefetch = 0 : i64, scratch_operands = 0 : i64, tpu.core_type = #tpu.core_type<tc>, window_params = [{transform_indices = @transform_0, window_bounds = array<i64: 320, 128>}, {transform_indices = @transform_1, window_bounds = array<i64: 320, 128>}, {transform_indices = @transform_2, window_bounds = array<i64: 1, 320, 128>}, {transform_indices = @transform_3, window_bounds = array<i64: 1, 320, 128>}, {pipeline_mode = #tpu.pipeline_mode<synchronous>, transform_indices = @transform_4, window_bounds = array<i64: 1, 1>}, {pipeline_mode = #tpu.pipeline_mode<synchronous>, transform_indices = @transform_5, window_bounds = array<i64: 1, 1>}, {pipeline_mode = #tpu.pipeline_mode<synchronous>, transform_indices = @transform_6, window_bounds = array<i64: 1, 1>}, {pipeline_mode = #tpu.pipeline_mode<synchronous>, transform_indices = @transform_7, window_bounds = array<i64: 1, 1>}, {transform_indices = @transform_8, window_bounds = array<i64: 320, 128>}]} {
    %get3A = arith.constant 0 : index
    %get3A_0 = arith.constant 0 : index
    %get3A_1 = vector.load %arg5[%get3A, %get3A_0] : memref<1x1xf32, #tpu.memory_space<vmem>>, vector<1x1xf32>
    %get3A_2 = vector.extract %get3A_1[0, 0] : f32 from vector<1x1xf32>
    %get3A_3 = arith.constant 0 : index
    %get3A_4 = arith.constant 0 : index
    %get3A_5 = vector.load %arg6[%get3A_3, %get3A_4] : memref<1x1xf32, #tpu.memory_space<vmem>>, vector<1x1xf32>
    %get3A_6 = vector.extract %get3A_5[0, 0] : f32 from vector<1x1xf32>
    %get3A_7 = arith.constant 0 : index
    %get3A_8 = arith.constant 0 : index
    %get3A_9 = vector.load %arg7[%get3A_7, %get3A_8] : memref<1x1xf32, #tpu.memory_space<vmem>>, vector<1x1xf32>
    %get3A_10 = vector.extract %get3A_9[0, 0] : f32 from vector<1x1xf32>
    %get3A_11 = arith.constant 0 : index
    %get3A_12 = arith.constant 0 : index
    %get3A_13 = vector.load %arg8[%get3A_11, %get3A_12] : memref<1x1xf32, #tpu.memory_space<vmem>>, vector<1x1xf32>
    %get3A_14 = vector.extract %get3A_13[0, 0] : f32 from vector<1x1xf32>
    %get3A_15 = arith.constant 0 : index
    %get3A_16 = arith.constant 0 : index
    %get3A_17 = vector.load %arg2[%get3A_15, %get3A_16] : memref<320x128xf32, #tpu.memory_space<vmem>>, vector<320x128xf32>
    %get3A_18 = arith.constant 0 : index
    %get3A_19 = arith.constant 0 : index
    %get3A_20 = vector.load %arg1[%get3A_18, %get3A_19] : memref<320x128xf32, #tpu.memory_space<vmem>>, vector<320x128xf32>
    %mul3A = vector.broadcast %get3A_6 : f32 to vector<320x128xf32>
    %mul3A_21 = arith.mulf %mul3A, %get3A_20 : vector<320x128xf32>
    %mul3A_22 = vector.broadcast %get3A_2 : f32 to vector<320x128xf32>
    %mul3A_23 = arith.mulf %mul3A_22, %get3A_17 : vector<320x128xf32>
    %exp3A = math.exp %mul3A_23 : vector<320x128xf32>
    %mul3A_24 = arith.mulf %mul3A_21, %exp3A : vector<320x128xf32>
    %sub3A = arith.constant 1.000000e+00 : f32
    %sub3A_25 = arith.subf %get3A_2, %sub3A : f32
    %mul3A_26 = vector.broadcast %sub3A_25 : f32 to vector<320x128xf32>
    %mul3A_27 = arith.mulf %mul3A_26, %get3A_17 : vector<320x128xf32>
    %exp3A_28 = math.exp %mul3A_27 : vector<320x128xf32>
    %mul3A_29 = vector.broadcast %get3A_10 : f32 to vector<320x128xf32>
    %mul3A_30 = arith.mulf %mul3A_29, %exp3A_28 : vector<320x128xf32>
    %get3A_31 = arith.constant 0 : index
    %get3A_32 = arith.constant 0 : index
    %get3A_33 = arith.constant 0 : index
    %get3A_34 = vector.load %arg3[%get3A_31, %get3A_32, %get3A_33] : memref<1x320x128xf32, #tpu.memory_space<vmem>>, vector<1x320x128xf32>
    %get3A_35 = vector.shape_cast %get3A_34 : vector<1x320x128xf32> to vector<320x128xf32>
    %get3A_36 = arith.constant 0 : index
    %get3A_37 = arith.constant 0 : index
    %get3A_38 = arith.constant 0 : index
    %get3A_39 = vector.load %arg4[%get3A_36, %get3A_37, %get3A_38] : memref<1x320x128xf32, #tpu.memory_space<vmem>>, vector<1x320x128xf32>
    %get3A_40 = vector.shape_cast %get3A_39 : vector<1x320x128xf32> to vector<320x128xf32>
    %add3A = arith.addf %get3A_35, %get3A_40 : vector<320x128xf32>
    %mul3A_41 = arith.mulf %mul3A_30, %add3A : vector<320x128xf32>
    %add3A_42 = arith.addf %mul3A_24, %mul3A_41 : vector<320x128xf32>
    %add3A_43 = vector.broadcast %get3A_14 : f32 to vector<320x128xf32>
    %add3A_44 = arith.addf %add3A_42, %add3A_43 : vector<320x128xf32>
    %swap3A = arith.constant 0 : index
    %swap3A_45 = arith.constant 0 : index
    %swap3A_46 = vector.load %arg9[%swap3A, %swap3A_45] : memref<320x128xf32, #tpu.memory_space<vmem>>, vector<320x128xf32>
    tpu.vector_store %arg9[%swap3A, %swap3A_45], %add3A_44 {strides = array<i32>} : memref<320x128xf32, #tpu.memory_space<vmem>>, vector<320x128xf32>,
    return
  }
  func.func @transform_0(%arg0: i32) -> (i32, i32) {
    %c0_i32 = arith.constant 0 : i32
    %c0_i32_0 = arith.constant 0 : i32
    return %arg0, %c0_i32 : i32, i32
  }
  func.func @transform_1(%arg0: i32) -> (i32, i32) {
    %c0_i32 = arith.constant 0 : i32
    %c0_i32_0 = arith.constant 0 : i32
    return %arg0, %c0_i32 : i32, i32
  }
  func.func @transform_2(%arg0: i32) -> (i32, i32, i32) {
    %c0_i32 = arith.constant 0 : i32
    %c0_i32_0 = arith.constant 0 : i32
    %c0_i32_1 = arith.constant 0 : i32
    return %c0_i32, %arg0, %c0_i32_0 : i32, i32, i32
  }
  func.func @transform_3(%arg0: i32) -> (i32, i32, i32) {
    %c1_i32 = arith.constant 1 : i32
    %c0_i32 = arith.constant 0 : i32
    %c0_i32_0 = arith.constant 0 : i32
    return %c1_i32, %arg0, %c0_i32 : i32, i32, i32
  }
  func.func @transform_4(%arg0: i32) -> (i32, i32) {
    %c0_i32 = arith.constant 0 : i32
    %c0_i32_0 = arith.constant 0 : i32
    %c0_i32_1 = arith.constant 0 : i32
    return %c0_i32, %c0_i32_0 : i32, i32
  }
  func.func @transform_5(%arg0: i32) -> (i32, i32) {
    %c0_i32 = arith.constant 0 : i32
    %c0_i32_0 = arith.constant 0 : i32
    %c0_i32_1 = arith.constant 0 : i32
    return %c0_i32, %c0_i32_0 : i32, i32
  }
  func.func @transform_6(%arg0: i32) -> (i32, i32) {
    %c0_i32 = arith.constant 0 : i32
    %c0_i32_0 = arith.constant 0 : i32
    %c0_i32_1 = arith.constant 0 : i32
    return %c0_i32, %c0_i32_0 : i32, i32
  }
  func.func @transform_7(%arg0: i32) -> (i32, i32) {
    %c0_i32 = arith.constant 0 : i32
    %c0_i32_0 = arith.constant 0 : i32
    %c0_i32_1 = arith.constant 0 : i32
    return %c0_i32, %c0_i32_0 : i32, i32
  }
  func.func @transform_8(%arg0: i32) -> (i32, i32) {
    %c0_i32 = arith.constant 0 : i32
    %c0_i32_0 = arith.constant 0 : i32
    return %arg0, %c0_i32 : i32, i32
  }
}

</mosaic_0001>

<sc_bundles>
// kernel: kernel.6.cloned.1.call-start
scs
__scs_entry_jumppad:
0x0: {  	(pc) =	sbr.rel $0x88, $3  }
0x1: {  	(tag) =	ssettag $0x0;
	lr =	simm.s32 $0x1  }
0x2: {  	[smem:$0x3F98] =	sst lr;
	_ =	strace $0xD0000000  }
0x3: {  	_ = 	snop  }
0x4: {  	_ = 	snop  }
0x5: {  	_ = 	snop  }
0x6: {  	_ = 	snop  }
0x7: {  	_ = 	snop  }
__scs_overlays_trampoline_lowered:
0x8: {  	[smem:$0x3FA7] =	sst s0  }
0x9: {  	[smem:$0x3FA8] =	sst s1  }
0xa: {  	[smem:$0x3FA9] =	sst s2  }
0xb: {  	[smem:$0x3FAA] =	sst s3  }
0xc: {  	[smem:$0x3FAB] =	sst s4  }
0xd: {  	[smem:$0x3FAC] =	sst s5  }
0xe: {  	[smem:$0x3FAD] =	sst s6  }
0xf: {  	[smem:$0x3FAE] =	sst s7  }
0x10: {  	[smem:$0x3FAF] =	sst s8  }
0x11: {  	[smem:$0x3FB0] =	sst s9;
	s0 =	simm.s32 @!p0 $0x0  }
0x12: {  	s1 =	sld [smem:$0x3F96];
	s0 =	simm.s32 @p0 $0x1  }
0x13: {  	[smem:$0x3FB1] =	sst s0;
	s0 =	simm.s32 @!p1 $0x0  }
0x14: {  	s2 =	sld [smem:$0x3F95];
	s0 =	simm.s32 @p1 $0x1  }
0x15: {  	[smem:$0x3FB2] =	sst s0;
	s0 =	simm.s32 @!p2 $0x0  }
0x16: {  	s3 =	sld [smem:$0x3FDB];
	s0 =	simm.s32 @p2 $0x1  }
0x17: {  	s4 =	simm.s32 $0x1BF5;
	[smem:$0x3FB4] =	sst s0  }
0x18: {  	s0 =	sld [smem:$0x3F97];
	_ =	swait.ge [sflag:s4], $0x0  }
0x19: {  	s7 =	sld [smem:$0x3F98]  }
0x1a: {  	s8 =	sadd.s32 $0xFFFFE003, lr  }
0x1b: {  	s9 =	sadd.s32 $0xFFFFFEF7, lr;
	s5 =	simm.s32 $0xFFFFFFFF;
	p2 =	slt.u32 s8, $0xFFFFF086  }
0x1c: {  	p1 =	slt.u32 s9, $0xF7A;
	s5 =	simm.s32 @!p2 $0x0  }
0x1d: {  	s5 =	simm.s32 @p1 $0x1;
	p0 =	seq.s32 s7, s2  }
0x1e: {  	s7 =	smul.u32 @!p0 $0xF7A, s2;
	p2 =	seq.s32 @!p0 s5, $0x0  }
0x1f: {  	s9 =	smul.u32 $0xF7A, s1;
	s8 =	simm.s32 @!p0 $0x1BF5;
	p2 =	por !p2, p0  }
0x20: {  	[sflag:s8] =	ssyncset.s32 @!p0 $0xFFFFF086;
	s6 =	sadd.s32 @!p0 s3, s7;
	s7 =	simm.s32 @!p0 $0x108  }
0x21: {  	s3 =	sadd.s32 s3, s9;
	s6 =	sadd.s32 @!p0 $0x88, s6;
	s7 =	simm.s32 @p2 $0x1082  }
0x22: {  	[simem:s7], [sflag:s8] =	dma.local @!p0 [hbm:s6], $0xF7A  }
0x23: {  	s9 =	sor.u32 $0xD0000000, s2;
	s6 =	simm.s32 $0x108;
	_ =	swait.ge @!p0 [sflag:s8], $0x0  }
0x24: {  	s3 =	sadd.s32 $0x88, s3;
	s6 =	simm.s32 @!p1 $0x1082;
	[sflag:s4] =	ssyncset.s32 $0xFFFFF086  }
0x25: {  	[simem:s6], [sflag:s4] =	dma.local [hbm:s3], $0xF7A  }
0x26: {  	[smem:$0x3F98] =	sst s1;
	(tag) =	ssettag s2;
	_ =	strace s9  }
0x27: {  	s1 =	sld [smem:$0x3FA8]  }
0x28: {  	s2 =	sld [smem:$0x3FA9]  }
0x29: {  	s4 =	sld [smem:$0x3FAB]  }
0x2a: {  	p0 =	seq.s32 s5, $0x0;
	s5 =	sld [smem:$0x3FAC]  }
0x2b: {  	s6 =	sld [smem:$0x3FAD]  }
0x2c: {  	s7 =	sld [smem:$0x3FAE]  }
0x2d: {  	s3 =	simm.s32 $0x108;
	s8 =	sld [smem:$0x3FAF]  }
0x2e: {  	s3 =	simm.s32 @!p0 $0x1082;
	s9 =	sld [smem:$0x3FB0]  }
0x2f: {  	lr =	sadd.s32 s0, s3;
	s0 =	sld [smem:$0x3FA7]  }
0x30: {  	s3 =	sld [smem:$0x3FAA]  }
0x31: {  	[smem:$0x3FB3] =	sst s10  }
0x32: {  	s10 =	sld [smem:$0x3FB1];
	_ =	sdelay $0x3  }
0x33: {  	p0 =	seq.s32 s10, $0x1;
	s10 =	sld [smem:$0x3FB3];
	_ =	sdelay $0x3  }
0x34: {  	[smem:$0x3FB3] =	sst s10  }
0x35: {  	s10 =	sld [smem:$0x3FB2];
	_ =	sdelay $0x3  }
0x36: {  	p1 =	seq.s32 s10, $0x1;
	s10 =	sld [smem:$0x3FB3];
	_ =	sdelay $0x3  }
0x37: {  	[smem:$0x3FB3] =	sst s10  }
0x38: {  	s10 =	sld [smem:$0x3FB4]  }
0x39: {  	_ = 	snop;
	(pc) =	sbr.ind lr, $3  }
0x3a: {  	_ = 	snop  }
0x3b: {  	_ = 	snop  }
0x3c: {  	p2 =	seq.s32 s10, $0x1;
	s10 =	sld [smem:$0x3FB3]  }
0x3d: {  	_ =	shalt  }
0x3e: {  	_ =	shalt  }
0x3f: {  	_ =	shalt  }
0x40: {  	_ =	shalt  }
0x41: {  	_ =	shalt  }
0x42: {  	_ =	shalt  }
0x43: {  	_ =	shalt  }
0x44: {  	_ =	shalt  }
0x45: {  	_ =	shalt  }
0x46: {  	_ =	shalt  }
0x47: {  	_ =	shalt  }
0x48: {  	_ =	shalt  }
0x49: {  	_ =	shalt  }
0x4a: {  	_ =	shalt  }
0x4b: {  	_ =	shalt  }
0x4c: {  	_ =	shalt  }
0x4d: {  	_ =	shalt  }
0x4e: {  	_ =	shalt  }
0x4f: {  	_ =	shalt  }
0x50: {  	_ =	shalt  }
0x51: {  	_ =	shalt  }
0x52: {  	_ =	shalt  }
0x53: {  	_ =	shalt  }
0x54: {  	_ =	shalt  }
0x55: {  	_ =	shalt  }
0x56: {  	_ =	shalt  }
0x57: {  	_ =	shalt  }
0x58: {  	_ =	shalt  }
0x59: {  	_ =	shalt  }
0x5a: {  	_ =	shalt  }
0x5b: {  	_ =	shalt  }
0x5c: {  	_ =	shalt  }
0x5d: {  	_ =	shalt  }
0x5e: {  	_ =	shalt  }
0x5f: {  	_ =	shalt  }
0x60: {  	_ =	shalt  }
0x61: {  	_ =	shalt  }
0x62: {  	_ =	shalt  }
0x63: {  	_ =	shalt  }
0x64: {  	_ =	shalt  }
0x65: {  	_ =	shalt  }
0x66: {  	_ =	shalt  }
0x67: {  	_ =	shalt  }
0x68: {  	_ =	shalt  }
0x69: {  	_ =	shalt  }
0x6a: {  	_ =	shalt  }
0x6b: {  	_ =	shalt  }
0x6c: {  	_ =	shalt  }
0x6d: {  	_ =	shalt  }
0x6e: {  	_ =	shalt  }
0x6f: {  	_ =	shalt  }
0x70: {  	_ =	shalt  }
0x71: {  	_ =	shalt  }
0x72: {  	_ =	shalt  }
0x73: {  	_ =	shalt  }
0x74: {  	_ =	shalt  }
0x75: {  	_ =	shalt  }
0x76: {  	_ =	shalt  }
0x77: {  	_ =	shalt  }
0x78: {  	_ =	shalt  }
0x79: {  	_ =	shalt  }
0x7a: {  	_ =	shalt  }
0x7b: {  	_ =	shalt  }
0x7c: {  	_ =	shalt  }
0x7d: {  	_ =	shalt  }
0x7e: {  	_ =	shalt  }
0x7f: {  	_ =	shalt  }
0x80: {  	_ =	shalt  }
0x81: {  	_ =	shalt  }
0x82: {  	_ =	shalt  }
0x83: {  	_ =	shalt  }
0x84: {  	_ =	shalt  }
0x85: {  	_ =	shalt  }
0x86: {  	_ =	shalt  }
0x87: {  	_ =	shalt  }
.Lfunc_end0:
.L_simem_size_0:
called_computation_lowered:
.L_overlay_start_0:
0x88: {  	s2 =	sld [smem:$0x3FD9]  }
0x89: {  	s3 =	sld [smem:$0x3FFE];
	_ =	sdelay $0x1  }
0x8a: {  	s1 =	srdreg.scid  }
0x8b: {  	s0 =	sand.u32 $0x1, s1  }
0x8c: {  	s17 =	sshll.u32 s0, $0xA;
	s2 =	sadd.s32 s3, s2  }
0x8d: {  	s2 =	sadd.s32 s2, s17  }
0x8e: {  	[smem:$0x3FBF] =	sst s2  }
0x8f: {  	_ = 	snop  }
0x90: {  	s2 =	sld [smem:$0x3FD0];
	(tm) =	ssettm $0x1  }
0x91: {  	s18 =	sld [smem:$0x3FFB];
	_ =	sdelay $0x3  }
0x92: {  	_ =	strace s18  }
0x93: {  	s3 =	sld [smem:$0x3FFC];
	_ =	sdelay $0x3  }
0x94: {  	_ =	strace s3  }
0x95: {  	s3 =	sld [smem:$0x3FFD];
	_ =	sdelay $0x3  }
0x96: {  	_ =	strace s3  }
0x97: {  	_ =	strace $0x8FFFFFFF  }
0x98: {  	s19 =	sld [smem:$0x3FDB];
	_ =	sdelay $0x1  }
0x99: {  	s4 =	simm.s32 $_scs_section_size  }
0x9a: {  	s5 =	simm.s32 $_size__tile_overlayer_lowered;
	s6 =	simm.s32 $_tile_overlayer_lowered  }
0x9b: {  	s22 =	simm.s32 $0x1BFF;
	s21 =	sshll.u32 s6, $0x1;
	s3 =	sadd.s32 s4, s19  }
0x9c: {  	s7 =	simm.s32 $0x0;
	s20 =	sshll.u32 s5, $0x1;
	s5 =	sadd.s32 s21, s3  }
0x9d: {  	[timem:s7], [sflag:s22] =	dma.local [hbm:s5], s20  }
0x9e: {  	_ =	swait.ge [sflag:s22], s20  }
0x9f: {  	s4 =	ssub.s32 $0x0, s20;
	[sflag:s22] =	ssyncset.done $0x0  }
0xa0: {  	[sflag:s22] =	ssyncadd.s32 s4;
	_ =	sdelay $0x1  }
0xa1: {  	s23 =	simm.s32 $0x1B8B  }
0xa2: {  	_ =	swait.ge [sflag:s23], $0x1  }
0xa3: {  	[sflag:s23] =	ssyncset.done $0x0  }
0xa4: {  	s25 =	simm.s32 $0x1B8E;
	s24 =	sld [smem:$0x3FFE];
	[sflag:s23] =	ssyncadd.s32 $0xFFFFFFFF  }
0xa5: {  	s26 =	simm.s32 $execute0_lowered;
	[smem:$0x3FD2] =	sst s25  }
0xa6: {  	s5 =	sshll.u32 s26, $0x1;
	_ =	strace $0x80000046;
	[dreg:$0x1] =	wrdreg $0xFFFFFFFF  }
0xa7: {  	s28 =	simm.s32 $_size_execute0_lowered;
	s3 =	sadd.s32 s3, s5;
	[dreg:$0x0] =	wrdreg $0x0  }
0xa8: {  	s5 =	sshll.u32 s28, $0x1;
	[dreg:$0x2] =	wrdreg s3  }
0xa9: {  	[dreg:$0x3] =	wrdreg s5  }
0xaa: {  	[dreg:$0x4] =	wrdreg $0xC0  }
0xab: {  	_ =	task [dreg:s7], $0x5FFFF  }
0xac: {  	[dreg:$0x1] =	wrdreg $0xFFFFFFFF  }
0xad: {  	[dreg:$0x0] =	wrdreg $0x60  }
0xae: {  	[dreg:$0x2] =	wrdreg s24  }
0xaf: {  	[dreg:$0x3] =	wrdreg s2  }
0xb0: {  	[dreg:$0x4] =	wrdreg $0x30000  }
0xb1: {  	[dreg:$0x5] =	wrdreg $0x9  }
0xb2: {  	_ =	task.clear_ibuf [dreg:s7], $0x6FFFF;
	_ =	strace $0x90000046  }
0xb3: {  	s29 =	simm.s32 $0x9;
	_ =	strace $0x80000048  }
0xb4: {  	_ =	swait.ge [sflag:s29], $0x1  }
0xb5: {  	[sflag:s29] =	ssyncadd.s32 $0xFFFFFFFF  }
0xb6: {  	_ =	strace $0x90000048  }
0xb7: {  	_ =	sfence  }
0xb8: {  	s30 =	sld [smem:$0x0];
	_ =	sdelay $0x2  }
0xb9: {  	s31 =	sshll.u32 s1, $0xD;
	s1 =	sshrl.u32 s1, $0x2  }
0xba: {  	s3 =	sand.u32 $0x4000, s31;
	s1 =	sadd.s32 s1, s30  }
0xbb: {  	s0 =	sor.u32 s3, s0;
	s1 =	sshll.u32 s1, $0x11  }
0xbc: {  	s0 =	sor.u32 s1, s0  }
0xbd: {  	s0 =	sadd.s32 $0x8F2B, s0  }
0xbe: {  	[sflag:s0] =	ssyncadd.remote.s32 $0x1  }
0xbf: {  	_ =	sfence.sel $0xFFFF  }
0xc0: {  	[dreg:$0x0] =	wrdreg $0xFFFFFFFF;
	(pc) =	sbr.abs _section_cstart, $3  }
0xc1: {  	[dreg:$0x1] =	wrdreg $0xFFFFFFFF  }
0xc2: {  	_ =	task.clear_ibuf [dreg:s7], $0x2FFFF;
	_ =	strace $0x9FFFFFFF  }
0xc3: {  	(tm) =	ssettm $0x7FFFFFFF  }
tec
execute0_lowered:
.L_overlay_start_1:
0x0: {  	(tag) =	ssettag $0x1  }
0x1: {  	s0 =	rddreg [dreg:$0x0];
	s1 =	srdreg.scid  }
0x2: {  	s10 =	stileid.u32;
	s3 =	rddreg [dreg:$0x2]  }
0x3: {  	s4 =	simm.s32 $0x0;
	s16 =	simm.s32 $0x100;
	s17 =	simm.s32 $0x180  }
0x4: {  	s18 =	simm.s32 $0x200;
	s19 =	simm.s32 $0x280;
	s20 =	simm.s32 $0x300  }
0x5: {  	s21 =	simm.s32 $0x380;
	s22 =	simm.s32 $0x480;
	s23 =	simm.s32 $0x880  }
0x6: {  	s24 =	simm.s32 $0x500;
	s25 =	simm.s32 $0x900;
	s26 =	simm.s32 $0x580  }
0x7: {  	s28 =	simm.s32 $0x980;
	[smem:$0x7FF] =	sst s4;
	s11 =	sadd.s32 $0x1A2C00, s0  }
0x8: {  	s29 =	simm.s32 $0x600;
	_ =	strace $0x80000047;
	[dreg:$0x12] =	wrdreg s11  }
0x9: {  	s30 =	simm.s32 $0xA00;
	s5 =	smul.u32 $0x18800, s10;
	[dreg:$0x7] =	wrdreg s16  }
0xa: {  	s31 =	simm.s32 $0x680;
	s6 =	smul.u32 $0xC800, s10;
	[dreg:$0x8] =	wrdreg s17  }
0xb: {  	s1 =	sand.u32 $0x1, s1;
	s9 =	smul.u32 $0x32000, s10;
	[dreg:$0x9] =	wrdreg s18  }
0xc: {  	s10 =	sshll.u32 s10, $0x6;
	s2 =	smul.u32 $0x188000, s1;
	[dreg:$0xa] =	wrdreg s19  }
0xd: {  	s7 =	smul.u32 $0xC8000, s1;
	s1 =	ssub.s32 $0x2, s1;
	[dreg:$0xb] =	wrdreg s20  }
0xe: {  	s10 =	sor.u32 $0x1C02, s10;
	s16 =	simm.s32 $0x800;
	[dreg:$0xc] =	wrdreg s21  }
0xf: {  	s17 =	simm.s32 $0x80;
	s18 =	simm.s32 $0xC00;
	[dreg:$0xd] =	wrdreg s22  }
0x10: {  	s19 =	simm.s32 $0x1000;
	s20 =	simm.s32 $0x1400;
	[dreg:$0xe] =	wrdreg s23  }
0x11: {  	s21 =	simm.s32 $0x1800;
	[dreg:$0xf] =	wrdreg s24;
	s22 =	simm.s32 $0x1C00  }
0x12: {  	[dreg:$0x10] =	wrdreg s25;
	s23 =	simm.s32 $0x2000;
	s24 =	simm.s32 $0x2400  }
0x13: {  	[dreg:$0x11] =	wrdreg s26;
	s25 =	simm.s32 $0x2800;
	s26 =	simm.s32 $0x1  }
0x14: {  	s8 =	sshrl.u32 s1, $0x1;
	s11 =	sshrl.u32 s9, $0x2;
	[dreg:$0x13] =	wrdreg s10  }
0x15: {  	s2 =	sadd.s32 s5, s2;
	s5 =	sadd.s32 $0x189C00, s0;
	s7 =	sadd.s32 s6, s7  }
0x16: {  	s1 =	ssub.s32 s1, s8;
	s6 =	sadd.s32 s6, s3;
	s8 =	sadd.s32 s11, s3  }
0x17: {  	s2 =	sshrl.u32 s2, $0x3;
	s7 =	sshrl.u32 s7, $0x3;
	s15 =	smax.u32 s1, $0x1  }
0x18: {  	s11 =	sshrl.u32 s6, $0x3;
	s2 =	sadd.s32 s2, s0;
	[dreg:$0x16] =	wrdreg s15  }
0x19: {  	s0 =	sadd.s32 s7, s0;
	[dreg:$0x17] =	wrdreg s11;
	s12 =	sadd.s32 $0xC5C00, s2  }
0x1a: {  	s9 =	simm.s32 $0x0;
	s14 =	sadd.s32 $0x1D4E00, s0;
	[dreg:$0x4] =	wrdreg s12  }
0x1b: {  	s8 =	sadd.s32 $0xC8000, s8;
	s13 =	sadd.s32 $0x1C00, s2;
	[dreg:$0x14] =	wrdreg s14  }
0x1c: {  	s1 =	simm.s32 $0xA80;
	s0 =	sadd.s32 $0x1A2E00, s0;
	[dreg:$0x5] =	wrdreg s13  }
0x1d: {  	s6 =	simm.s32 $0x780;
	s2 =	sadd.s32 $0x63C00, s2;
	[dreg:$0x15] =	wrdreg s0  }
0x1e: {  	s15 =	simm.s32 $0x400;
	[dreg:$0x6] =	wrdreg s2;
	s12 =	simm.s32 $0x2  }
0x1f: {  	s13 =	sshrl.u32 s8, $0x3;
	s14 =	simm.s32 $0x2C00;
	s0 =	simm.s32 $0x700  }
0x20: {  	s2 =	simm.s32 $0xB00;
	s8 =	simm.s32 $0xB80;
	[dreg:$0x18] =	wrdreg s13  }
.LBB2_1:
0x21: {  	s7 =	rddreg [dreg:$0x1]  }
0x22: {  	[spmem:s11], [sflag:s10] =	dma.local [hbm:s7], $0x1900  }
0x23: {  	_ =	swait.ge [sflag:s12], $0x1900  }
0x24: {  	[sflag:s12] =	ssyncset.done $0x0  }
0x25: {  	[sflag:s12] =	ssyncadd.s32 $0xFFFFE700  }
0x26: {  	[spmem:s13], [sflag:s10] =	dma.local [hbm:s7], $0x1900  }
0x27: {  	_ =	swait.ge [sflag:s12], $0x1900  }
0x28: {  	[sflag:s12] =	ssyncset.done $0x0  }
0x29: {  	s11 =	rddreg [dreg:$0x12];
	[sflag:s12] =	ssyncadd.s32 $0xFFFFE700  }
0x2a: {  	[tilespmem:s14], [sflag:$0x2] =	stream.linear.gather [hbm4b:s11+s4], $0x400, $0x38;
	[tilespmem:$0xF800] =	vst v63  }
0x2b: {  	_ =	swait.ge [sflag:s12], $0x400  }
0x2c: {  	[sflag:s12] =	ssyncset.done $0x0  }
0x2d: {  	[sflag:s12] =	ssyncadd.s32 $0xFFFFFC00  }
0x2e: {  	[bflag:$0x0] =	sbarrier.arrive $0xFFFF  }
0x2f: {  	s13 =	rddreg [dreg:$0x6]  }
0x30: {  	s10 =	sadd.s32 $0x0, s13  }
0x31: {  	[tilespmem:s4], [sflag:$0x2] =	stream.linear.gather [hbm4b:s10+s4], $0x400, $0x38;
	[tilespmem:$0xF800] =	vst v63  }
0x32: {  	_ =	swait.ge [sflag:s12], $0x400  }
0x33: {  	s7 =	rddreg [dreg:$0x5];
	[sflag:s12] =	ssyncset.done $0x0  }
0x34: {  	[sflag:s12] =	ssyncadd.s32 $0xFFFFFC00;
	s10 =	sadd.s32 $0x0, s7  }
0x35: {  	[tilespmem:s15], [sflag:$0x2] =	stream.linear.gather [hbm4b:s10+s4], $0x400, $0x38;
	[tilespmem:$0xF800] =	vst v63  }
0x36: {  	_ =	swait.ge [sflag:s12], $0x400  }
0x37: {  	s11 =	rddreg [dreg:$0x4];
	[sflag:s12] =	ssyncset.done $0x0  }
0x38: {  	[sflag:s12] =	ssyncadd.s32 $0xFFFFFC00;
	s10 =	sadd.s32 $0x0, s11  }
0x39: {  	[tilespmem:s16], [sflag:$0x2] =	stream.linear.gather [hbm4b:s10+s4], $0x400, $0x38;
	[tilespmem:$0xF800] =	vst v63  }
0x3a: {  	_ =	swait.ge [sflag:s12], $0x400  }
0x3b: {  	[sflag:s12] =	ssyncset.done $0x0  }
0x3c: {  	[sflag:s12] =	ssyncadd.s32 $0xFFFFFC00  }
0x3d: {  	[tilespmem:s18], [sflag:$0x1] =	stream.indirect.gather [hbm4b:s5+s17], $0x4, s4, s17, $0xb8;
	[tilespmem:$0xF800] =	vst v63  }
0x3e: {  	_ = 	snop  }
0x3f: {  	[tilespmem:s19], [sflag:$0x1] =	stream.indirect.gather [hbm4b:s5+s17], $0x4, s17, s17, $0xb8;
	[tilespmem:$0xF800] =	vst v63  }
0x40: {  	s13 =	rddreg [dreg:$0x7]  }
0x41: {  	[tilespmem:s20], [sflag:$0x1] =	stream.indirect.gather [hbm4b:s5+s17], $0x4, s13, s17, $0xb8;
	[tilespmem:$0xF800] =	vst v63  }
0x42: {  	s7 =	rddreg [dreg:$0x8]  }
0x43: {  	[tilespmem:s21], [sflag:$0x1] =	stream.indirect.gather [hbm4b:s5+s17], $0x4, s7, s17, $0xb8;
	[tilespmem:$0xF800] =	vst v63  }
0x44: {  	s13 =	rddreg [dreg:$0x9]  }
0x45: {  	[tilespmem:s22], [sflag:$0x1] =	stream.indirect.gather [hbm4b:s5+s17], $0x4, s13, s17, $0xb8;
	[tilespmem:$0xF800] =	vst v63  }
0x46: {  	s7 =	rddreg [dreg:$0xa]  }
0x47: {  	[tilespmem:s23], [sflag:$0x1] =	stream.indirect.gather [hbm4b:s5+s17], $0x4, s7, s17, $0xb8;
	[tilespmem:$0xF800] =	vst v63  }
0x48: {  	s13 =	rddreg [dreg:$0xb]  }
0x49: {  	[tilespmem:s24], [sflag:$0x1] =	stream.indirect.gather [hbm4b:s5+s17], $0x4, s13, s17, $0xb8;
	[tilespmem:$0xF800] =	vst v63  }
0x4a: {  	s7 =	rddreg [dreg:$0xc]  }
0x4b: {  	[tilespmem:s25], [sflag:$0x1] =	stream.indirect.gather [hbm4b:s5+s17], $0x4, s7, s17, $0xb8;
	[tilespmem:$0xF800] =	vst v63  }
0x4c: {  	_ =	swait.ge [sflag:s26], $0x200  }
0x4d: {  	[sflag:s26] =	ssyncset.done $0x0  }
0x4e: {  	[sflag:s26] =	ssyncadd.s32 $0xFFFFFE00  }
0x4f: {  	[spmem:s3] =	stream.indirect.scatter.add.f32 [tilespmem:s18], [sflag:$0x2], $0x4, s15, s17, $0xb8;
	[tilespmem:$0xF800] =	vst v63  }
0x50: {  	_ =	swait.ge [sflag:s12], $0x200  }
0x51: {  	[sflag:s12] =	ssyncset.done $0x0  }
0x52: {  	[sflag:s12] =	ssyncadd.s32 $0xFFFFFE00  }
0x53: {  	[spmem:s3] =	stream.indirect.scatter.add.f32 [tilespmem:s14], [sflag:$0x2], $0x4, s16, s17, $0xb8;
	[tilespmem:$0xF800] =	vst v63  }
0x54: {  	_ =	swait.ge [sflag:s12], $0x200  }
0x55: {  	[sflag:s12] =	ssyncset.done $0x0  }
0x56: {  	[sflag:s12] =	ssyncadd.s32 $0xFFFFFE00  }
0x57: {  	_ =	swait.ge [sflag:s26], $0x200  }
0x58: {  	[sflag:s26] =	ssyncset.done $0x0  }
0x59: {  	s11 =	rddreg [dreg:$0xd];
	[sflag:s26] =	ssyncadd.s32 $0xFFFFFE00  }
0x5a: {  	[spmem:s3] =	stream.indirect.scatter.add.f32 [tilespmem:s19], [sflag:$0x2], $0x4, s11, s17, $0xb8;
	[tilespmem:$0xF800] =	vst v63  }
0x5b: {  	_ =	swait.ge [sflag:s12], $0x200  }
0x5c: {  	[sflag:s12] =	ssyncset.done $0x0  }
0x5d: {  	s13 =	rddreg [dreg:$0xe];
	[sflag:s12] =	ssyncadd.s32 $0xFFFFFE00  }
0x5e: {  	[spmem:s3] =	stream.indirect.scatter.add.f32 [tilespmem:s14], [sflag:$0x2], $0x4, s13, s17, $0xb8;
	[tilespmem:$0xF800] =	vst v63  }
0x5f: {  	_ =	swait.ge [sflag:s12], $0x200  }
0x60: {  	[sflag:s12] =	ssyncset.done $0x0  }
0x61: {  	[sflag:s12] =	ssyncadd.s32 $0xFFFFFE00  }
0x62: {  	_ =	swait.ge [sflag:s26], $0x200  }
0x63: {  	[sflag:s26] =	ssyncset.done $0x0  }
0x64: {  	s7 =	rddreg [dreg:$0xf];
	[sflag:s26] =	ssyncadd.s32 $0xFFFFFE00  }
0x65: {  	[spmem:s3] =	stream.indirect.scatter.add.f32 [tilespmem:s20], [sflag:$0x2], $0x4, s7, s17, $0xb8;
	[tilespmem:$0xF800] =	vst v63  }
0x66: {  	_ =	swait.ge [sflag:s12], $0x200  }
0x67: {  	[sflag:s12] =	ssyncset.done $0x0  }
0x68: {  	s11 =	rddreg [dreg:$0x10];
	[sflag:s12] =	ssyncadd.s32 $0xFFFFFE00  }
0x69: {  	[spmem:s3] =	stream.indirect.scatter.add.f32 [tilespmem:s14], [sflag:$0x2], $0x4, s11, s17, $0xb8;
	[tilespmem:$0xF800] =	vst v63  }
0x6a: {  	_ =	swait.ge [sflag:s12], $0x200  }
0x6b: {  	[sflag:s12] =	ssyncset.done $0x0  }
0x6c: {  	[sflag:s12] =	ssyncadd.s32 $0xFFFFFE00  }
0x6d: {  	_ =	swait.ge [sflag:s26], $0x200  }
0x6e: {  	[sflag:s26] =	ssyncset.done $0x0  }
0x6f: {  	s13 =	rddreg [dreg:$0x11];
	[sflag:s26] =	ssyncadd.s32 $0xFFFFFE00  }
0x70: {  	[spmem:s3] =	stream.indirect.scatter.add.f32 [tilespmem:s21], [sflag:$0x2], $0x4, s13, s17, $0xb8;
	[tilespmem:$0xF800] =	vst v63  }
0x71: {  	_ =	swait.ge [sflag:s12], $0x200  }
0x72: {  	[sflag:s12] =	ssyncset.done $0x0  }
0x73: {  	[sflag:s12] =	ssyncadd.s32 $0xFFFFFE00  }
0x74: {  	[spmem:s3] =	stream.indirect.scatter.add.f32 [tilespmem:s14], [sflag:$0x2], $0x4, s28, s17, $0xb8;
	[tilespmem:$0xF800] =	vst v63  }
0x75: {  	_ =	swait.ge [sflag:s12], $0x200  }
0x76: {  	[sflag:s12] =	ssyncset.done $0x0  }
0x77: {  	[sflag:s12] =	ssyncadd.s32 $0xFFFFFE00  }
0x78: {  	_ =	swait.ge [sflag:s26], $0x200  }
0x79: {  	[sflag:s26] =	ssyncset.done $0x0  }
0x7a: {  	[sflag:s26] =	ssyncadd.s32 $0xFFFFFE00  }
0x7b: {  	[spmem:s3] =	stream.indirect.scatter.add.f32 [tilespmem:s22], [sflag:$0x2], $0x4, s29, s17, $0xb8;
	[tilespmem:$0xF800] =	vst v63  }
0x7c: {  	_ =	swait.ge [sflag:s12], $0x200  }
0x7d: {  	[sflag:s12] =	ssyncset.done $0x0  }
0x7e: {  	[sflag:s12] =	ssyncadd.s32 $0xFFFFFE00  }
0x7f: {  	[spmem:s3] =	stream.indirect.scatter.add.f32 [tilespmem:s14], [sflag:$0x2], $0x4, s30, s17, $0xb8;
	[tilespmem:$0xF800] =	vst v63  }
0x80: {  	_ =	swait.ge [sflag:s12], $0x200  }
0x81: {  	[sflag:s12] =	ssyncset.done $0x0  }
0x82: {  	[sflag:s12] =	ssyncadd.s32 $0xFFFFFE00  }
0x83: {  	_ =	swait.ge [sflag:s26], $0x200  }
0x84: {  	[sflag:s26] =	ssyncset.done $0x0  }
0x85: {  	[sflag:s26] =	ssyncadd.s32 $0xFFFFFE00  }
0x86: {  	[spmem:s3] =	stream.indirect.scatter.add.f32 [tilespmem:s23], [sflag:$0x2], $0x4, s31, s17, $0xb8;
	[tilespmem:$0xF800] =	vst v63  }
0x87: {  	_ =	swait.ge [sflag:s12], $0x200  }
0x88: {  	[sflag:s12] =	ssyncset.done $0x0  }
0x89: {  	[sflag:s12] =	ssyncadd.s32 $0xFFFFFE00  }
0x8a: {  	[spmem:s3] =	stream.indirect.scatter.add.f32 [tilespmem:s14], [sflag:$0x2], $0x4, s1, s17, $0xb8;
	[tilespmem:$0xF800] =	vst v63  }
0x8b: {  	_ =	swait.ge [sflag:s12], $0x200  }
0x8c: {  	[sflag:s12] =	ssyncset.done $0x0  }
0x8d: {  	[sflag:s12] =	ssyncadd.s32 $0xFFFFFE00  }
0x8e: {  	_ =	swait.ge [sflag:s26], $0x200  }
0x8f: {  	[sflag:s26] =	ssyncset.done $0x0  }
0x90: {  	[sflag:s26] =	ssyncadd.s32 $0xFFFFFE00  }
0x91: {  	[spmem:s3] =	stream.indirect.scatter.add.f32 [tilespmem:s24], [sflag:$0x2], $0x4, s0, s17, $0xb8;
	[tilespmem:$0xF800] =	vst v63  }
0x92: {  	_ =	swait.ge [sflag:s12], $0x200  }
0x93: {  	[sflag:s12] =	ssyncset.done $0x0  }
0x94: {  	[sflag:s12] =	ssyncadd.s32 $0xFFFFFE00  }
0x95: {  	[spmem:s3] =	stream.indirect.scatter.add.f32 [tilespmem:s14], [sflag:$0x2], $0x4, s2, s17, $0xb8;
	[tilespmem:$0xF800] =	vst v63  }
0x96: {  	_ =	swait.ge [sflag:s12], $0x200  }
0x97: {  	[sflag:s12] =	ssyncset.done $0x0  }
0x98: {  	[sflag:s12] =	ssyncadd.s32 $0xFFFFFE00  }
0x99: {  	_ =	swait.ge [sflag:s26], $0x200  }
0x9a: {  	[sflag:s26] =	ssyncset.done $0x0  }
0x9b: {  	[sflag:s26] =	ssyncadd.s32 $0xFFFFFE00  }
0x9c: {  	[spmem:s3] =	stream.indirect.scatter.add.f32 [tilespmem:s25], [sflag:$0x2], $0x4, s6, s17, $0xb8;
	[tilespmem:$0xF800] =	vst v63  }
0x9d: {  	_ =	swait.ge [sflag:s12], $0x200  }
0x9e: {  	[sflag:s12] =	ssyncset.done $0x0  }
0x9f: {  	[sflag:s12] =	ssyncadd.s32 $0xFFFFFE00  }
0xa0: {  	[spmem:s3] =	stream.indirect.scatter.add.f32 [tilespmem:s14], [sflag:$0x2], $0x4, s8, s17, $0xb8;
	[tilespmem:$0xF800] =	vst v63  }
0xa1: {  	s10 =	simm.s32 $0x80;
	_ =	swait.ge [sflag:s12], $0x200  }
0xa2: {  	s11 =	simm.s32 $0x100;
	s13 =	rddreg [dreg:$0x6];
	[sflag:s12] =	ssyncset.done $0x0  }
.LBB2_2:
0xa3: {  	[sflag:s12] =	ssyncadd.s32 $0xFFFFFE00;
	s13 =	sadd.s32 s10, s13  }
0xa4: {  	[tilespmem:s4], [sflag:$0x2] =	stream.linear.gather [hbm4b:s13+s4], $0x400, $0x38;
	[tilespmem:$0xF800] =	vst v63  }
0xa5: {  	_ =	swait.ge [sflag:s12], $0x400  }
0xa6: {  	s13 =	rddreg [dreg:$0x5];
	[sflag:s12] =	ssyncset.done $0x0  }
0xa7: {  	[sflag:s12] =	ssyncadd.s32 $0xFFFFFC00;
	s13 =	sadd.s32 s10, s13  }
0xa8: {  	[tilespmem:s15], [sflag:$0x2] =	stream.linear.gather [hbm4b:s13+s4], $0x400, $0x38;
	[tilespmem:$0xF800] =	vst v63  }
0xa9: {  	_ =	swait.ge [sflag:s12], $0x400  }
0xaa: {  	s13 =	rddreg [dreg:$0x4];
	[sflag:s12] =	ssyncset.done $0x0  }
0xab: {  	[sflag:s12] =	ssyncadd.s32 $0xFFFFFC00;
	s13 =	sadd.s32 s10, s13  }
0xac: {  	[tilespmem:s16], [sflag:$0x2] =	stream.linear.gather [hbm4b:s13+s4], $0x400, $0x38;
	[tilespmem:$0xF800] =	vst v63  }
0xad: {  	_ =	swait.ge [sflag:s12], $0x400  }
0xae: {  	[sflag:s12] =	ssyncset.done $0x0  }
0xaf: {  	[sflag:s12] =	ssyncadd.s32 $0xFFFFFC00  }
0xb0: {  	[tilespmem:s18], [sflag:$0x1] =	stream.indirect.gather [hbm4b:s5+s17], $0x4, s4, s17, $0xb8;
	[tilespmem:$0xF800] =	vst v63  }
0xb1: {  	s7 =	smov.u32 s11  }
0xb2: {  	[tilespmem:s19], [sflag:$0x1] =	stream.indirect.gather [hbm4b:s5+s17], $0x4, s17, s17, $0xb8;
	[tilespmem:$0xF800] =	vst v63  }
0xb3: {  	s10 =	smov.u32 s7;
	s7 =	rddreg [dreg:$0x7]  }
0xb4: {  	[tilespmem:s20], [sflag:$0x1] =	stream.indirect.gather [hbm4b:s5+s17], $0x4, s7, s17, $0xb8;
	[tilespmem:$0xF800] =	vst v63  }
0xb5: {  	s13 =	rddreg [dreg:$0x8]  }
0xb6: {  	[tilespmem:s21], [sflag:$0x1] =	stream.indirect.gather [hbm4b:s5+s17], $0x4, s13, s17, $0xb8;
	[tilespmem:$0xF800] =	vst v63  }
0xb7: {  	s7 =	rddreg [dreg:$0x9]  }
0xb8: {  	[tilespmem:s22], [sflag:$0x1] =	stream.indirect.gather [hbm4b:s5+s17], $0x4, s7, s17, $0xb8;
	[tilespmem:$0xF800] =	vst v63  }
0xb9: {  	s13 =	rddreg [dreg:$0xa]  }
0xba: {  	[tilespmem:s23], [sflag:$0x1] =	stream.indirect.gather [hbm4b:s5+s17], $0x4, s13, s17, $0xb8;
	[tilespmem:$0xF800] =	vst v63  }
0xbb: {  	s7 =	rddreg [dreg:$0xb]  }
0xbc: {  	[tilespmem:s24], [sflag:$0x1] =	stream.indirect.gather [hbm4b:s5+s17], $0x4, s7, s17, $0xb8;
	[tilespmem:$0xF800] =	vst v63  }
0xbd: {  	s13 =	rddreg [dreg:$0xc]  }
0xbe: {  	[tilespmem:s25], [sflag:$0x1] =	stream.indirect.gather [hbm4b:s5+s17], $0x4, s13, s17, $0xb8;
	[tilespmem:$0xF800] =	vst v63  }
0xbf: {  	_ =	swait.ge [sflag:s26], $0x200  }
0xc0: {  	[sflag:s26] =	ssyncset.done $0x0  }
0xc1: {  	[sflag:s26] =	ssyncadd.s32 $0xFFFFFE00  }
0xc2: {  	[spmem:s3] =	stream.indirect.scatter.add.f32 [tilespmem:s18], [sflag:$0x2], $0x4, s15, s17, $0xb8;
	[tilespmem:$0xF800] =	vst v63  }
0xc3: {  	_ =	swait.ge [sflag:s12], $0x200  }
0xc4: {  	[sflag:s12] =	ssyncset.done $0x0  }
0xc5: {  	[sflag:s12] =	ssyncadd.s32 $0xFFFFFE00  }
0xc6: {  	[spmem:s3] =	stream.indirect.scatter.add.f32 [tilespmem:s14], [sflag:$0x2], $0x4, s16, s17, $0xb8;
	[tilespmem:$0xF800] =	vst v63  }
0xc7: {  	_ =	swait.ge [sflag:s12], $0x200  }
0xc8: {  	[sflag:s12] =	ssyncset.done $0x0  }
0xc9: {  	[sflag:s12] =	ssyncadd.s32 $0xFFFFFE00  }
0xca: {  	_ =	swait.ge [sflag:s26], $0x200  }
0xcb: {  	[sflag:s26] =	ssyncset.done $0x0  }
0xcc: {  	s13 =	rddreg [dreg:$0xd];
	[sflag:s26] =	ssyncadd.s32 $0xFFFFFE00  }
0xcd: {  	[spmem:s3] =	stream.indirect.scatter.add.f32 [tilespmem:s19], [sflag:$0x2], $0x4, s13, s17, $0xb8;
	[tilespmem:$0xF800] =	vst v63  }
0xce: {  	_ =	swait.ge [sflag:s12], $0x200  }
0xcf: {  	[sflag:s12] =	ssyncset.done $0x0  }
0xd0: {  	s13 =	rddreg [dreg:$0xe];
	[sflag:s12] =	ssyncadd.s32 $0xFFFFFE00  }
0xd1: {  	[spmem:s3] =	stream.indirect.scatter.add.f32 [tilespmem:s14], [sflag:$0x2], $0x4, s13, s17, $0xb8;
	[tilespmem:$0xF800] =	vst v63  }
0xd2: {  	_ =	swait.ge [sflag:s12], $0x200  }
0xd3: {  	[sflag:s12] =	ssyncset.done $0x0  }
0xd4: {  	[sflag:s12] =	ssyncadd.s32 $0xFFFFFE00  }
0xd5: {  	_ =	swait.ge [sflag:s26], $0x200  }
0xd6: {  	[sflag:s26] =	ssyncset.done $0x0  }
0xd7: {  	s13 =	rddreg [dreg:$0xf];
	[sflag:s26] =	ssyncadd.s32 $0xFFFFFE00  }
0xd8: {  	[spmem:s3] =	stream.indirect.scatter.add.f32 [tilespmem:s20], [sflag:$0x2], $0x4, s13, s17, $0xb8;
	[tilespmem:$0xF800] =	vst v63  }
0xd9: {  	_ =	swait.ge [sflag:s12], $0x200  }
0xda: {  	[sflag:s12] =	ssyncset.done $0x0  }
0xdb: {  	s13 =	rddreg [dreg:$0x10];
	[sflag:s12] =	ssyncadd.s32 $0xFFFFFE00  }
0xdc: {  	[spmem:s3] =	stream.indirect.scatter.add.f32 [tilespmem:s14], [sflag:$0x2], $0x4, s13, s17, $0xb8;
	[tilespmem:$0xF800] =	vst v63  }
0xdd: {  	_ =	swait.ge [sflag:s12], $0x200  }
0xde: {  	[sflag:s12] =	ssyncset.done $0x0  }
0xdf: {  	[sflag:s12] =	ssyncadd.s32 $0xFFFFFE00  }
0xe0: {  	_ =	swait.ge [sflag:s26], $0x200  }
0xe1: {  	[sflag:s26] =	ssyncset.done $0x0  }
0xe2: {  	s13 =	rddreg [dreg:$0x11];
	[sflag:s26] =	ssyncadd.s32 $0xFFFFFE00  }
0xe3: {  	[spmem:s3] =	stream.indirect.scatter.add.f32 [tilespmem:s21], [sflag:$0x2], $0x4, s13, s17, $0xb8;
	[tilespmem:$0xF800] =	vst v63  }
0xe4: {  	_ =	swait.ge [sflag:s12], $0x200  }
0xe5: {  	[sflag:s12] =	ssyncset.done $0x0  }
0xe6: {  	[sflag:s12] =	ssyncadd.s32 $0xFFFFFE00  }
0xe7: {  	[spmem:s3] =	stream.indirect.scatter.add.f32 [tilespmem:s14], [sflag:$0x2], $0x4, s28, s17, $0xb8;
	[tilespmem:$0xF800] =	vst v63  }
0xe8: {  	_ =	swait.ge [sflag:s12], $0x200  }
0xe9: {  	[sflag:s12] =	ssyncset.done $0x0  }
0xea: {  	[sflag:s12] =	ssyncadd.s32 $0xFFFFFE00  }
0xeb: {  	_ =	swait.ge [sflag:s26], $0x200  }
0xec: {  	[sflag:s26] =	ssyncset.done $0x0  }
0xed: {  	[sflag:s26] =	ssyncadd.s32 $0xFFFFFE00  }
0xee: {  	[spmem:s3] =	stream.indirect.scatter.add.f32 [tilespmem:s22], [sflag:$0x2], $0x4, s29, s17, $0xb8;
	[tilespmem:$0xF800] =	vst v63  }
0xef: {  	_ =	swait.ge [sflag:s12], $0x200  }
0xf0: {  	[sflag:s12] =	ssyncset.done $0x0  }
0xf1: {  	[sflag:s12] =	ssyncadd.s32 $0xFFFFFE00  }
0xf2: {  	[spmem:s3] =	stream.indirect.scatter.add.f32 [tilespmem:s14], [sflag:$0x2], $0x4, s30, s17, $0xb8;
	[tilespmem:$0xF800] =	vst v63  }
0xf3: {  	_ =	swait.ge [sflag:s12], $0x200  }
0xf4: {  	[sflag:s12] =	ssyncset.done $0x0  }
0xf5: {  	[sflag:s12] =	ssyncadd.s32 $0xFFFFFE00  }
0xf6: {  	_ =	swait.ge [sflag:s26], $0x200  }
0xf7: {  	[sflag:s26] =	ssyncset.done $0x0  }
0xf8: {  	[sflag:s26] =	ssyncadd.s32 $0xFFFFFE00  }
0xf9: {  	[spmem:s3] =	stream.indirect.scatter.add.f32 [tilespmem:s23], [sflag:$0x2], $0x4, s31, s17, $0xb8;
	[tilespmem:$0xF800] =	vst v63  }
0xfa: {  	_ =	swait.ge [sflag:s12], $0x200  }
0xfb: {  	[sflag:s12] =	ssyncset.done $0x0  }
0xfc: {  	[sflag:s12] =	ssyncadd.s32 $0xFFFFFE00  }
0xfd: {  	[spmem:s3] =	stream.indirect.scatter.add.f32 [tilespmem:s14], [sflag:$0x2], $0x4, s1, s17, $0xb8;
	[tilespmem:$0xF800] =	vst v63  }
0xfe: {  	_ =	swait.ge [sflag:s12], $0x200  }
0xff: {  	[sflag:s12] =	ssyncset.done $0x0  }
0x100: {  	[sflag:s12] =	ssyncadd.s32 $0xFFFFFE00  }
0x101: {  	_ =	swait.ge [sflag:s26], $0x200  }
0x102: {  	[sflag:s26] =	ssyncset.done $0x0  }
0x103: {  	[sflag:s26] =	ssyncadd.s32 $0xFFFFFE00  }
0x104: {  	[spmem:s3] =	stream.indirect.scatter.add.f32 [tilespmem:s24], [sflag:$0x2], $0x4, s0, s17, $0xb8;
	[tilespmem:$0xF800] =	vst v63  }
0x105: {  	_ =	swait.ge [sflag:s12], $0x200  }
0x106: {  	[sflag:s12] =	ssyncset.done $0x0  }
0x107: {  	[sflag:s12] =	ssyncadd.s32 $0xFFFFFE00  }
0x108: {  	[spmem:s3] =	stream.indirect.scatter.add.f32 [tilespmem:s14], [sflag:$0x2], $0x4, s2, s17, $0xb8;
	[tilespmem:$0xF800] =	vst v63  }
0x109: {  	_ =	swait.ge [sflag:s12], $0x200  }
0x10a: {  	[sflag:s12] =	ssyncset.done $0x0  }
0x10b: {  	[sflag:s12] =	ssyncadd.s32 $0xFFFFFE00  }
0x10c: {  	_ =	swait.ge [sflag:s26], $0x200  }
0x10d: {  	[sflag:s26] =	ssyncset.done $0x0  }
0x10e: {  	[sflag:s26] =	ssyncadd.s32 $0xFFFFFE00  }
0x10f: {  	[spmem:s3] =	stream.indirect.scatter.add.f32 [tilespmem:s25], [sflag:$0x2], $0x4, s6, s17, $0xb8;
	[tilespmem:$0xF800] =	vst v63  }
0x110: {  	p0 =	sne.s32 s11, $0x3080;
	_ =	swait.ge [sflag:s12], $0x200  }
.Ltmp0:
0x111: {  	[sflag:s12] =	ssyncset.done $0x0;
	(pc) =	sbr.rel @p0 .LBB2_2-.Ltmp0, $4  }
0x112: {  	[sflag:s12] =	ssyncadd.s32 $0xFFFFFE00  }
0x113: {  	[spmem:s3] =	stream.indirect.scatter.add.f32 [tilespmem:s14], [sflag:$0x2], $0x4, s8, s17, $0xb8;
	[tilespmem:$0xF800] =	vst v63  }
0x114: {  	_ =	swait.ge [sflag:s12], $0x200  }
0x115: {  	s11 =	sadd.s32 $0x80, s11;
	s13 =	rddreg [dreg:$0x6];
	[sflag:s12] =	ssyncset.done $0x0  }
0x116: {  	[sflag:s12] =	ssyncadd.s32 $0xFFFFFE00;
	s7 =	sadd.s32 s10, s13  }
0x117: {  	[tilespmem:s4], [sflag:$0x2] =	stream.linear.gather [hbm4b:s7+s4], $0x400, $0x38;
	[tilespmem:$0xF800] =	vst v63  }
0x118: {  	_ =	swait.ge [sflag:s12], $0x400  }
0x119: {  	s11 =	rddreg [dreg:$0x5];
	[sflag:s12] =	ssyncset.done $0x0  }
0x11a: {  	[sflag:s12] =	ssyncadd.s32 $0xFFFFFC00;
	s7 =	sadd.s32 s10, s11  }
0x11b: {  	[tilespmem:s15], [sflag:$0x2] =	stream.linear.gather [hbm4b:s7+s4], $0x400, $0x38;
	[tilespmem:$0xF800] =	vst v63  }
0x11c: {  	_ =	swait.ge [sflag:s12], $0x400  }
0x11d: {  	s13 =	rddreg [dreg:$0x4];
	[sflag:s12] =	ssyncset.done $0x0  }
0x11e: {  	[sflag:s12] =	ssyncadd.s32 $0xFFFFFC00;
	s7 =	sadd.s32 s10, s13  }
0x11f: {  	[tilespmem:s16], [sflag:$0x2] =	stream.linear.gather [hbm4b:s7+s4], $0x400, $0x38;
	[tilespmem:$0xF800] =	vst v63  }
0x120: {  	_ =	swait.ge [sflag:s12], $0x400  }
0x121: {  	[sflag:s12] =	ssyncset.done $0x0  }
0x122: {  	[sflag:s12] =	ssyncadd.s32 $0xFFFFFC00  }
0x123: {  	[tilespmem:s18], [sflag:$0x1] =	stream.indirect.gather [hbm4b:s5+s17], $0x4, s4, s17, $0xb8;
	[tilespmem:$0xF800] =	vst v63  }
0x124: {  	_ = 	snop  }
0x125: {  	[tilespmem:s19], [sflag:$0x1] =	stream.indirect.gather [hbm4b:s5+s17], $0x4, s17, s17, $0xb8;
	[tilespmem:$0xF800] =	vst v63  }
0x126: {  	s11 =	rddreg [dreg:$0x7]  }
0x127: {  	[tilespmem:s20], [sflag:$0x1] =	stream.indirect.gather [hbm4b:s5+s17], $0x4, s11, s17, $0xb8;
	[tilespmem:$0xF800] =	vst v63  }
0x128: {  	s13 =	rddreg [dreg:$0x8]  }
0x129: {  	[tilespmem:s21], [sflag:$0x1] =	stream.indirect.gather [hbm4b:s5+s17], $0x4, s13, s17, $0xb8;
	[tilespmem:$0xF800] =	vst v63  }
0x12a: {  	s11 =	rddreg [dreg:$0x9]  }
0x12b: {  	[tilespmem:s22], [sflag:$0x1] =	stream.indirect.gather [hbm4b:s5+s17], $0x4, s11, s17, $0xb8;
	[tilespmem:$0xF800] =	vst v63  }
0x12c: {  	s13 =	rddreg [dreg:$0xa]  }
0x12d: {  	[tilespmem:s23], [sflag:$0x1] =	stream.indirect.gather [hbm4b:s5+s17], $0x4, s13, s17, $0xb8;
	[tilespmem:$0xF800] =	vst v63  }
0x12e: {  	s11 =	rddreg [dreg:$0xb]  }
0x12f: {  	[tilespmem:s24], [sflag:$0x1] =	stream.indirect.gather [hbm4b:s5+s17], $0x4, s11, s17, $0xb8;
	[tilespmem:$0xF800] =	vst v63  }
0x130: {  	s13 =	rddreg [dreg:$0xc]  }
0x131: {  	[tilespmem:s25], [sflag:$0x1] =	stream.indirect.gather [hbm4b:s5+s17], $0x4, s13, s17, $0xb8;
	[tilespmem:$0xF800] =	vst v63  }
0x132: {  	_ =	swait.ge [sflag:s26], $0x200  }
0x133: {  	[sflag:s26] =	ssyncset.done $0x0  }
0x134: {  	[sflag:s26] =	ssyncadd.s32 $0xFFFFFE00  }
0x135: {  	[spmem:s3] =	stream.indirect.scatter.add.f32 [tilespmem:s18], [sflag:$0x2], $0x4, s15, s17, $0xb8;
	[tilespmem:$0xF800] =	vst v63  }
0x136: {  	_ =	swait.ge [sflag:s12], $0x200  }
0x137: {  	[sflag:s12] =	ssyncset.done $0x0  }
0x138: {  	[sflag:s12] =	ssyncadd.s32 $0xFFFFFE00  }
0x139: {  	[spmem:s3] =	stream.indirect.scatter.add.f32 [tilespmem:s14], [sflag:$0x2], $0x4, s16, s17, $0xb8;
	[tilespmem:$0xF800] =	vst v63  }
0x13a: {  	_ =	swait.ge [sflag:s12], $0x200  }
0x13b: {  	[sflag:s12] =	ssyncset.done $0x0  }
0x13c: {  	[sflag:s12] =	ssyncadd.s32 $0xFFFFFE00  }
0x13d: {  	_ =	swait.ge [sflag:s26], $0x200  }
0x13e: {  	[sflag:s26] =	ssyncset.done $0x0  }
0x13f: {  	s10 =	rddreg [dreg:$0xd];
	[sflag:s26] =	ssyncadd.s32 $0xFFFFFE00  }
0x140: {  	[spmem:s3] =	stream.indirect.scatter.add.f32 [tilespmem:s19], [sflag:$0x2], $0x4, s10, s17, $0xb8;
	[tilespmem:$0xF800] =	vst v63  }
0x141: {  	_ =	swait.ge [sflag:s12], $0x200  }
0x142: {  	[sflag:s12] =	ssyncset.done $0x0  }
0x143: {  	s11 =	rddreg [dreg:$0xe];
	[sflag:s12] =	ssyncadd.s32 $0xFFFFFE00  }
0x144: {  	[spmem:s3] =	stream.indirect.scatter.add.f32 [tilespmem:s14], [sflag:$0x2], $0x4, s11, s17, $0xb8;
	[tilespmem:$0xF800] =	vst v63  }
0x145: {  	_ =	swait.ge [sflag:s12], $0x200  }
0x146: {  	[sflag:s12] =	ssyncset.done $0x0  }
0x147: {  	[sflag:s12] =	ssyncadd.s32 $0xFFFFFE00  }
0x148: {  	_ =	swait.ge [sflag:s26], $0x200  }
0x149: {  	[sflag:s26] =	ssyncset.done $0x0  }
0x14a: {  	s13 =	rddreg [dreg:$0xf];
	[sflag:s26] =	ssyncadd.s32 $0xFFFFFE00  }
0x14b: {  	[spmem:s3] =	stream.indirect.scatter.add.f32 [tilespmem:s20], [sflag:$0x2], $0x4, s13, s17, $0xb8;
	[tilespmem:$0xF800] =	vst v63  }
0x14c: {  	_ =	swait.ge [sflag:s12], $0x200  }
0x14d: {  	[sflag:s12] =	ssyncset.done $0x0  }
0x14e: {  	s10 =	rddreg [dreg:$0x10];
	[sflag:s12] =	ssyncadd.s32 $0xFFFFFE00  }
0x14f: {  	[spmem:s3] =	stream.indirect.scatter.add.f32 [tilespmem:s14], [sflag:$0x2], $0x4, s10, s17, $0xb8;
	[tilespmem:$0xF800] =	vst v63  }
0x150: {  	_ =	swait.ge [sflag:s12], $0x200  }
0x151: {  	[sflag:s12] =	ssyncset.done $0x0  }
0x152: {  	[sflag:s12] =	ssyncadd.s32 $0xFFFFFE00  }
0x153: {  	_ =	swait.ge [sflag:s26], $0x200  }
0x154: {  	[sflag:s26] =	ssyncset.done $0x0  }
0x155: {  	s11 =	rddreg [dreg:$0x11];
	[sflag:s26] =	ssyncadd.s32 $0xFFFFFE00  }
0x156: {  	[spmem:s3] =	stream.indirect.scatter.add.f32 [tilespmem:s21], [sflag:$0x2], $0x4, s11, s17, $0xb8;
	[tilespmem:$0xF800] =	vst v63  }
0x157: {  	_ =	swait.ge [sflag:s12], $0x200  }
0x158: {  	[sflag:s12] =	ssyncset.done $0x0  }
0x159: {  	[sflag:s12] =	ssyncadd.s32 $0xFFFFFE00  }
0x15a: {  	[spmem:s3] =	stream.indirect.scatter.add.f32 [tilespmem:s14], [sflag:$0x2], $0x4, s28, s17, $0xb8;
	[tilespmem:$0xF800] =	vst v63  }
0x15b: {  	_ =	swait.ge [sflag:s12], $0x200  }
0x15c: {  	[sflag:s12] =	ssyncset.done $0x0  }
0x15d: {  	[sflag:s12] =	ssyncadd.s32 $0xFFFFFE00  }
0x15e: {  	_ =	swait.ge [sflag:s26], $0x200  }
0x15f: {  	[sflag:s26] =	ssyncset.done $0x0  }
0x160: {  	[sflag:s26] =	ssyncadd.s32 $0xFFFFFE00  }
0x161: {  	[spmem:s3] =	stream.indirect.scatter.add.f32 [tilespmem:s22], [sflag:$0x2], $0x4, s29, s17, $0xb8;
	[tilespmem:$0xF800] =	vst v63  }
0x162: {  	_ =	swait.ge [sflag:s12], $0x200  }
0x163: {  	[sflag:s12] =	ssyncset.done $0x0  }
0x164: {  	[sflag:s12] =	ssyncadd.s32 $0xFFFFFE00  }
0x165: {  	[spmem:s3] =	stream.indirect.scatter.add.f32 [tilespmem:s14], [sflag:$0x2], $0x4, s30, s17, $0xb8;
	[tilespmem:$0xF800] =	vst v63  }
0x166: {  	_ =	swait.ge [sflag:s12], $0x200  }
0x167: {  	[sflag:s12] =	ssyncset.done $0x0  }
0x168: {  	[sflag:s12] =	ssyncadd.s32 $0xFFFFFE00  }
0x169: {  	_ =	swait.ge [sflag:s26], $0x200  }
0x16a: {  	[sflag:s26] =	ssyncset.done $0x0  }
0x16b: {  	[sflag:s26] =	ssyncadd.s32 $0xFFFFFE00  }
0x16c: {  	[spmem:s3] =	stream.indirect.scatter.add.f32 [tilespmem:s23], [sflag:$0x2], $0x4, s31, s17, $0xb8;
	[tilespmem:$0xF800] =	vst v63  }
0x16d: {  	_ =	swait.ge [sflag:s12], $0x200  }
0x16e: {  	[sflag:s12] =	ssyncset.done $0x0  }
0x16f: {  	[sflag:s12] =	ssyncadd.s32 $0xFFFFFE00  }
0x170: {  	[spmem:s3] =	stream.indirect.scatter.add.f32 [tilespmem:s14], [sflag:$0x2], $0x4, s1, s17, $0xb8;
	[tilespmem:$0xF800] =	vst v63  }
0x171: {  	_ =	swait.ge [sflag:s12], $0x200  }
0x172: {  	[sflag:s12] =	ssyncset.done $0x0  }
0x173: {  	[sflag:s12] =	ssyncadd.s32 $0xFFFFFE00  }
0x174: {  	_ =	swait.ge [sflag:s26], $0x200  }
0x175: {  	[sflag:s26] =	ssyncset.done $0x0  }
0x176: {  	[sflag:s26] =	ssyncadd.s32 $0xFFFFFE00  }
0x177: {  	[spmem:s3] =	stream.indirect.scatter.add.f32 [tilespmem:s24], [sflag:$0x2], $0x4, s0, s17, $0xb8;
	[tilespmem:$0xF800] =	vst v63  }
0x178: {  	_ =	swait.ge [sflag:s12], $0x200  }
0x179: {  	[sflag:s12] =	ssyncset.done $0x0  }
0x17a: {  	[sflag:s12] =	ssyncadd.s32 $0xFFFFFE00  }
0x17b: {  	[spmem:s3] =	stream.indirect.scatter.add.f32 [tilespmem:s14], [sflag:$0x2], $0x4, s2, s17, $0xb8;
	[tilespmem:$0xF800] =	vst v63  }
0x17c: {  	_ =	swait.ge [sflag:s12], $0x200  }
0x17d: {  	[sflag:s12] =	ssyncset.done $0x0  }
0x17e: {  	[sflag:s12] =	ssyncadd.s32 $0xFFFFFE00  }
0x17f: {  	_ =	swait.ge [sflag:s26], $0x200  }
0x180: {  	[sflag:s26] =	ssyncset.done $0x0  }
0x181: {  	[sflag:s26] =	ssyncadd.s32 $0xFFFFFE00  }
0x182: {  	[spmem:s3] =	stream.indirect.scatter.add.f32 [tilespmem:s25], [sflag:$0x2], $0x4, s6, s17, $0xb8;
	[tilespmem:$0xF800] =	vst v63  }
0x183: {  	_ =	swait.ge [sflag:s12], $0x200  }
0x184: {  	[sflag:s12] =	ssyncset.done $0x0  }
0x185: {  	[sflag:s12] =	ssyncadd.s32 $0xFFFFFE00  }
0x186: {  	[spmem:s3] =	stream.indirect.scatter.add.f32 [tilespmem:s14], [sflag:$0x2], $0x4, s8, s17, $0xb8;
	[tilespmem:$0xF800] =	vst v63  }
0x187: {  	_ =	swait.ge [sflag:s12], $0x200  }
0x188: {  	[sflag:s12] =	ssyncset.done $0x0  }
0x189: {  	[sflag:s12] =	ssyncadd.s32 $0xFFFFFE00  }
0x18a: {  	[bflag:$0x0] =	sbarrier.arrive $0xFFFF  }
0x18b: {  	s10 =	rddreg [dreg:$0x13]  }
0x18c: {  	s13 =	rddreg [dreg:$0x14]  }
0x18d: {  	s11 =	rddreg [dreg:$0x17]  }
0x18e: {  	[hbm:s13], [sflag:s10] =	dma.local [spmem:s11], $0x1900  }
0x18f: {  	_ =	swait.ge [sflag:s12], $0x1900  }
0x190: {  	[sflag:s12] =	ssyncset.done $0x0;
	s7 =	rddreg [dreg:$0x15]  }
0x191: {  	s13 =	rddreg [dreg:$0x18];
	[sflag:s12] =	ssyncadd.s32 $0xFFFFE700  }
0x192: {  	[hbm:s7], [sflag:s10] =	dma.local [spmem:s13], $0x1900  }
0x193: {  	_ =	swait.ge [sflag:s12], $0x1900  }
0x194: {  	s9 =	sadd.s32 $0x1, s9;
	s7 =	rddreg [dreg:$0x16]  }
0x195: {  	p0 =	sne.s32 s9, s7  }
.Ltmp1:
0x196: {  	_ = 	snop;
	(pc) =	sbr.rel @p0 .LBB2_1-.Ltmp1, $3  }
0x197: {  	_ =	sdelay $0x1  }
0x198: {  	[sflag:s12] =	ssyncset.done $0x0  }
0x199: {  	[sflag:s12] =	ssyncadd.s32 $0xFFFFE700  }
0x19a: {  	_ =	sfence.sel $0x180000  }
0x19b: {  	[bflag:$0x0] =	sbarrier.arrive $0xFFFF  }
0x19c: {  	_ =	strace $0x90000047  }
0x19d: {  	s0 =	stileid.u32;
	[bflag:$0x2] =	sbarrier.arrive $0xFFFF  }
0x19e: {  	p0 =	sne.s32 s0, $0x0;
	s0 =	rddreg [dreg:$0x3]  }
0x19f: {  	s0 =	sadd.s32 @!p0 $0x100000, s0  }
0x1a0: {  	[sflag:s0] =	ssyncadd.tile.s32 @!p0 $0x1;
	_ =	shalt  }
.Lfunc_end2:
_tile_overlayer_lowered:
.L_overlay_start_2:
0x1a1: {  	(tag) =	ssettag $0x2  }
0x1a2: {  	s0 =	rddreg [dreg:$0x0];
	s2 =	stileid.u32  }
0x1a3: {  	s1 =	rddreg [dreg:$0x1];
	p0 =	sne.s32 s2, $0x0  }
0x1a4: {  	s3 =	rddreg [dreg:$0x2];
	[bflag:$0x3] =	sbarrier.arrive $0xFFFF;
	s2 =	simm.s32 @!p0 $0x1C02  }
0x1a5: {  	[timem:s3], [sflag:s2] =	dma.local @!p0 [hbm:s0], s1  }
0x1a6: {  	s0 =	simm.s32 @!p0 $0x2  }
0x1a7: {  	_ =	swait.ge @!p0 [sflag:s0], s1  }
0x1a8: {  	s1 =	ssub.s32 @!p0 $0x0, s1;
	[sflag:s0] =	ssyncset.done @!p0 $0x0  }
0x1a9: {  	[sflag:s0] =	ssyncadd.s32 @!p0 s1  }
0x1aa: {  	[bflag:$0x3] =	sbarrier.arrive $0xFFFF  }
0x1ab: {  	_ =	shalt  }

// kernel: kernel.9.cloned.1.call-start
scs
__scs_entry_jumppad:
0x0: {  	(pc) =	sbr.rel $0x88, $3  }
0x1: {  	(tag) =	ssettag $0x0;
	lr =	simm.s32 $0x1  }
0x2: {  	[smem:$0x3F98] =	sst lr;
	_ =	strace $0xD0000000  }
0x3: {  	_ = 	snop  }
0x4: {  	_ = 	snop  }
0x5: {  	_ = 	snop  }
0x6: {  	_ = 	snop  }
0x7: {  	_ = 	snop  }
__scs_overlays_trampoline_lowered:
0x8: {  	[smem:$0x3FA7] =	sst s0  }
0x9: {  	[smem:$0x3FA8] =	sst s1  }
0xa: {  	[smem:$0x3FA9] =	sst s2  }
0xb: {  	[smem:$0x3FAA] =	sst s3  }
0xc: {  	[smem:$0x3FAB] =	sst s4  }
0xd: {  	[smem:$0x3FAC] =	sst s5  }
0xe: {  	[smem:$0x3FAD] =	sst s6  }
0xf: {  	[smem:$0x3FAE] =	sst s7  }
0x10: {  	[smem:$0x3FAF] =	sst s8  }
0x11: {  	[smem:$0x3FB0] =	sst s9;
	s0 =	simm.s32 @!p0 $0x0  }
0x12: {  	s1 =	sld [smem:$0x3F96];
	s0 =	simm.s32 @p0 $0x1  }
0x13: {  	[smem:$0x3FB1] =	sst s0;
	s0 =	simm.s32 @!p1 $0x0  }
0x14: {  	s2 =	sld [smem:$0x3F95];
	s0 =	simm.s32 @p1 $0x1  }
0x15: {  	[smem:$0x3FB2] =	sst s0;
	s0 =	simm.s32 @!p2 $0x0  }
0x16: {  	s3 =	sld [smem:$0x3FDB];
	s0 =	simm.s32 @p2 $0x1  }
0x17: {  	s4 =	simm.s32 $0x1BF5;
	[smem:$0x3FB4] =	sst s0  }
0x18: {  	s0 =	sld [smem:$0x3F97];
	_ =	swait.ge [sflag:s4], $0x0  }
0x19: {  	s7 =	sld [smem:$0x3F98]  }
0x1a: {  	s8 =	sadd.s32 $0xFFFFE003, lr  }
0x1b: {  	s9 =	sadd.s32 $0xFFFFFEF7, lr;
	s5 =	simm.s32 $0xFFFFFFFF;
	p2 =	slt.u32 s8, $0xFFFFF086  }
0x1c: {  	p1 =	slt.u32 s9, $0xF7A;
	s5 =	simm.s32 @!p2 $0x0  }
0x1d: {  	s5 =	simm.s32 @p1 $0x1;
	p0 =	seq.s32 s7, s2  }
0x1e: {  	s7 =	smul.u32 @!p0 $0xF7A, s2;
	p2 =	seq.s32 @!p0 s5, $0x0  }
0x1f: {  	s9 =	smul.u32 $0xF7A, s1;
	s8 =	simm.s32 @!p0 $0x1BF5;
	p2 =	por !p2, p0  }
0x20: {  	[sflag:s8] =	ssyncset.s32 @!p0 $0xFFFFF086;
	s6 =	sadd.s32 @!p0 s3, s7;
	s7 =	simm.s32 @!p0 $0x108  }
0x21: {  	s3 =	sadd.s32 s3, s9;
	s6 =	sadd.s32 @!p0 $0x88, s6;
	s7 =	simm.s32 @p2 $0x1082  }
0x22: {  	[simem:s7], [sflag:s8] =	dma.local @!p0 [hbm:s6], $0xF7A  }
0x23: {  	s9 =	sor.u32 $0xD0000000, s2;
	s6 =	simm.s32 $0x108;
	_ =	swait.ge @!p0 [sflag:s8], $0x0  }
0x24: {  	s3 =	sadd.s32 $0x88, s3;
	s6 =	simm.s32 @!p1 $0x1082;
	[sflag:s4] =	ssyncset.s32 $0xFFFFF086  }
0x25: {  	[simem:s6], [sflag:s4] =	dma.local [hbm:s3], $0xF7A  }
0x26: {  	[smem:$0x3F98] =	sst s1;
	(tag) =	ssettag s2;
	_ =	strace s9  }
0x27: {  	s1 =	sld [smem:$0x3FA8]  }
0x28: {  	s2 =	sld [smem:$0x3FA9]  }
0x29: {  	s4 =	sld [smem:$0x3FAB]  }
0x2a: {  	p0 =	seq.s32 s5, $0x0;
	s5 =	sld [smem:$0x3FAC]  }
0x2b: {  	s6 =	sld [smem:$0x3FAD]  }
0x2c: {  	s7 =	sld [smem:$0x3FAE]  }
0x2d: {  	s3 =	simm.s32 $0x108;
	s8 =	sld [smem:$0x3FAF]  }
0x2e: {  	s3 =	simm.s32 @!p0 $0x1082;
	s9 =	sld [smem:$0x3FB0]  }
0x2f: {  	lr =	sadd.s32 s0, s3;
	s0 =	sld [smem:$0x3FA7]  }
0x30: {  	s3 =	sld [smem:$0x3FAA]  }
0x31: {  	[smem:$0x3FB3] =	sst s10  }
0x32: {  	s10 =	sld [smem:$0x3FB1];
	_ =	sdelay $0x3  }
0x33: {  	p0 =	seq.s32 s10, $0x1;
	s10 =	sld [smem:$0x3FB3];
	_ =	sdelay $0x3  }
0x34: {  	[smem:$0x3FB3] =	sst s10  }
0x35: {  	s10 =	sld [smem:$0x3FB2];
	_ =	sdelay $0x3  }
0x36: {  	p1 =	seq.s32 s10, $0x1;
	s10 =	sld [smem:$0x3FB3];
	_ =	sdelay $0x3  }
0x37: {  	[smem:$0x3FB3] =	sst s10  }
0x38: {  	s10 =	sld [smem:$0x3FB4]  }
0x39: {  	_ = 	snop;
	(pc) =	sbr.ind lr, $3  }
0x3a: {  	_ = 	snop  }
0x3b: {  	_ = 	snop  }
0x3c: {  	p2 =	seq.s32 s10, $0x1;
	s10 =	sld [smem:$0x3FB3]  }
0x3d: {  	_ =	shalt  }
0x3e: {  	_ =	shalt  }
0x3f: {  	_ =	shalt  }
0x40: {  	_ =	shalt  }
0x41: {  	_ =	shalt  }
0x42: {  	_ =	shalt  }
0x43: {  	_ =	shalt  }
0x44: {  	_ =	shalt  }
0x45: {  	_ =	shalt  }
0x46: {  	_ =	shalt  }
0x47: {  	_ =	shalt  }
0x48: {  	_ =	shalt  }
0x49: {  	_ =	shalt  }
0x4a: {  	_ =	shalt  }
0x4b: {  	_ =	shalt  }
0x4c: {  	_ =	shalt  }
0x4d: {  	_ =	shalt  }
0x4e: {  	_ =	shalt  }
0x4f: {  	_ =	shalt  }
0x50: {  	_ =	shalt  }
0x51: {  	_ =	shalt  }
0x52: {  	_ =	shalt  }
0x53: {  	_ =	shalt  }
0x54: {  	_ =	shalt  }
0x55: {  	_ =	shalt  }
0x56: {  	_ =	shalt  }
0x57: {  	_ =	shalt  }
0x58: {  	_ =	shalt  }
0x59: {  	_ =	shalt  }
0x5a: {  	_ =	shalt  }
0x5b: {  	_ =	shalt  }
0x5c: {  	_ =	shalt  }
0x5d: {  	_ =	shalt  }
0x5e: {  	_ =	shalt  }
0x5f: {  	_ =	shalt  }
0x60: {  	_ =	shalt  }
0x61: {  	_ =	shalt  }
0x62: {  	_ =	shalt  }
0x63: {  	_ =	shalt  }
0x64: {  	_ =	shalt  }
0x65: {  	_ =	shalt  }
0x66: {  	_ =	shalt  }
0x67: {  	_ =	shalt  }
0x68: {  	_ =	shalt  }
0x69: {  	_ =	shalt  }
0x6a: {  	_ =	shalt  }
0x6b: {  	_ =	shalt  }
0x6c: {  	_ =	shalt  }
0x6d: {  	_ =	shalt  }
0x6e: {  	_ =	shalt  }
0x6f: {  	_ =	shalt  }
0x70: {  	_ =	shalt  }
0x71: {  	_ =	shalt  }
0x72: {  	_ =	shalt  }
0x73: {  	_ =	shalt  }
0x74: {  	_ =	shalt  }
0x75: {  	_ =	shalt  }
0x76: {  	_ =	shalt  }
0x77: {  	_ =	shalt  }
0x78: {  	_ =	shalt  }
0x79: {  	_ =	shalt  }
0x7a: {  	_ =	shalt  }
0x7b: {  	_ =	shalt  }
0x7c: {  	_ =	shalt  }
0x7d: {  	_ =	shalt  }
0x7e: {  	_ =	shalt  }
0x7f: {  	_ =	shalt  }
0x80: {  	_ =	shalt  }
0x81: {  	_ =	shalt  }
0x82: {  	_ =	shalt  }
0x83: {  	_ =	shalt  }
0x84: {  	_ =	shalt  }
0x85: {  	_ =	shalt  }
0x86: {  	_ =	shalt  }
0x87: {  	_ =	shalt  }
.Lfunc_end0:
.L_simem_size_0:
called_computation.1_lowered:
.L_overlay_start_0:
0x88: {  	s2 =	sld [smem:$0x3FD9]  }
0x89: {  	s3 =	sld [smem:$0x3FFE];
	_ =	sdelay $0x1  }
0x8a: {  	s1 =	srdreg.scid  }
0x8b: {  	s0 =	sand.u32 $0x1, s1  }
0x8c: {  	s17 =	sshll.u32 s0, $0xA;
	s2 =	sadd.s32 s3, s2  }
0x8d: {  	s2 =	sadd.s32 s2, s17  }
0x8e: {  	[smem:$0x3FBF] =	sst s2  }
0x8f: {  	_ = 	snop  }
0x90: {  	s2 =	sld [smem:$0x3FD0];
	(tm) =	ssettm $0x1  }
0x91: {  	s18 =	sld [smem:$0x3FFB];
	_ =	sdelay $0x3  }
0x92: {  	_ =	strace s18  }
0x93: {  	s3 =	sld [smem:$0x3FFC];
	_ =	sdelay $0x3  }
0x94: {  	_ =	strace s3  }
0x95: {  	s3 =	sld [smem:$0x3FFD];
	_ =	sdelay $0x3  }
0x96: {  	_ =	strace s3  }
0x97: {  	_ =	strace $0x8FFFFFFF  }
0x98: {  	s19 =	sld [smem:$0x3FDB];
	_ =	sdelay $0x1  }
0x99: {  	s4 =	simm.s32 $_scs_section_size  }
0x9a: {  	s5 =	simm.s32 $_size__tile_overlayer_lowered;
	s6 =	simm.s32 $_tile_overlayer_lowered  }
0x9b: {  	s22 =	simm.s32 $0x1BFF;
	s21 =	sshll.u32 s6, $0x1;
	s3 =	sadd.s32 s4, s19  }
0x9c: {  	s7 =	simm.s32 $0x0;
	s20 =	sshll.u32 s5, $0x1;
	s5 =	sadd.s32 s21, s3  }
0x9d: {  	[timem:s7], [sflag:s22] =	dma.local [hbm:s5], s20  }
0x9e: {  	_ =	swait.ge [sflag:s22], s20  }
0x9f: {  	s4 =	ssub.s32 $0x0, s20;
	[sflag:s22] =	ssyncset.done $0x0  }
0xa0: {  	[sflag:s22] =	ssyncadd.s32 s4;
	_ =	sdelay $0x1  }
0xa1: {  	s23 =	simm.s32 $0x1B8B  }
0xa2: {  	_ =	swait.ge [sflag:s23], $0x1  }
0xa3: {  	[sflag:s23] =	ssyncset.done $0x0  }
0xa4: {  	s25 =	simm.s32 $0x1B8E;
	s24 =	sld [smem:$0x3FFE];
	[sflag:s23] =	ssyncadd.s32 $0xFFFFFFFF  }
0xa5: {  	s26 =	simm.s32 $execute0_lowered;
	[smem:$0x3FD2] =	sst s25  }
0xa6: {  	s5 =	sshll.u32 s26, $0x1;
	_ =	strace $0x80000049;
	[dreg:$0x1] =	wrdreg $0xFFFFFFFF  }
0xa7: {  	s28 =	simm.s32 $_size_execute0_lowered;
	s3 =	sadd.s32 s3, s5;
	[dreg:$0x0] =	wrdreg $0x0  }
0xa8: {  	s5 =	sshll.u32 s28, $0x1;
	[dreg:$0x2] =	wrdreg s3  }
0xa9: {  	[dreg:$0x3] =	wrdreg s5  }
0xaa: {  	[dreg:$0x4] =	wrdreg $0xC0  }
0xab: {  	_ =	task [dreg:s7], $0x5FFFF  }
0xac: {  	[dreg:$0x1] =	wrdreg $0xFFFFFFFF  }
0xad: {  	[dreg:$0x0] =	wrdreg $0x60  }
0xae: {  	[dreg:$0x2] =	wrdreg s24  }
0xaf: {  	[dreg:$0x3] =	wrdreg s2  }
0xb0: {  	[dreg:$0x4] =	wrdreg $0x28000  }
0xb1: {  	[dreg:$0x5] =	wrdreg $0x9  }
0xb2: {  	_ =	task.clear_ibuf [dreg:s7], $0x6FFFF;
	_ =	strace $0x90000049  }
0xb3: {  	s29 =	simm.s32 $0x9;
	_ =	strace $0x8000004B  }
0xb4: {  	_ =	swait.ge [sflag:s29], $0x1  }
0xb5: {  	[sflag:s29] =	ssyncadd.s32 $0xFFFFFFFF  }
0xb6: {  	_ =	strace $0x9000004B  }
0xb7: {  	_ =	sfence  }
0xb8: {  	s30 =	sld [smem:$0x0];
	_ =	sdelay $0x2  }
0xb9: {  	s31 =	sshll.u32 s1, $0xD;
	s1 =	sshrl.u32 s1, $0x2  }
0xba: {  	s3 =	sand.u32 $0x4000, s31;
	s1 =	sadd.s32 s1, s30  }
0xbb: {  	s0 =	sor.u32 s3, s0;
	s1 =	sshll.u32 s1, $0x11  }
0xbc: {  	s0 =	sor.u32 s1, s0  }
0xbd: {  	s0 =	sadd.s32 $0x8F2B, s0  }
0xbe: {  	[sflag:s0] =	ssyncadd.remote.s32 $0x1  }
0xbf: {  	_ =	sfence.sel $0xFFFF  }
0xc0: {  	[dreg:$0x0] =	wrdreg $0xFFFFFFFF;
	(pc) =	sbr.abs _section_cstart, $3  }
0xc1: {  	[dreg:$0x1] =	wrdreg $0xFFFFFFFF  }
0xc2: {  	_ =	task.clear_ibuf [dreg:s7], $0x2FFFF;
	_ =	strace $0x9FFFFFFF  }
0xc3: {  	(tm) =	ssettm $0x7FFFFFFF  }
tec
execute0_lowered:
.L_overlay_start_1:
0x0: {  	(tag) =	ssettag $0x1  }
0x1: {  	s0 =	rddreg [dreg:$0x0];
	s1 =	srdreg.scid  }
0x2: {  	s9 =	stileid.u32;
	s3 =	rddreg [dreg:$0x2];
	s4 =	simm.s32 $0x0  }
0x3: {  	s10 =	simm.s32 $0x2;
	s12 =	simm.s32 $0x400;
	s13 =	simm.s32 $0x80  }
0x4: {  	s14 =	simm.s32 $0x800;
	s15 =	simm.s32 $0xC00;
	s16 =	simm.s32 $0x100  }
0x5: {  	s17 =	simm.s32 $0x1000;
	s18 =	simm.s32 $0x180;
	s5 =	smul.u32 $0x18800, s9  }
0x6: {  	s28 =	simm.s32 $0x2400;
	s29 =	simm.s32 $0x1;
	s6 =	smul.u32 $0xC800, s9  }
0x7: {  	s30 =	simm.s32 $0x480;
	s1 =	sand.u32 $0x1, s1;
	s8 =	smul.u32 $0x32000, s9  }
0x8: {  	s31 =	simm.s32 $0x500;
	[smem:$0x7FF] =	sst s4;
	s2 =	smul.u32 $0x188000, s1  }
0x9: {  	s23 =	sshll.u32 s9, $0x6;
	s9 =	simm.s32 $0x0;
	s19 =	smul.u32 $0xC8000, s1  }
0xa: {  	_ =	strace $0x8000004A;
	s1 =	ssub.s32 $0x2, s1;
	s7 =	sshrl.u32 s6, $0x3  }
0xb: {  	s20 =	sshrl.u32 s1, $0x1;
	s21 =	sadd.s32 s6, s3;
	s22 =	sshrl.u32 s8, $0x2  }
0xc: {  	s8 =	sor.u32 $0x1C02, s23;
	s23 =	simm.s32 $0x1C00;
	s2 =	sadd.s32 s5, s2  }
0xd: {  	s5 =	sadd.s32 s6, s19;
	s7 =	sadd.s32 s7, s0;
	s1 =	ssub.s32 s1, s20  }
0xe: {  	s6 =	sadd.s32 s22, s3;
	s26 =	sshrl.u32 s21, $0x3;
	s19 =	simm.s32 $0x1400  }
0xf: {  	s20 =	simm.s32 $0x200;
	s21 =	simm.s32 $0x1800;
	s22 =	simm.s32 $0x280  }
0x10: {  	[dreg:$0x7] =	wrdreg s8;
	s2 =	sshrl.u32 s2, $0x3;
	s5 =	sshrl.u32 s5, $0x3  }
0x11: {  	s7 =	sadd.s32 $0xE400, s7;
	s6 =	sadd.s32 $0xC8000, s6;
	[dreg:$0xa] =	wrdreg s26  }
0x12: {  	s1 =	smax.u32 s1, $0x1;
	s2 =	sadd.s32 s2, s0;
	[dreg:$0x6] =	wrdreg s7  }
0x13: {  	s0 =	sadd.s32 s5, s0;
	[dreg:$0x9] =	wrdreg s1;
	s11 =	sshrl.u32 s6, $0x3  }
0x14: {  	s26 =	simm.s32 $0x380;
	s0 =	sadd.s32 $0x27400, s0;
	[dreg:$0xb] =	wrdreg s11  }
0x15: {  	s1 =	simm.s32 $0x580;
	s24 =	sadd.s32 $0x127C00, s2;
	[dreg:$0x8] =	wrdreg s0  }
0x16: {  	s5 =	simm.s32 $0x700;
	s25 =	sadd.s32 $0x63C00, s2;
	[dreg:$0x4] =	wrdreg s24  }
0x17: {  	s7 =	simm.s32 $0x780;
	s2 =	simm.s32 $0x680;
	[dreg:$0x5] =	wrdreg s25  }
0x18: {  	s24 =	simm.s32 $0x300;
	s25 =	simm.s32 $0x2000;
	s0 =	simm.s32 $0x600  }
.LBB2_1:
0x19: {  	[dreg:$0xc] =	wrdreg s9  }
0x1a: {  	s6 =	rddreg [dreg:$0x6]  }
0x1b: {  	s9 =	rddreg [dreg:$0xa]  }
0x1c: {  	[spmem:s9], [sflag:s8] =	dma.local [hbm:s6], $0x1900  }
0x1d: {  	_ =	swait.ge [sflag:s10], $0x1900  }
0x1e: {  	[sflag:s10] =	ssyncset.done $0x0  }
0x1f: {  	[sflag:s10] =	ssyncadd.s32 $0xFFFFE700  }
0x20: {  	s9 =	rddreg [dreg:$0x1]  }
0x21: {  	[spmem:s11], [sflag:s8] =	dma.local [hbm:s9], $0x1900  }
0x22: {  	_ =	swait.ge [sflag:s10], $0x1900  }
0x23: {  	[sflag:s10] =	ssyncset.done $0x0  }
0x24: {  	[sflag:s10] =	ssyncadd.s32 $0xFFFFE700  }
0x25: {  	[bflag:$0x0] =	sbarrier.arrive $0xFFFF  }
0x26: {  	s9 =	rddreg [dreg:$0x5]  }
0x27: {  	s6 =	sadd.s32 $0x0, s9  }
0x28: {  	[tilespmem:s4], [sflag:$0x2] =	stream.linear.gather [hbm4b:s6+s4], $0x400, $0x38;
	[tilespmem:$0xF000] =	vst v63  }
0x29: {  	_ =	swait.ge [sflag:s10], $0x400  }
0x2a: {  	s11 =	rddreg [dreg:$0x4];
	[sflag:s10] =	ssyncset.done $0x0  }
0x2b: {  	[sflag:s10] =	ssyncadd.s32 $0xFFFFFC00;
	s6 =	sadd.s32 $0x0, s11  }
0x2c: {  	[tilespmem:s12], [sflag:$0x2] =	stream.linear.gather [hbm4b:s6+s4], $0x400, $0x38;
	[tilespmem:$0xF000] =	vst v63  }
0x2d: {  	_ =	swait.ge [sflag:s10], $0x400  }
0x2e: {  	[sflag:s10] =	ssyncset.done $0x0  }
0x2f: {  	[sflag:s10] =	ssyncadd.s32 $0xFFFFFC00  }
0x30: {  	[tilespmem:s14], [sflag:$0x1] =	stream.indirect.gather [spmem:s3], $0x4, s4, s13, $0xb8;
	[tilespmem:$0xF000] =	vst v63  }
0x31: {  	_ = 	snop  }
0x32: {  	[tilespmem:s15], [sflag:$0x1] =	stream.indirect.gather [spmem:s3], $0x4, s13, s13, $0xb8;
	[tilespmem:$0xF000] =	vst v63  }
0x33: {  	_ = 	snop  }
0x34: {  	[tilespmem:s17], [sflag:$0x1] =	stream.indirect.gather [spmem:s3], $0x4, s16, s13, $0xb8;
	[tilespmem:$0xF000] =	vst v63  }
0x35: {  	_ = 	snop  }
0x36: {  	[tilespmem:s19], [sflag:$0x1] =	stream.indirect.gather [spmem:s3], $0x4, s18, s13, $0xb8;
	[tilespmem:$0xF000] =	vst v63  }
0x37: {  	_ = 	snop  }
0x38: {  	[tilespmem:s21], [sflag:$0x1] =	stream.indirect.gather [spmem:s3], $0x4, s20, s13, $0xb8;
	[tilespmem:$0xF000] =	vst v63  }
0x39: {  	_ = 	snop  }
0x3a: {  	[tilespmem:s23], [sflag:$0x1] =	stream.indirect.gather [spmem:s3], $0x4, s22, s13, $0xb8;
	[tilespmem:$0xF000] =	vst v63  }
0x3b: {  	_ = 	snop  }
0x3c: {  	[tilespmem:s25], [sflag:$0x1] =	stream.indirect.gather [spmem:s3], $0x4, s24, s13, $0xb8;
	[tilespmem:$0xF000] =	vst v63  }
0x3d: {  	_ = 	snop  }
0x3e: {  	[tilespmem:s28], [sflag:$0x1] =	stream.indirect.gather [spmem:s3], $0x4, s26, s13, $0xb8;
	[tilespmem:$0xF000] =	vst v63  }
0x3f: {  	_ =	swait.ge [sflag:s29], $0x200  }
0x40: {  	[sflag:s29] =	ssyncset.done $0x0  }
0x41: {  	[sflag:s29] =	ssyncadd.s32 $0xFFFFFE00  }
0x42: {  	[spmem:s3] =	stream.indirect.scatter.add.f32 [tilespmem:s14], [sflag:$0x2], $0x4, s12, s13, $0xb8;
	[tilespmem:$0xF000] =	vst v63  }
0x43: {  	_ =	swait.ge [sflag:s10], $0x200  }
0x44: {  	[sflag:s10] =	ssyncset.done $0x0  }
0x45: {  	[sflag:s10] =	ssyncadd.s32 $0xFFFFFE00  }
0x46: {  	_ =	swait.ge [sflag:s29], $0x200  }
0x47: {  	[sflag:s29] =	ssyncset.done $0x0  }
0x48: {  	[sflag:s29] =	ssyncadd.s32 $0xFFFFFE00  }
0x49: {  	[spmem:s3] =	stream.indirect.scatter.add.f32 [tilespmem:s15], [sflag:$0x2], $0x4, s30, s13, $0xb8;
	[tilespmem:$0xF000] =	vst v63  }
0x4a: {  	_ =	swait.ge [sflag:s10], $0x200  }
0x4b: {  	[sflag:s10] =	ssyncset.done $0x0  }
0x4c: {  	[sflag:s10] =	ssyncadd.s32 $0xFFFFFE00  }
0x4d: {  	_ =	swait.ge [sflag:s29], $0x200  }
0x4e: {  	[sflag:s29] =	ssyncset.done $0x0  }
0x4f: {  	[sflag:s29] =	ssyncadd.s32 $0xFFFFFE00  }
0x50: {  	[spmem:s3] =	stream.indirect.scatter.add.f32 [tilespmem:s17], [sflag:$0x2], $0x4, s31, s13, $0xb8;
	[tilespmem:$0xF000] =	vst v63  }
0x51: {  	_ =	swait.ge [sflag:s10], $0x200  }
0x52: {  	[sflag:s10] =	ssyncset.done $0x0  }
0x53: {  	[sflag:s10] =	ssyncadd.s32 $0xFFFFFE00  }
0x54: {  	_ =	swait.ge [sflag:s29], $0x200  }
0x55: {  	[sflag:s29] =	ssyncset.done $0x0  }
0x56: {  	[sflag:s29] =	ssyncadd.s32 $0xFFFFFE00  }
0x57: {  	[spmem:s3] =	stream.indirect.scatter.add.f32 [tilespmem:s19], [sflag:$0x2], $0x4, s1, s13, $0xb8;
	[tilespmem:$0xF000] =	vst v63  }
0x58: {  	_ =	swait.ge [sflag:s10], $0x200  }
0x59: {  	[sflag:s10] =	ssyncset.done $0x0  }
0x5a: {  	[sflag:s10] =	ssyncadd.s32 $0xFFFFFE00  }
0x5b: {  	_ =	swait.ge [sflag:s29], $0x200  }
0x5c: {  	[sflag:s29] =	ssyncset.done $0x0  }
0x5d: {  	[sflag:s29] =	ssyncadd.s32 $0xFFFFFE00  }
0x5e: {  	[spmem:s3] =	stream.indirect.scatter.add.f32 [tilespmem:s21], [sflag:$0x2], $0x4, s0, s13, $0xb8;
	[tilespmem:$0xF000] =	vst v63  }
0x5f: {  	_ =	swait.ge [sflag:s10], $0x200  }
0x60: {  	[sflag:s10] =	ssyncset.done $0x0  }
0x61: {  	[sflag:s10] =	ssyncadd.s32 $0xFFFFFE00  }
0x62: {  	_ =	swait.ge [sflag:s29], $0x200  }
0x63: {  	[sflag:s29] =	ssyncset.done $0x0  }
0x64: {  	[sflag:s29] =	ssyncadd.s32 $0xFFFFFE00  }
0x65: {  	[spmem:s3] =	stream.indirect.scatter.add.f32 [tilespmem:s23], [sflag:$0x2], $0x4, s2, s13, $0xb8;
	[tilespmem:$0xF000] =	vst v63  }
0x66: {  	_ =	swait.ge [sflag:s10], $0x200  }
0x67: {  	[sflag:s10] =	ssyncset.done $0x0  }
0x68: {  	[sflag:s10] =	ssyncadd.s32 $0xFFFFFE00  }
0x69: {  	_ =	swait.ge [sflag:s29], $0x200  }
0x6a: {  	[sflag:s29] =	ssyncset.done $0x0  }
0x6b: {  	[sflag:s29] =	ssyncadd.s32 $0xFFFFFE00  }
0x6c: {  	[spmem:s3] =	stream.indirect.scatter.add.f32 [tilespmem:s25], [sflag:$0x2], $0x4, s5, s13, $0xb8;
	[tilespmem:$0xF000] =	vst v63  }
0x6d: {  	_ =	swait.ge [sflag:s10], $0x200  }
0x6e: {  	[sflag:s10] =	ssyncset.done $0x0  }
0x6f: {  	[sflag:s10] =	ssyncadd.s32 $0xFFFFFE00  }
0x70: {  	_ =	swait.ge [sflag:s29], $0x200  }
0x71: {  	[sflag:s29] =	ssyncset.done $0x0  }
0x72: {  	[sflag:s29] =	ssyncadd.s32 $0xFFFFFE00  }
0x73: {  	[spmem:s3] =	stream.indirect.scatter.add.f32 [tilespmem:s28], [sflag:$0x2], $0x4, s7, s13, $0xb8;
	[tilespmem:$0xF000] =	vst v63  }
0x74: {  	s9 =	simm.s32 $0x80;
	_ =	swait.ge [sflag:s10], $0x200  }
0x75: {  	s11 =	simm.s32 $0x100;
	s6 =	rddreg [dreg:$0x5];
	[sflag:s10] =	ssyncset.done $0x0  }
.LBB2_2:
0x76: {  	[sflag:s10] =	ssyncadd.s32 $0xFFFFFE00;
	s6 =	sadd.s32 s9, s6  }
0x77: {  	[tilespmem:s4], [sflag:$0x2] =	stream.linear.gather [hbm4b:s6+s4], $0x400, $0x38;
	[tilespmem:$0xF000] =	vst v63  }
0x78: {  	_ =	swait.ge [sflag:s10], $0x400  }
0x79: {  	s6 =	rddreg [dreg:$0x4];
	[sflag:s10] =	ssyncset.done $0x0  }
0x7a: {  	[sflag:s10] =	ssyncadd.s32 $0xFFFFFC00;
	s6 =	sadd.s32 s9, s6  }
0x7b: {  	[tilespmem:s12], [sflag:$0x2] =	stream.linear.gather [hbm4b:s6+s4], $0x400, $0x38;
	[tilespmem:$0xF000] =	vst v63  }
0x7c: {  	_ =	swait.ge [sflag:s10], $0x400  }
0x7d: {  	[sflag:s10] =	ssyncset.done $0x0  }
0x7e: {  	[sflag:s10] =	ssyncadd.s32 $0xFFFFFC00  }
0x7f: {  	[tilespmem:s14], [sflag:$0x1] =	stream.indirect.gather [spmem:s3], $0x4, s4, s13, $0xb8;
	[tilespmem:$0xF000] =	vst v63  }
0x80: {  	_ = 	snop  }
0x81: {  	[tilespmem:s15], [sflag:$0x1] =	stream.indirect.gather [spmem:s3], $0x4, s13, s13, $0xb8;
	[tilespmem:$0xF000] =	vst v63  }
0x82: {  	_ = 	snop  }
0x83: {  	[tilespmem:s17], [sflag:$0x1] =	stream.indirect.gather [spmem:s3], $0x4, s16, s13, $0xb8;
	[tilespmem:$0xF000] =	vst v63  }
0x84: {  	_ = 	snop  }
0x85: {  	[tilespmem:s19], [sflag:$0x1] =	stream.indirect.gather [spmem:s3], $0x4, s18, s13, $0xb8;
	[tilespmem:$0xF000] =	vst v63  }
0x86: {  	_ = 	snop  }
0x87: {  	[tilespmem:s21], [sflag:$0x1] =	stream.indirect.gather [spmem:s3], $0x4, s20, s13, $0xb8;
	[tilespmem:$0xF000] =	vst v63  }
0x88: {  	_ = 	snop  }
0x89: {  	[tilespmem:s23], [sflag:$0x1] =	stream.indirect.gather [spmem:s3], $0x4, s22, s13, $0xb8;
	[tilespmem:$0xF000] =	vst v63  }
0x8a: {  	_ = 	snop  }
0x8b: {  	[tilespmem:s25], [sflag:$0x1] =	stream.indirect.gather [spmem:s3], $0x4, s24, s13, $0xb8;
	[tilespmem:$0xF000] =	vst v63  }
0x8c: {  	_ = 	snop  }
0x8d: {  	[tilespmem:s28], [sflag:$0x1] =	stream.indirect.gather [spmem:s3], $0x4, s26, s13, $0xb8;
	[tilespmem:$0xF000] =	vst v63  }
0x8e: {  	_ =	swait.ge [sflag:s29], $0x200  }
0x8f: {  	[sflag:s29] =	ssyncset.done $0x0  }
0x90: {  	[sflag:s29] =	ssyncadd.s32 $0xFFFFFE00  }
0x91: {  	[spmem:s3] =	stream.indirect.scatter.add.f32 [tilespmem:s14], [sflag:$0x2], $0x4, s12, s13, $0xb8;
	[tilespmem:$0xF000] =	vst v63  }
0x92: {  	_ =	swait.ge [sflag:s10], $0x200  }
0x93: {  	[sflag:s10] =	ssyncset.done $0x0  }
0x94: {  	[sflag:s10] =	ssyncadd.s32 $0xFFFFFE00  }
0x95: {  	_ =	swait.ge [sflag:s29], $0x200  }
0x96: {  	[sflag:s29] =	ssyncset.done $0x0  }
0x97: {  	[sflag:s29] =	ssyncadd.s32 $0xFFFFFE00  }
0x98: {  	[spmem:s3] =	stream.indirect.scatter.add.f32 [tilespmem:s15], [sflag:$0x2], $0x4, s30, s13, $0xb8;
	[tilespmem:$0xF000] =	vst v63  }
0x99: {  	_ =	swait.ge [sflag:s10], $0x200  }
0x9a: {  	[sflag:s10] =	ssyncset.done $0x0  }
0x9b: {  	[sflag:s10] =	ssyncadd.s32 $0xFFFFFE00  }
0x9c: {  	_ =	swait.ge [sflag:s29], $0x200  }
0x9d: {  	[sflag:s29] =	ssyncset.done $0x0  }
0x9e: {  	[sflag:s29] =	ssyncadd.s32 $0xFFFFFE00  }
0x9f: {  	[spmem:s3] =	stream.indirect.scatter.add.f32 [tilespmem:s17], [sflag:$0x2], $0x4, s31, s13, $0xb8;
	[tilespmem:$0xF000] =	vst v63  }
0xa0: {  	_ =	swait.ge [sflag:s10], $0x200  }
0xa1: {  	[sflag:s10] =	ssyncset.done $0x0  }
0xa2: {  	[sflag:s10] =	ssyncadd.s32 $0xFFFFFE00  }
0xa3: {  	_ =	swait.ge [sflag:s29], $0x200  }
0xa4: {  	[sflag:s29] =	ssyncset.done $0x0  }
0xa5: {  	[sflag:s29] =	ssyncadd.s32 $0xFFFFFE00  }
0xa6: {  	[spmem:s3] =	stream.indirect.scatter.add.f32 [tilespmem:s19], [sflag:$0x2], $0x4, s1, s13, $0xb8;
	[tilespmem:$0xF000] =	vst v63  }
0xa7: {  	_ =	swait.ge [sflag:s10], $0x200  }
0xa8: {  	[sflag:s10] =	ssyncset.done $0x0  }
0xa9: {  	[sflag:s10] =	ssyncadd.s32 $0xFFFFFE00  }
0xaa: {  	_ =	swait.ge [sflag:s29], $0x200  }
0xab: {  	[sflag:s29] =	ssyncset.done $0x0  }
0xac: {  	[sflag:s29] =	ssyncadd.s32 $0xFFFFFE00  }
0xad: {  	[spmem:s3] =	stream.indirect.scatter.add.f32 [tilespmem:s21], [sflag:$0x2], $0x4, s0, s13, $0xb8;
	[tilespmem:$0xF000] =	vst v63  }
0xae: {  	_ =	swait.ge [sflag:s10], $0x200  }
0xaf: {  	[sflag:s10] =	ssyncset.done $0x0  }
0xb0: {  	[sflag:s10] =	ssyncadd.s32 $0xFFFFFE00  }
0xb1: {  	_ =	swait.ge [sflag:s29], $0x200  }
0xb2: {  	[sflag:s29] =	ssyncset.done $0x0  }
0xb3: {  	[sflag:s29] =	ssyncadd.s32 $0xFFFFFE00  }
0xb4: {  	[spmem:s3] =	stream.indirect.scatter.add.f32 [tilespmem:s23], [sflag:$0x2], $0x4, s2, s13, $0xb8;
	[tilespmem:$0xF000] =	vst v63  }
0xb5: {  	_ =	swait.ge [sflag:s10], $0x200  }
0xb6: {  	[sflag:s10] =	ssyncset.done $0x0  }
0xb7: {  	[sflag:s10] =	ssyncadd.s32 $0xFFFFFE00  }
0xb8: {  	_ =	swait.ge [sflag:s29], $0x200  }
0xb9: {  	[sflag:s29] =	ssyncset.done $0x0  }
0xba: {  	[sflag:s29] =	ssyncadd.s32 $0xFFFFFE00  }
0xbb: {  	[spmem:s3] =	stream.indirect.scatter.add.f32 [tilespmem:s25], [sflag:$0x2], $0x4, s5, s13, $0xb8;
	[tilespmem:$0xF000] =	vst v63  }
0xbc: {  	_ =	swait.ge [sflag:s10], $0x200  }
0xbd: {  	[sflag:s10] =	ssyncset.done $0x0  }
0xbe: {  	[sflag:s10] =	ssyncadd.s32 $0xFFFFFE00  }
0xbf: {  	p0 =	sne.s32 s11, $0x3080;
	_ =	swait.ge [sflag:s29], $0x200  }
.Ltmp0:
0xc0: {  	[sflag:s29] =	ssyncset.done $0x0;
	(pc) =	sbr.rel @p0 .LBB2_2-.Ltmp0, $4  }
0xc1: {  	[sflag:s29] =	ssyncadd.s32 $0xFFFFFE00  }
0xc2: {  	[spmem:s3] =	stream.indirect.scatter.add.f32 [tilespmem:s28], [sflag:$0x2], $0x4, s7, s13, $0xb8;
	[tilespmem:$0xF000] =	vst v63  }
0xc3: {  	s8 =	smov.u32 s11;
	s11 =	sadd.s32 $0x80, s11;
	_ =	swait.ge [sflag:s10], $0x200  }
0xc4: {  	s9 =	smov.u32 s8;
	s6 =	rddreg [dreg:$0x5];
	[sflag:s10] =	ssyncset.done $0x0  }
0xc5: {  	[sflag:s10] =	ssyncadd.s32 $0xFFFFFE00;
	s6 =	sadd.s32 s9, s6  }
0xc6: {  	[tilespmem:s4], [sflag:$0x2] =	stream.linear.gather [hbm4b:s6+s4], $0x400, $0x38;
	[tilespmem:$0xF000] =	vst v63  }
0xc7: {  	_ =	swait.ge [sflag:s10], $0x400  }
0xc8: {  	s8 =	rddreg [dreg:$0x4];
	[sflag:s10] =	ssyncset.done $0x0  }
0xc9: {  	s6 =	sadd.s32 s9, s8;
	[sflag:s10] =	ssyncadd.s32 $0xFFFFFC00  }
0xca: {  	[tilespmem:s12], [sflag:$0x2] =	stream.linear.gather [hbm4b:s6+s4], $0x400, $0x38;
	[tilespmem:$0xF000] =	vst v63  }
0xcb: {  	_ =	swait.ge [sflag:s10], $0x400  }
0xcc: {  	[sflag:s10] =	ssyncset.done $0x0  }
0xcd: {  	[sflag:s10] =	ssyncadd.s32 $0xFFFFFC00  }
0xce: {  	[tilespmem:s14], [sflag:$0x1] =	stream.indirect.gather [spmem:s3], $0x4, s4, s13, $0xb8;
	[tilespmem:$0xF000] =	vst v63  }
0xcf: {  	_ = 	snop  }
0xd0: {  	[tilespmem:s15], [sflag:$0x1] =	stream.indirect.gather [spmem:s3], $0x4, s13, s13, $0xb8;
	[tilespmem:$0xF000] =	vst v63  }
0xd1: {  	_ = 	snop  }
0xd2: {  	[tilespmem:s17], [sflag:$0x1] =	stream.indirect.gather [spmem:s3], $0x4, s16, s13, $0xb8;
	[tilespmem:$0xF000] =	vst v63  }
0xd3: {  	_ = 	snop  }
0xd4: {  	[tilespmem:s19], [sflag:$0x1] =	stream.indirect.gather [spmem:s3], $0x4, s18, s13, $0xb8;
	[tilespmem:$0xF000] =	vst v63  }
0xd5: {  	_ = 	snop  }
0xd6: {  	[tilespmem:s21], [sflag:$0x1] =	stream.indirect.gather [spmem:s3], $0x4, s20, s13, $0xb8;
	[tilespmem:$0xF000] =	vst v63  }
0xd7: {  	_ = 	snop  }
0xd8: {  	[tilespmem:s23], [sflag:$0x1] =	stream.indirect.gather [spmem:s3], $0x4, s22, s13, $0xb8;
	[tilespmem:$0xF000] =	vst v63  }
0xd9: {  	_ = 	snop  }
0xda: {  	[tilespmem:s25], [sflag:$0x1] =	stream.indirect.gather [spmem:s3], $0x4, s24, s13, $0xb8;
	[tilespmem:$0xF000] =	vst v63  }
0xdb: {  	_ = 	snop  }
0xdc: {  	[tilespmem:s28], [sflag:$0x1] =	stream.indirect.gather [spmem:s3], $0x4, s26, s13, $0xb8;
	[tilespmem:$0xF000] =	vst v63  }
0xdd: {  	_ =	swait.ge [sflag:s29], $0x200  }
0xde: {  	[sflag:s29] =	ssyncset.done $0x0  }
0xdf: {  	[sflag:s29] =	ssyncadd.s32 $0xFFFFFE00  }
0xe0: {  	[spmem:s3] =	stream.indirect.scatter.add.f32 [tilespmem:s14], [sflag:$0x2], $0x4, s12, s13, $0xb8;
	[tilespmem:$0xF000] =	vst v63  }
0xe1: {  	_ =	swait.ge [sflag:s10], $0x200  }
0xe2: {  	[sflag:s10] =	ssyncset.done $0x0  }
0xe3: {  	[sflag:s10] =	ssyncadd.s32 $0xFFFFFE00  }
0xe4: {  	_ =	swait.ge [sflag:s29], $0x200  }
0xe5: {  	[sflag:s29] =	ssyncset.done $0x0  }
0xe6: {  	[sflag:s29] =	ssyncadd.s32 $0xFFFFFE00  }
0xe7: {  	[spmem:s3] =	stream.indirect.scatter.add.f32 [tilespmem:s15], [sflag:$0x2], $0x4, s30, s13, $0xb8;
	[tilespmem:$0xF000] =	vst v63  }
0xe8: {  	_ =	swait.ge [sflag:s10], $0x200  }
0xe9: {  	[sflag:s10] =	ssyncset.done $0x0  }
0xea: {  	[sflag:s10] =	ssyncadd.s32 $0xFFFFFE00  }
0xeb: {  	_ =	swait.ge [sflag:s29], $0x200  }
0xec: {  	[sflag:s29] =	ssyncset.done $0x0  }
0xed: {  	[sflag:s29] =	ssyncadd.s32 $0xFFFFFE00  }
0xee: {  	[spmem:s3] =	stream.indirect.scatter.add.f32 [tilespmem:s17], [sflag:$0x2], $0x4, s31, s13, $0xb8;
	[tilespmem:$0xF000] =	vst v63  }
0xef: {  	_ =	swait.ge [sflag:s10], $0x200  }
0xf0: {  	[sflag:s10] =	ssyncset.done $0x0  }
0xf1: {  	[sflag:s10] =	ssyncadd.s32 $0xFFFFFE00  }
0xf2: {  	_ =	swait.ge [sflag:s29], $0x200  }
0xf3: {  	[sflag:s29] =	ssyncset.done $0x0  }
0xf4: {  	[sflag:s29] =	ssyncadd.s32 $0xFFFFFE00  }
0xf5: {  	[spmem:s3] =	stream.indirect.scatter.add.f32 [tilespmem:s19], [sflag:$0x2], $0x4, s1, s13, $0xb8;
	[tilespmem:$0xF000] =	vst v63  }
0xf6: {  	_ =	swait.ge [sflag:s10], $0x200  }
0xf7: {  	[sflag:s10] =	ssyncset.done $0x0  }
0xf8: {  	[sflag:s10] =	ssyncadd.s32 $0xFFFFFE00  }
0xf9: {  	_ =	swait.ge [sflag:s29], $0x200  }
0xfa: {  	[sflag:s29] =	ssyncset.done $0x0  }
0xfb: {  	[sflag:s29] =	ssyncadd.s32 $0xFFFFFE00  }
0xfc: {  	[spmem:s3] =	stream.indirect.scatter.add.f32 [tilespmem:s21], [sflag:$0x2], $0x4, s0, s13, $0xb8;
	[tilespmem:$0xF000] =	vst v63  }
0xfd: {  	_ =	swait.ge [sflag:s10], $0x200  }
0xfe: {  	[sflag:s10] =	ssyncset.done $0x0  }
0xff: {  	[sflag:s10] =	ssyncadd.s32 $0xFFFFFE00  }
0x100: {  	_ =	swait.ge [sflag:s29], $0x200  }
0x101: {  	[sflag:s29] =	ssyncset.done $0x0  }
0x102: {  	[sflag:s29] =	ssyncadd.s32 $0xFFFFFE00  }
0x103: {  	[spmem:s3] =	stream.indirect.scatter.add.f32 [tilespmem:s23], [sflag:$0x2], $0x4, s2, s13, $0xb8;
	[tilespmem:$0xF000] =	vst v63  }
0x104: {  	_ =	swait.ge [sflag:s10], $0x200  }
0x105: {  	[sflag:s10] =	ssyncset.done $0x0  }
0x106: {  	[sflag:s10] =	ssyncadd.s32 $0xFFFFFE00  }
0x107: {  	_ =	swait.ge [sflag:s29], $0x200  }
0x108: {  	[sflag:s29] =	ssyncset.done $0x0  }
0x109: {  	[sflag:s29] =	ssyncadd.s32 $0xFFFFFE00  }
0x10a: {  	[spmem:s3] =	stream.indirect.scatter.add.f32 [tilespmem:s25], [sflag:$0x2], $0x4, s5, s13, $0xb8;
	[tilespmem:$0xF000] =	vst v63  }
0x10b: {  	_ =	swait.ge [sflag:s10], $0x200  }
0x10c: {  	[sflag:s10] =	ssyncset.done $0x0  }
0x10d: {  	[sflag:s10] =	ssyncadd.s32 $0xFFFFFE00  }
0x10e: {  	_ =	swait.ge [sflag:s29], $0x200  }
0x10f: {  	[sflag:s29] =	ssyncset.done $0x0  }
0x110: {  	[sflag:s29] =	ssyncadd.s32 $0xFFFFFE00  }
0x111: {  	[spmem:s3] =	stream.indirect.scatter.add.f32 [tilespmem:s28], [sflag:$0x2], $0x4, s7, s13, $0xb8;
	[tilespmem:$0xF000] =	vst v63  }
0x112: {  	_ =	swait.ge [sflag:s10], $0x200  }
0x113: {  	[sflag:s10] =	ssyncset.done $0x0  }
0x114: {  	[sflag:s10] =	ssyncadd.s32 $0xFFFFFE00  }
0x115: {  	[bflag:$0x0] =	sbarrier.arrive $0xFFFF  }
0x116: {  	s8 =	rddreg [dreg:$0x7]  }
0x117: {  	s9 =	rddreg [dreg:$0x8]  }
0x118: {  	s11 =	rddreg [dreg:$0xb]  }
0x119: {  	[hbm:s9], [sflag:s8] =	dma.local [spmem:s11], $0x1900  }
0x11a: {  	_ =	swait.ge [sflag:s10], $0x1900  }
0x11b: {  	s6 =	rddreg [dreg:$0xc]  }
0x11c: {  	s9 =	sadd.s32 $0x1, s6;
	s6 =	rddreg [dreg:$0x9]  }
0x11d: {  	p0 =	sne.s32 s9, s6  }
.Ltmp1:
0x11e: {  	_ = 	snop;
	(pc) =	sbr.rel @p0 .LBB2_1-.Ltmp1, $3  }
0x11f: {  	_ =	sdelay $0x1  }
0x120: {  	[sflag:s10] =	ssyncset.done $0x0  }
0x121: {  	[sflag:s10] =	ssyncadd.s32 $0xFFFFE700  }
0x122: {  	_ =	sfence.sel $0x180000  }
0x123: {  	[bflag:$0x0] =	sbarrier.arrive $0xFFFF  }
0x124: {  	_ =	strace $0x9000004A  }
0x125: {  	s0 =	stileid.u32;
	[bflag:$0x2] =	sbarrier.arrive $0xFFFF  }
0x126: {  	p0 =	sne.s32 s0, $0x0;
	s0 =	rddreg [dreg:$0x3]  }
0x127: {  	s0 =	sadd.s32 @!p0 $0x100000, s0  }
0x128: {  	[sflag:s0] =	ssyncadd.tile.s32 @!p0 $0x1;
	_ =	shalt  }
.Lfunc_end2:
_tile_overlayer_lowered:
.L_overlay_start_2:
0x129: {  	(tag) =	ssettag $0x2  }
0x12a: {  	s0 =	rddreg [dreg:$0x0];
	s2 =	stileid.u32  }
0x12b: {  	s1 =	rddreg [dreg:$0x1];
	p0 =	sne.s32 s2, $0x0  }
0x12c: {  	s3 =	rddreg [dreg:$0x2];
	[bflag:$0x3] =	sbarrier.arrive $0xFFFF;
	s2 =	simm.s32 @!p0 $0x1C02  }
0x12d: {  	[timem:s3], [sflag:s2] =	dma.local @!p0 [hbm:s0], s1  }
0x12e: {  	s0 =	simm.s32 @!p0 $0x2  }
0x12f: {  	_ =	swait.ge @!p0 [sflag:s0], s1  }
0x130: {  	s1 =	ssub.s32 @!p0 $0x0, s1;
	[sflag:s0] =	ssyncset.done @!p0 $0x0  }
0x131: {  	[sflag:s0] =	ssyncadd.s32 @!p0 s1  }
0x132: {  	[bflag:$0x3] =	sbarrier.arrive $0xFFFF  }
0x133: {  	_ =	shalt  }

</sc_bundles>
